<compile_context>
chip_gen: v7x
topology: tpu7x:2x2x1
jax: 0.10.2.dev20260603
libtpu: 0.0.44.dev20260713+nightly
codegen_flags: <defaults>
</compile_context>

<pallas_src>
import functools

import jax
import jax.numpy as jnp
from jax import lax
from jax.experimental import pallas as pl
from jax.experimental.pallas import tpu as pltpu
from jax.experimental.pallas import tpu_sc as plsc

N_NODES = 10000
N_EDGES = 320000
D_FEAT = 128

NUM_CORES = 2
NUM_SUBCORES = 16
NUM_WORKERS = NUM_CORES * NUM_SUBCORES
CHUNK = 128
NUM_GLOBAL_CHUNKS = N_EDGES // CHUNK
NUM_CHUNKS = NUM_GLOBAL_CHUNKS // NUM_WORKERS
NUM_EXTRA = NUM_GLOBAL_CHUNKS - NUM_CHUNKS * NUM_WORKERS
NBUF = 3
assert NUM_CHUNKS % NBUF == 0

ROWS_PER_TILE = 624
TAIL_START = ROWS_PER_TILE * NUM_SUBCORES
TAIL_ROWS = N_NODES - TAIL_START
ZERO_ROWS = 16


def _sc_partial_sums(x, edge_index):
    mesh = plsc.VectorSubcoreMesh(core_axis_name="c", subcore_axis_name="s")

    scratch = (
        [pltpu.VMEM((2, CHUNK), jnp.int32) for _ in range(NBUF)]
        + [pltpu.VMEM((CHUNK, D_FEAT), jnp.float32) for _ in range(NBUF)]
        + [pltpu.VMEM_SHARED((N_NODES, D_FEAT), jnp.float32)]
        + [pltpu.SemaphoreType.DMA] * (3 * NBUF + 1)
    )

    @functools.partial(
        pl.kernel,
        mesh=mesh,
        out_type=jax.ShapeDtypeStruct((NUM_CORES, N_NODES, D_FEAT), jnp.float32),
        scratch_types=scratch,
    )
    def k(x_hbm, ei_hbm, out_hbm, *refs):
        idxb = refs[0:NBUF]
        rowsb = refs[NBUF : 2 * NBUF]
        acc_sh = refs[2 * NBUF]
        sem_i = refs[2 * NBUF + 1 : 2 * NBUF + 1 + NBUF]
        sem_g = refs[2 * NBUF + 1 + NBUF : 2 * NBUF + 1 + 2 * NBUF]
        sem_s = refs[2 * NBUF + 1 + 2 * NBUF : 2 * NBUF + 1 + 3 * NBUF]
        sem_z = refs[2 * NBUF + 1 + 3 * NBUF]

        cid = lax.axis_index("c")
        sid = lax.axis_index("s")
        wid = cid * NUM_SUBCORES + sid

        zvec = jnp.zeros((16,), jnp.float32)
        zsrc = rowsb[NBUF - 1]
        for i in range(ZERO_ROWS):
            for j in range(D_FEAT // 16):
                zsrc[i, pl.ds(j * 16, 16)] = zvec
        row0 = sid * ROWS_PER_TILE
        nz = ROWS_PER_TILE // ZERO_ROWS

        def zdst(i):
            return acc_sh.at[pl.ds(row0 + i * ZERO_ROWS, ZERO_ROWS)]

        zsl = zsrc.at[pl.ds(0, ZERO_ROWS)]
        for i in range(nz):
            pltpu.async_copy(zsl, zdst(i), sem_z)

        @pl.when(sid == 0)
        def _zero_tail():
            pltpu.async_copy(zsl, acc_sh.at[pl.ds(TAIL_START, TAIL_ROWS)], sem_z)

        def idx_src(c):
            return ei_hbm.at[:, pl.ds((wid + NUM_WORKERS * c) * CHUNK, CHUNK)]

        def issue_idx(c, sl):
            pltpu.async_copy(idx_src(c), idxb[sl], sem_i[sl])

        def wait_idx(c, sl):
            pltpu.make_async_copy(idx_src(c), idxb[sl], sem_i[sl]).wait()

        def issue_gather(sl):
            pltpu.async_copy(x_hbm.at[idxb[sl].at[0]], rowsb[sl], sem_g[sl])

        def wait_gather(sl):
            pltpu.make_async_copy(
                x_hbm.at[idxb[sl].at[0]], rowsb[sl], sem_g[sl]
            ).wait()

        def issue_scatter(sl):
            pltpu.async_copy(
                rowsb[sl], acc_sh.at[idxb[sl].at[1]], sem_s[sl], add=True
            )

        def wait_scatter(sl):
            pltpu.make_async_copy(
                rowsb[sl], acc_sh.at[idxb[sl].at[1]], sem_s[sl]
            ).wait()

        def body(g, carry):
            for b in range(NBUF):
                i = g + b
                sl = b
                sl1 = (b - 1) % NBUF
                sl2 = (b - 2) % NBUF

                @pl.when(i >= NBUF)
                def _drain():
                    wait_scatter(sl)

                issue_idx(i, sl)

                @pl.when(i >= 1)
                def _gather():
                    wait_idx(i - 1, sl1)
                    issue_gather(sl1)

                @pl.when(i >= 2)
                def _scatter():
                    wait_gather(sl2)
                    issue_scatter(sl2)

            return carry

        issue_idx(0, 0)
        issue_idx(1, 1)
        issue_idx(2, 2)
        wait_idx(0, 0)
        issue_gather(0)
        wait_idx(1, 1)
        issue_gather(1)

        for i in range(nz):
            pltpu.make_async_copy(zsl, zdst(i), sem_z).wait()

        @pl.when(sid == 0)
        def _zero_tail_wait():
            pltpu.make_async_copy(
                zsl, acc_sh.at[pl.ds(TAIL_START, TAIL_ROWS)], sem_z
            ).wait()

        plsc.subcore_barrier()

        wait_gather(0)
        issue_scatter(0)

        lax.fori_loop(1, NUM_CHUNKS // NBUF, lambda g, c: body(g * NBUF, c), 0)

        last = NUM_CHUNKS - 1
        sl_last = last % NBUF
        sl_prev = (last - 1) % NBUF
        wait_idx(last, sl_last)
        issue_gather(sl_last)
        wait_gather(sl_prev)
        issue_scatter(sl_prev)
        wait_gather(sl_last)
        issue_scatter(sl_last)
        for j in range(NBUF):
            wait_scatter((last - j) % NBUF)

        @pl.when(wid < NUM_EXTRA)
        def _extra():
            xsrc = ei_hbm.at[
                :, pl.ds((NUM_CHUNKS * NUM_WORKERS + wid) * CHUNK, CHUNK)
            ]
            pltpu.sync_copy(xsrc, idxb[0])
            pltpu.async_copy(x_hbm.at[idxb[0].at[0]], rowsb[0], sem_g[0]).wait()
            pltpu.sync_copy(rowsb[0], acc_sh.at[idxb[0].at[1]], add=True)

        plsc.subcore_barrier()

        pltpu.sync_copy(
            acc_sh.at[pl.ds(row0, ROWS_PER_TILE)],
            out_hbm.at[cid, pl.ds(row0, ROWS_PER_TILE)],
        )

        @pl.when(sid == 0)
        def _write_tail():
            pltpu.sync_copy(
                acc_sh.at[pl.ds(TAIL_START, TAIL_ROWS)],
                out_hbm.at[cid, pl.ds(TAIL_START, TAIL_ROWS)],
            )

    return k(x, edge_index)


def _tc_add(partials):
    grid = 10
    rows = N_NODES // grid

    def add_kernel(a_ref, o_ref):
        o_ref[...] = a_ref[0] + a_ref[1]

    return pl.pallas_call(
        add_kernel,
        out_shape=jax.ShapeDtypeStruct((N_NODES, D_FEAT), jnp.float32),
        grid=(grid,),
        in_specs=[
            pl.BlockSpec((NUM_CORES, rows, D_FEAT), lambda i: (0, i, 0))
        ],
        out_specs=pl.BlockSpec((rows, D_FEAT), lambda i: (i, 0)),
    )(partials)


def kernel(x, edge_index):
    partials = _sc_partial_sums(x, edge_index)
    return _tc_add(partials)

# --- scband reference (transcript-rebuilt; emitter-appended) ---
"""Pipeline reference for scband-message-passing-26096221290960 (READ-ONLY COPY).

The authoritative reference and input builder live on the scoring server;
editing this copy changes nothing except your own understanding.
"""

import jax, jax.numpy as jnp
import numpy as np

N_NODES = 10000
N_EDGES = 320000
D_FEAT = 128


def setup_inputs(seed: int = 0) -> dict:
    key = jax.random.key(seed)
    k1, k2 = jax.random.split(key)
    x = jax.random.normal(k1, (N_NODES, D_FEAT), dtype=jnp.float32)
    edge_index = jax.random.randint(k2, (2, N_EDGES), 0, N_NODES, dtype=jnp.int32)
    return {"x": x, "edge_index": edge_index}


def reference(x, edge_index):
    # MessagePassing base with aggr='add', flow='source_to_target' and the
    # default sparse path: message(x_j) = x_j (gather from source nodes),
    # aggregate = scatter-add into target nodes.
    src = edge_index[0]
    dst = edge_index[1]
    msg = jnp.take(x, src, axis=0)  # gather: x_j per edge
    out = jax.ops.segment_sum(msg, dst, num_segments=x.shape[0])  # scatter-add
    return out

if __name__ == "__main__":
    import jax
    _d = setup_inputs()
    print(jax.jit(kernel)(*tuple(_d.values())))

</pallas_src>

<mosaic_0001>
#map = affine_map<(d0, d1) -> (0, 0)>
#map1 = affine_map<(d0, d1) -> (0, 0, 0)>
module attributes {stable_mosaic.version = 14 : i64} {
  func.func @k(%arg0: i32, %arg1: i32, %arg2: memref<10000x128xf32, #tpu.memory_space<hbm>>, %arg3: memref<2x320000xi32, #tpu.memory_space<hbm>>, %arg4: memref<2x10000x128xf32, #tpu.memory_space<hbm>>, %arg5: memref<2x128xi32, #tpu.memory_space<vmem>>, %arg6: memref<2x128xi32, #tpu.memory_space<vmem>>, %arg7: memref<2x128xi32, #tpu.memory_space<vmem>>, %arg8: memref<128x128xf32, #tpu.memory_space<vmem>>, %arg9: memref<128x128xf32, #tpu.memory_space<vmem>>, %arg10: memref<128x128xf32, #tpu.memory_space<vmem>>, %arg11: memref<10000x128xf32, #tpu.memory_space<vmem_shared>>, %arg12: memref<!tpu.dma_semaphore, #tpu.memory_space<semaphore_mem>>, %arg13: memref<!tpu.dma_semaphore, #tpu.memory_space<semaphore_mem>>, %arg14: memref<!tpu.dma_semaphore, #tpu.memory_space<semaphore_mem>>, %arg15: memref<!tpu.dma_semaphore, #tpu.memory_space<semaphore_mem>>, %arg16: memref<!tpu.dma_semaphore, #tpu.memory_space<semaphore_mem>>, %arg17: memref<!tpu.dma_semaphore, #tpu.memory_space<semaphore_mem>>, %arg18: memref<!tpu.dma_semaphore, #tpu.memory_space<semaphore_mem>>, %arg19: memref<!tpu.dma_semaphore, #tpu.memory_space<semaphore_mem>>, %arg20: memref<!tpu.dma_semaphore, #tpu.memory_space<semaphore_mem>>, %arg21: memref<!tpu.dma_semaphore, #tpu.memory_space<semaphore_mem>>) attributes {dimension_semantics = [#tpu.dimension_semantics<core_parallel>, #tpu.dimension_semantics<subcore_parallel>], iteration_bounds = array<i64: 2, 16>, scalar_prefetch = 0 : i64, scratch_operands = 17 : i64, tpu.core_type = #tpu.core_type<sc_vector_subcore>, window_params = [{transform_indices = #map}, {transform_indices = #map}, {transform_indices = #map1}]} {
    %mul3A = arith.constant 16 : i32
    %mul3A_0 = arith.muli %arg0, %mul3A : i32
    %add3A = arith.addi %mul3A_0, %arg1 : i32
    %broadcast_in_dim3A = arith.constant 0.000000e+00 : f32
    %broadcast_in_dim3A_1 = vector.broadcast %broadcast_in_dim3A : f32 to vector<16xf32>
    %swap3A = arith.constant 0 : i32
    %swap3A_2 = arith.index_cast %swap3A : i32 to index
    %swap3A_3 = arith.constant 0 : index
    %swap3A_4 = tpu.vector_load %arg10[%swap3A_2, %swap3A_3] {strides = array<i32>} : memref<128x128xf32, #tpu.memory_space<vmem>>, vector<1x16xf32>,
    %swap3A_5 = vector.shape_cast %swap3A_4 : vector<1x16xf32> to vector<16xf32>
    %swap3A_6 = vector.shape_cast %broadcast_in_dim3A_1 : vector<16xf32> to vector<1x16xf32>
    tpu.vector_store %arg10[%swap3A_2, %swap3A_3], %swap3A_6 {strides = array<i32>} : memref<128x128xf32, #tpu.memory_space<vmem>>, vector<1x16xf32>,
    %swap3A_7 = arith.constant 0 : i32
    %swap3A_8 = arith.index_cast %swap3A_7 : i32 to index
    %swap3A_9 = arith.constant 16 : index
    %swap3A_10 = tpu.vector_load %arg10[%swap3A_8, %swap3A_9] {strides = array<i32>} : memref<128x128xf32, #tpu.memory_space<vmem>>, vector<1x16xf32>,
    %swap3A_11 = vector.shape_cast %swap3A_10 : vector<1x16xf32> to vector<16xf32>
    %swap3A_12 = vector.shape_cast %broadcast_in_dim3A_1 : vector<16xf32> to vector<1x16xf32>
    tpu.vector_store %arg10[%swap3A_8, %swap3A_9], %swap3A_12 {strides = array<i32>} : memref<128x128xf32, #tpu.memory_space<vmem>>, vector<1x16xf32>,
    %swap3A_13 = arith.constant 0 : i32
    %swap3A_14 = arith.index_cast %swap3A_13 : i32 to index
    %swap3A_15 = arith.constant 32 : index
    %swap3A_16 = tpu.vector_load %arg10[%swap3A_14, %swap3A_15] {strides = array<i32>} : memref<128x128xf32, #tpu.memory_space<vmem>>, vector<1x16xf32>,
    %swap3A_17 = vector.shape_cast %swap3A_16 : vector<1x16xf32> to vector<16xf32>
    %swap3A_18 = vector.shape_cast %broadcast_in_dim3A_1 : vector<16xf32> to vector<1x16xf32>
    tpu.vector_store %arg10[%swap3A_14, %swap3A_15], %swap3A_18 {strides = array<i32>} : memref<128x128xf32, #tpu.memory_space<vmem>>, vector<1x16xf32>,
    %swap3A_19 = arith.constant 0 : i32
    %swap3A_20 = arith.index_cast %swap3A_19 : i32 to index
    %swap3A_21 = arith.constant 48 : index
    %swap3A_22 = tpu.vector_load %arg10[%swap3A_20, %swap3A_21] {strides = array<i32>} : memref<128x128xf32, #tpu.memory_space<vmem>>, vector<1x16xf32>,
    %swap3A_23 = vector.shape_cast %swap3A_22 : vector<1x16xf32> to vector<16xf32>
    %swap3A_24 = vector.shape_cast %broadcast_in_dim3A_1 : vector<16xf32> to vector<1x16xf32>
    tpu.vector_store %arg10[%swap3A_20, %swap3A_21], %swap3A_24 {strides = array<i32>} : memref<128x128xf32, #tpu.memory_space<vmem>>, vector<1x16xf32>,
    %swap3A_25 = arith.constant 0 : i32
    %swap3A_26 = arith.index_cast %swap3A_25 : i32 to index
    %swap3A_27 = arith.constant 64 : index
    %swap3A_28 = tpu.vector_load %arg10[%swap3A_26, %swap3A_27] {strides = array<i32>} : memref<128x128xf32, #tpu.memory_space<vmem>>, vector<1x16xf32>,
    %swap3A_29 = vector.shape_cast %swap3A_28 : vector<1x16xf32> to vector<16xf32>
    %swap3A_30 = vector.shape_cast %broadcast_in_dim3A_1 : vector<16xf32> to vector<1x16xf32>
    tpu.vector_store %arg10[%swap3A_26, %swap3A_27], %swap3A_30 {strides = array<i32>} : memref<128x128xf32, #tpu.memory_space<vmem>>, vector<1x16xf32>,
    %swap3A_31 = arith.constant 0 : i32
    %swap3A_32 = arith.index_cast %swap3A_31 : i32 to index
    %swap3A_33 = arith.constant 80 : index
    %swap3A_34 = tpu.vector_load %arg10[%swap3A_32, %swap3A_33] {strides = array<i32>} : memref<128x128xf32, #tpu.memory_space<vmem>>, vector<1x16xf32>,
    %swap3A_35 = vector.shape_cast %swap3A_34 : vector<1x16xf32> to vector<16xf32>
    %swap3A_36 = vector.shape_cast %broadcast_in_dim3A_1 : vector<16xf32> to vector<1x16xf32>
    tpu.vector_store %arg10[%swap3A_32, %swap3A_33], %swap3A_36 {strides = array<i32>} : memref<128x128xf32, #tpu.memory_space<vmem>>, vector<1x16xf32>,
    %swap3A_37 = arith.constant 0 : i32
    %swap3A_38 = arith.index_cast %swap3A_37 : i32 to index
    %swap3A_39 = arith.constant 96 : index
    %swap3A_40 = tpu.vector_load %arg10[%swap3A_38, %swap3A_39] {strides = array<i32>} : memref<128x128xf32, #tpu.memory_space<vmem>>, vector<1x16xf32>,
    %swap3A_41 = vector.shape_cast %swap3A_40 : vector<1x16xf32> to vector<16xf32>
    %swap3A_42 = vector.shape_cast %broadcast_in_dim3A_1 : vector<16xf32> to vector<1x16xf32>
    tpu.vector_store %arg10[%swap3A_38, %swap3A_39], %swap3A_42 {strides = array<i32>} : memref<128x128xf32, #tpu.memory_space<vmem>>, vector<1x16xf32>,
    %swap3A_43 = arith.constant 0 : i32
    %swap3A_44 = arith.index_cast %swap3A_43 : i32 to index
    %swap3A_45 = arith.constant 112 : index
    %swap3A_46 = tpu.vector_load %arg10[%swap3A_44, %swap3A_45] {strides = array<i32>} : memref<128x128xf32, #tpu.memory_space<vmem>>, vector<1x16xf32>,
    %swap3A_47 = vector.shape_cast %swap3A_46 : vector<1x16xf32> to vector<16xf32>
    %swap3A_48 = vector.shape_cast %broadcast_in_dim3A_1 : vector<16xf32> to vector<1x16xf32>
    tpu.vector_store %arg10[%swap3A_44, %swap3A_45], %swap3A_48 {strides = array<i32>} : memref<128x128xf32, #tpu.memory_space<vmem>>, vector<1x16xf32>,
    %swap3A_49 = arith.constant 1 : i32
    %swap3A_50 = arith.index_cast %swap3A_49 : i32 to index
    %swap3A_51 = arith.constant 0 : index
    %swap3A_52 = tpu.vector_load %arg10[%swap3A_50, %swap3A_51] {strides = array<i32>} : memref<128x128xf32, #tpu.memory_space<vmem>>, vector<1x16xf32>,
    %swap3A_53 = vector.shape_cast %swap3A_52 : vector<1x16xf32> to vector<16xf32>
    %swap3A_54 = vector.shape_cast %broadcast_in_dim3A_1 : vector<16xf32> to vector<1x16xf32>
    tpu.vector_store %arg10[%swap3A_50, %swap3A_51], %swap3A_54 {strides = array<i32>} : memref<128x128xf32, #tpu.memory_space<vmem>>, vector<1x16xf32>,
    %swap3A_55 = arith.constant 1 : i32
    %swap3A_56 = arith.index_cast %swap3A_55 : i32 to index
    %swap3A_57 = arith.constant 16 : index
    %swap3A_58 = tpu.vector_load %arg10[%swap3A_56, %swap3A_57] {strides = array<i32>} : memref<128x128xf32, #tpu.memory_space<vmem>>, vector<1x16xf32>,
    %swap3A_59 = vector.shape_cast %swap3A_58 : vector<1x16xf32> to vector<16xf32>
    %swap3A_60 = vector.shape_cast %broadcast_in_dim3A_1 : vector<16xf32> to vector<1x16xf32>
    tpu.vector_store %arg10[%swap3A_56, %swap3A_57], %swap3A_60 {strides = array<i32>} : memref<128x128xf32, #tpu.memory_space<vmem>>, vector<1x16xf32>,
    %swap3A_61 = arith.constant 1 : i32
    %swap3A_62 = arith.index_cast %swap3A_61 : i32 to index
    %swap3A_63 = arith.constant 32 : index
    %swap3A_64 = tpu.vector_load %arg10[%swap3A_62, %swap3A_63] {strides = array<i32>} : memref<128x128xf32, #tpu.memory_space<vmem>>, vector<1x16xf32>,
    %swap3A_65 = vector.shape_cast %swap3A_64 : vector<1x16xf32> to vector<16xf32>
    %swap3A_66 = vector.shape_cast %broadcast_in_dim3A_1 : vector<16xf32> to vector<1x16xf32>
    tpu.vector_store %arg10[%swap3A_62, %swap3A_63], %swap3A_66 {strides = array<i32>} : memref<128x128xf32, #tpu.memory_space<vmem>>, vector<1x16xf32>,
    %swap3A_67 = arith.constant 1 : i32
    %swap3A_68 = arith.index_cast %swap3A_67 : i32 to index
    %swap3A_69 = arith.constant 48 : index
    %swap3A_70 = tpu.vector_load %arg10[%swap3A_68, %swap3A_69] {strides = array<i32>} : memref<128x128xf32, #tpu.memory_space<vmem>>, vector<1x16xf32>,
    %swap3A_71 = vector.shape_cast %swap3A_70 : vector<1x16xf32> to vector<16xf32>
    %swap3A_72 = vector.shape_cast %broadcast_in_dim3A_1 : vector<16xf32> to vector<1x16xf32>
    tpu.vector_store %arg10[%swap3A_68, %swap3A_69], %swap3A_72 {strides = array<i32>} : memref<128x128xf32, #tpu.memory_space<vmem>>, vector<1x16xf32>,
    %swap3A_73 = arith.constant 1 : i32
    %swap3A_74 = arith.index_cast %swap3A_73 : i32 to index
    %swap3A_75 = arith.constant 64 : index
    %swap3A_76 = tpu.vector_load %arg10[%swap3A_74, %swap3A_75] {strides = array<i32>} : memref<128x128xf32, #tpu.memory_space<vmem>>, vector<1x16xf32>,
    %swap3A_77 = vector.shape_cast %swap3A_76 : vector<1x16xf32> to vector<16xf32>
    %swap3A_78 = vector.shape_cast %broadcast_in_dim3A_1 : vector<16xf32> to vector<1x16xf32>
    tpu.vector_store %arg10[%swap3A_74, %swap3A_75], %swap3A_78 {strides = array<i32>} : memref<128x128xf32, #tpu.memory_space<vmem>>, vector<1x16xf32>,
    %swap3A_79 = arith.constant 1 : i32
    %swap3A_80 = arith.index_cast %swap3A_79 : i32 to index
    %swap3A_81 = arith.constant 80 : index
    %swap3A_82 = tpu.vector_load %arg10[%swap3A_80, %swap3A_81] {strides = array<i32>} : memref<128x128xf32, #tpu.memory_space<vmem>>, vector<1x16xf32>,
    %swap3A_83 = vector.shape_cast %swap3A_82 : vector<1x16xf32> to vector<16xf32>
    %swap3A_84 = vector.shape_cast %broadcast_in_dim3A_1 : vector<16xf32> to vector<1x16xf32>
    tpu.vector_store %arg10[%swap3A_80, %swap3A_81], %swap3A_84 {strides = array<i32>} : memref<128x128xf32, #tpu.memory_space<vmem>>, vector<1x16xf32>,
    %swap3A_85 = arith.constant 1 : i32
    %swap3A_86 = arith.index_cast %swap3A_85 : i32 to index
    %swap3A_87 = arith.constant 96 : index
    %swap3A_88 = tpu.vector_load %arg10[%swap3A_86, %swap3A_87] {strides = array<i32>} : memref<128x128xf32, #tpu.memory_space<vmem>>, vector<1x16xf32>,
    %swap3A_89 = vector.shape_cast %swap3A_88 : vector<1x16xf32> to vector<16xf32>
    %swap3A_90 = vector.shape_cast %broadcast_in_dim3A_1 : vector<16xf32> to vector<1x16xf32>
    tpu.vector_store %arg10[%swap3A_86, %swap3A_87], %swap3A_90 {strides = array<i32>} : memref<128x128xf32, #tpu.memory_space<vmem>>, vector<1x16xf32>,
    %swap3A_91 = arith.constant 1 : i32
    %swap3A_92 = arith.index_cast %swap3A_91 : i32 to index
    %swap3A_93 = arith.constant 112 : index
    %swap3A_94 = tpu.vector_load %arg10[%swap3A_92, %swap3A_93] {strides = array<i32>} : memref<128x128xf32, #tpu.memory_space<vmem>>, vector<1x16xf32>,
    %swap3A_95 = vector.shape_cast %swap3A_94 : vector<1x16xf32> to vector<16xf32>
    %swap3A_96 = vector.shape_cast %broadcast_in_dim3A_1 : vector<16xf32> to vector<1x16xf32>
    tpu.vector_store %arg10[%swap3A_92, %swap3A_93], %swap3A_96 {strides = array<i32>} : memref<128x128xf32, #tpu.memory_space<vmem>>, vector<1x16xf32>,
    %swap3A_97 = arith.constant 2 : i32
    %swap3A_98 = arith.index_cast %swap3A_97 : i32 to index
    %swap3A_99 = arith.constant 0 : index
    %swap3A_100 = tpu.vector_load %arg10[%swap3A_98, %swap3A_99] {strides = array<i32>} : memref<128x128xf32, #tpu.memory_space<vmem>>, vector<1x16xf32>,
    %swap3A_101 = vector.shape_cast %swap3A_100 : vector<1x16xf32> to vector<16xf32>
    %swap3A_102 = vector.shape_cast %broadcast_in_dim3A_1 : vector<16xf32> to vector<1x16xf32>
    tpu.vector_store %arg10[%swap3A_98, %swap3A_99], %swap3A_102 {strides = array<i32>} : memref<128x128xf32, #tpu.memory_space<vmem>>, vector<1x16xf32>,
    %swap3A_103 = arith.constant 2 : i32
    %swap3A_104 = arith.index_cast %swap3A_103 : i32 to index
    %swap3A_105 = arith.constant 16 : index
    %swap3A_106 = tpu.vector_load %arg10[%swap3A_104, %swap3A_105] {strides = array<i32>} : memref<128x128xf32, #tpu.memory_space<vmem>>, vector<1x16xf32>,
    %swap3A_107 = vector.shape_cast %swap3A_106 : vector<1x16xf32> to vector<16xf32>
    %swap3A_108 = vector.shape_cast %broadcast_in_dim3A_1 : vector<16xf32> to vector<1x16xf32>
    tpu.vector_store %arg10[%swap3A_104, %swap3A_105], %swap3A_108 {strides = array<i32>} : memref<128x128xf32, #tpu.memory_space<vmem>>, vector<1x16xf32>,
    %swap3A_109 = arith.constant 2 : i32
    %swap3A_110 = arith.index_cast %swap3A_109 : i32 to index
    %swap3A_111 = arith.constant 32 : index
    %swap3A_112 = tpu.vector_load %arg10[%swap3A_110, %swap3A_111] {strides = array<i32>} : memref<128x128xf32, #tpu.memory_space<vmem>>, vector<1x16xf32>,
    %swap3A_113 = vector.shape_cast %swap3A_112 : vector<1x16xf32> to vector<16xf32>
    %swap3A_114 = vector.shape_cast %broadcast_in_dim3A_1 : vector<16xf32> to vector<1x16xf32>
    tpu.vector_store %arg10[%swap3A_110, %swap3A_111], %swap3A_114 {strides = array<i32>} : memref<128x128xf32, #tpu.memory_space<vmem>>, vector<1x16xf32>,
    %swap3A_115 = arith.constant 2 : i32
    %swap3A_116 = arith.index_cast %swap3A_115 : i32 to index
    %swap3A_117 = arith.constant 48 : index
    %swap3A_118 = tpu.vector_load %arg10[%swap3A_116, %swap3A_117] {strides = array<i32>} : memref<128x128xf32, #tpu.memory_space<vmem>>, vector<1x16xf32>,
    %swap3A_119 = vector.shape_cast %swap3A_118 : vector<1x16xf32> to vector<16xf32>
    %swap3A_120 = vector.shape_cast %broadcast_in_dim3A_1 : vector<16xf32> to vector<1x16xf32>
    tpu.vector_store %arg10[%swap3A_116, %swap3A_117], %swap3A_120 {strides = array<i32>} : memref<128x128xf32, #tpu.memory_space<vmem>>, vector<1x16xf32>,
    %swap3A_121 = arith.constant 2 : i32
    %swap3A_122 = arith.index_cast %swap3A_121 : i32 to index
    %swap3A_123 = arith.constant 64 : index
    %swap3A_124 = tpu.vector_load %arg10[%swap3A_122, %swap3A_123] {strides = array<i32>} : memref<128x128xf32, #tpu.memory_space<vmem>>, vector<1x16xf32>,
    %swap3A_125 = vector.shape_cast %swap3A_124 : vector<1x16xf32> to vector<16xf32>
    %swap3A_126 = vector.shape_cast %broadcast_in_dim3A_1 : vector<16xf32> to vector<1x16xf32>
    tpu.vector_store %arg10[%swap3A_122, %swap3A_123], %swap3A_126 {strides = array<i32>} : memref<128x128xf32, #tpu.memory_space<vmem>>, vector<1x16xf32>,
    %swap3A_127 = arith.constant 2 : i32
    %swap3A_128 = arith.index_cast %swap3A_127 : i32 to index
    %swap3A_129 = arith.constant 80 : index
    %swap3A_130 = tpu.vector_load %arg10[%swap3A_128, %swap3A_129] {strides = array<i32>} : memref<128x128xf32, #tpu.memory_space<vmem>>, vector<1x16xf32>,
    %swap3A_131 = vector.shape_cast %swap3A_130 : vector<1x16xf32> to vector<16xf32>
    %swap3A_132 = vector.shape_cast %broadcast_in_dim3A_1 : vector<16xf32> to vector<1x16xf32>
    tpu.vector_store %arg10[%swap3A_128, %swap3A_129], %swap3A_132 {strides = array<i32>} : memref<128x128xf32, #tpu.memory_space<vmem>>, vector<1x16xf32>,
    %swap3A_133 = arith.constant 2 : i32
    %swap3A_134 = arith.index_cast %swap3A_133 : i32 to index
    %swap3A_135 = arith.constant 96 : index
    %swap3A_136 = tpu.vector_load %arg10[%swap3A_134, %swap3A_135] {strides = array<i32>} : memref<128x128xf32, #tpu.memory_space<vmem>>, vector<1x16xf32>,
    %swap3A_137 = vector.shape_cast %swap3A_136 : vector<1x16xf32> to vector<16xf32>
    %swap3A_138 = vector.shape_cast %broadcast_in_dim3A_1 : vector<16xf32> to vector<1x16xf32>
    tpu.vector_store %arg10[%swap3A_134, %swap3A_135], %swap3A_138 {strides = array<i32>} : memref<128x128xf32, #tpu.memory_space<vmem>>, vector<1x16xf32>,
    %swap3A_139 = arith.constant 2 : i32
    %swap3A_140 = arith.index_cast %swap3A_139 : i32 to index
    %swap3A_141 = arith.constant 112 : index
    %swap3A_142 = tpu.vector_load %arg10[%swap3A_140, %swap3A_141] {strides = array<i32>} : memref<128x128xf32, #tpu.memory_space<vmem>>, vector<1x16xf32>,
    %swap3A_143 = vector.shape_cast %swap3A_142 : vector<1x16xf32> to vector<16xf32>
    %swap3A_144 = vector.shape_cast %broadcast_in_dim3A_1 : vector<16xf32> to vector<1x16xf32>
    tpu.vector_store %arg10[%swap3A_140, %swap3A_141], %swap3A_144 {strides = array<i32>} : memref<128x128xf32, #tpu.memory_space<vmem>>, vector<1x16xf32>,
    %swap3A_145 = arith.constant 3 : i32
    %swap3A_146 = arith.index_cast %swap3A_145 : i32 to index
    %swap3A_147 = arith.constant 0 : index
    %swap3A_148 = tpu.vector_load %arg10[%swap3A_146, %swap3A_147] {strides = array<i32>} : memref<128x128xf32, #tpu.memory_space<vmem>>, vector<1x16xf32>,
    %swap3A_149 = vector.shape_cast %swap3A_148 : vector<1x16xf32> to vector<16xf32>
    %swap3A_150 = vector.shape_cast %broadcast_in_dim3A_1 : vector<16xf32> to vector<1x16xf32>
    tpu.vector_store %arg10[%swap3A_146, %swap3A_147], %swap3A_150 {strides = array<i32>} : memref<128x128xf32, #tpu.memory_space<vmem>>, vector<1x16xf32>,
    %swap3A_151 = arith.constant 3 : i32
    %swap3A_152 = arith.index_cast %swap3A_151 : i32 to index
    %swap3A_153 = arith.constant 16 : index
    %swap3A_154 = tpu.vector_load %arg10[%swap3A_152, %swap3A_153] {strides = array<i32>} : memref<128x128xf32, #tpu.memory_space<vmem>>, vector<1x16xf32>,
    %swap3A_155 = vector.shape_cast %swap3A_154 : vector<1x16xf32> to vector<16xf32>
    %swap3A_156 = vector.shape_cast %broadcast_in_dim3A_1 : vector<16xf32> to vector<1x16xf32>
    tpu.vector_store %arg10[%swap3A_152, %swap3A_153], %swap3A_156 {strides = array<i32>} : memref<128x128xf32, #tpu.memory_space<vmem>>, vector<1x16xf32>,
    %swap3A_157 = arith.constant 3 : i32
    %swap3A_158 = arith.index_cast %swap3A_157 : i32 to index
    %swap3A_159 = arith.constant 32 : index
    %swap3A_160 = tpu.vector_load %arg10[%swap3A_158, %swap3A_159] {strides = array<i32>} : memref<128x128xf32, #tpu.memory_space<vmem>>, vector<1x16xf32>,
    %swap3A_161 = vector.shape_cast %swap3A_160 : vector<1x16xf32> to vector<16xf32>
    %swap3A_162 = vector.shape_cast %broadcast_in_dim3A_1 : vector<16xf32> to vector<1x16xf32>
    tpu.vector_store %arg10[%swap3A_158, %swap3A_159], %swap3A_162 {strides = array<i32>} : memref<128x128xf32, #tpu.memory_space<vmem>>, vector<1x16xf32>,
    %swap3A_163 = arith.constant 3 : i32
    %swap3A_164 = arith.index_cast %swap3A_163 : i32 to index
    %swap3A_165 = arith.constant 48 : index
    %swap3A_166 = tpu.vector_load %arg10[%swap3A_164, %swap3A_165] {strides = array<i32>} : memref<128x128xf32, #tpu.memory_space<vmem>>, vector<1x16xf32>,
    %swap3A_167 = vector.shape_cast %swap3A_166 : vector<1x16xf32> to vector<16xf32>
    %swap3A_168 = vector.shape_cast %broadcast_in_dim3A_1 : vector<16xf32> to vector<1x16xf32>
    tpu.vector_store %arg10[%swap3A_164, %swap3A_165], %swap3A_168 {strides = array<i32>} : memref<128x128xf32, #tpu.memory_space<vmem>>, vector<1x16xf32>,
    %swap3A_169 = arith.constant 3 : i32
    %swap3A_170 = arith.index_cast %swap3A_169 : i32 to index
    %swap3A_171 = arith.constant 64 : index
    %swap3A_172 = tpu.vector_load %arg10[%swap3A_170, %swap3A_171] {strides = array<i32>} : memref<128x128xf32, #tpu.memory_space<vmem>>, vector<1x16xf32>,
    %swap3A_173 = vector.shape_cast %swap3A_172 : vector<1x16xf32> to vector<16xf32>
    %swap3A_174 = vector.shape_cast %broadcast_in_dim3A_1 : vector<16xf32> to vector<1x16xf32>
    tpu.vector_store %arg10[%swap3A_170, %swap3A_171], %swap3A_174 {strides = array<i32>} : memref<128x128xf32, #tpu.memory_space<vmem>>, vector<1x16xf32>,
    %swap3A_175 = arith.constant 3 : i32
    %swap3A_176 = arith.index_cast %swap3A_175 : i32 to index
    %swap3A_177 = arith.constant 80 : index
    %swap3A_178 = tpu.vector_load %arg10[%swap3A_176, %swap3A_177] {strides = array<i32>} : memref<128x128xf32, #tpu.memory_space<vmem>>, vector<1x16xf32>,
    %swap3A_179 = vector.shape_cast %swap3A_178 : vector<1x16xf32> to vector<16xf32>
    %swap3A_180 = vector.shape_cast %broadcast_in_dim3A_1 : vector<16xf32> to vector<1x16xf32>
    tpu.vector_store %arg10[%swap3A_176, %swap3A_177], %swap3A_180 {strides = array<i32>} : memref<128x128xf32, #tpu.memory_space<vmem>>, vector<1x16xf32>,
    %swap3A_181 = arith.constant 3 : i32
    %swap3A_182 = arith.index_cast %swap3A_181 : i32 to index
    %swap3A_183 = arith.constant 96 : index
    %swap3A_184 = tpu.vector_load %arg10[%swap3A_182, %swap3A_183] {strides = array<i32>} : memref<128x128xf32, #tpu.memory_space<vmem>>, vector<1x16xf32>,
    %swap3A_185 = vector.shape_cast %swap3A_184 : vector<1x16xf32> to vector<16xf32>
    %swap3A_186 = vector.shape_cast %broadcast_in_dim3A_1 : vector<16xf32> to vector<1x16xf32>
    tpu.vector_store %arg10[%swap3A_182, %swap3A_183], %swap3A_186 {strides = array<i32>} : memref<128x128xf32, #tpu.memory_space<vmem>>, vector<1x16xf32>,
    %swap3A_187 = arith.constant 3 : i32
    %swap3A_188 = arith.index_cast %swap3A_187 : i32 to index
    %swap3A_189 = arith.constant 112 : index
    %swap3A_190 = tpu.vector_load %arg10[%swap3A_188, %swap3A_189] {strides = array<i32>} : memref<128x128xf32, #tpu.memory_space<vmem>>, vector<1x16xf32>,
    %swap3A_191 = vector.shape_cast %swap3A_190 : vector<1x16xf32> to vector<16xf32>
    %swap3A_192 = vector.shape_cast %broadcast_in_dim3A_1 : vector<16xf32> to vector<1x16xf32>
    tpu.vector_store %arg10[%swap3A_188, %swap3A_189], %swap3A_192 {strides = array<i32>} : memref<128x128xf32, #tpu.memory_space<vmem>>, vector<1x16xf32>,
    %swap3A_193 = arith.constant 4 : i32
    %swap3A_194 = arith.index_cast %swap3A_193 : i32 to index
    %swap3A_195 = arith.constant 0 : index
    %swap3A_196 = tpu.vector_load %arg10[%swap3A_194, %swap3A_195] {strides = array<i32>} : memref<128x128xf32, #tpu.memory_space<vmem>>, vector<1x16xf32>,
    %swap3A_197 = vector.shape_cast %swap3A_196 : vector<1x16xf32> to vector<16xf32>
    %swap3A_198 = vector.shape_cast %broadcast_in_dim3A_1 : vector<16xf32> to vector<1x16xf32>
    tpu.vector_store %arg10[%swap3A_194, %swap3A_195], %swap3A_198 {strides = array<i32>} : memref<128x128xf32, #tpu.memory_space<vmem>>, vector<1x16xf32>,
    %swap3A_199 = arith.constant 4 : i32
    %swap3A_200 = arith.index_cast %swap3A_199 : i32 to index
    %swap3A_201 = arith.constant 16 : index
    %swap3A_202 = tpu.vector_load %arg10[%swap3A_200, %swap3A_201] {strides = array<i32>} : memref<128x128xf32, #tpu.memory_space<vmem>>, vector<1x16xf32>,
    %swap3A_203 = vector.shape_cast %swap3A_202 : vector<1x16xf32> to vector<16xf32>
    %swap3A_204 = vector.shape_cast %broadcast_in_dim3A_1 : vector<16xf32> to vector<1x16xf32>
    tpu.vector_store %arg10[%swap3A_200, %swap3A_201], %swap3A_204 {strides = array<i32>} : memref<128x128xf32, #tpu.memory_space<vmem>>, vector<1x16xf32>,
    %swap3A_205 = arith.constant 4 : i32
    %swap3A_206 = arith.index_cast %swap3A_205 : i32 to index
    %swap3A_207 = arith.constant 32 : index
    %swap3A_208 = tpu.vector_load %arg10[%swap3A_206, %swap3A_207] {strides = array<i32>} : memref<128x128xf32, #tpu.memory_space<vmem>>, vector<1x16xf32>,
    %swap3A_209 = vector.shape_cast %swap3A_208 : vector<1x16xf32> to vector<16xf32>
    %swap3A_210 = vector.shape_cast %broadcast_in_dim3A_1 : vector<16xf32> to vector<1x16xf32>
    tpu.vector_store %arg10[%swap3A_206, %swap3A_207], %swap3A_210 {strides = array<i32>} : memref<128x128xf32, #tpu.memory_space<vmem>>, vector<1x16xf32>,
    %swap3A_211 = arith.constant 4 : i32
    %swap3A_212 = arith.index_cast %swap3A_211 : i32 to index
    %swap3A_213 = arith.constant 48 : index
    %swap3A_214 = tpu.vector_load %arg10[%swap3A_212, %swap3A_213] {strides = array<i32>} : memref<128x128xf32, #tpu.memory_space<vmem>>, vector<1x16xf32>,
    %swap3A_215 = vector.shape_cast %swap3A_214 : vector<1x16xf32> to vector<16xf32>
    %swap3A_216 = vector.shape_cast %broadcast_in_dim3A_1 : vector<16xf32> to vector<1x16xf32>
    tpu.vector_store %arg10[%swap3A_212, %swap3A_213], %swap3A_216 {strides = array<i32>} : memref<128x128xf32, #tpu.memory_space<vmem>>, vector<1x16xf32>,
    %swap3A_217 = arith.constant 4 : i32
    %swap3A_218 = arith.index_cast %swap3A_217 : i32 to index
    %swap3A_219 = arith.constant 64 : index
    %swap3A_220 = tpu.vector_load %arg10[%swap3A_218, %swap3A_219] {strides = array<i32>} : memref<128x128xf32, #tpu.memory_space<vmem>>, vector<1x16xf32>,
    %swap3A_221 = vector.shape_cast %swap3A_220 : vector<1x16xf32> to vector<16xf32>
    %swap3A_222 = vector.shape_cast %broadcast_in_dim3A_1 : vector<16xf32> to vector<1x16xf32>
    tpu.vector_store %arg10[%swap3A_218, %swap3A_219], %swap3A_222 {strides = array<i32>} : memref<128x128xf32, #tpu.memory_space<vmem>>, vector<1x16xf32>,
    %swap3A_223 = arith.constant 4 : i32
    %swap3A_224 = arith.index_cast %swap3A_223 : i32 to index
    %swap3A_225 = arith.constant 80 : index
    %swap3A_226 = tpu.vector_load %arg10[%swap3A_224, %swap3A_225] {strides = array<i32>} : memref<128x128xf32, #tpu.memory_space<vmem>>, vector<1x16xf32>,
    %swap3A_227 = vector.shape_cast %swap3A_226 : vector<1x16xf32> to vector<16xf32>
    %swap3A_228 = vector.shape_cast %broadcast_in_dim3A_1 : vector<16xf32> to vector<1x16xf32>
    tpu.vector_store %arg10[%swap3A_224, %swap3A_225], %swap3A_228 {strides = array<i32>} : memref<128x128xf32, #tpu.memory_space<vmem>>, vector<1x16xf32>,
    %swap3A_229 = arith.constant 4 : i32
    %swap3A_230 = arith.index_cast %swap3A_229 : i32 to index
    %swap3A_231 = arith.constant 96 : index
    %swap3A_232 = tpu.vector_load %arg10[%swap3A_230, %swap3A_231] {strides = array<i32>} : memref<128x128xf32, #tpu.memory_space<vmem>>, vector<1x16xf32>,
    %swap3A_233 = vector.shape_cast %swap3A_232 : vector<1x16xf32> to vector<16xf32>
    %swap3A_234 = vector.shape_cast %broadcast_in_dim3A_1 : vector<16xf32> to vector<1x16xf32>
    tpu.vector_store %arg10[%swap3A_230, %swap3A_231], %swap3A_234 {strides = array<i32>} : memref<128x128xf32, #tpu.memory_space<vmem>>, vector<1x16xf32>,
    %swap3A_235 = arith.constant 4 : i32
    %swap3A_236 = arith.index_cast %swap3A_235 : i32 to index
    %swap3A_237 = arith.constant 112 : index
    %swap3A_238 = tpu.vector_load %arg10[%swap3A_236, %swap3A_237] {strides = array<i32>} : memref<128x128xf32, #tpu.memory_space<vmem>>, vector<1x16xf32>,
    %swap3A_239 = vector.shape_cast %swap3A_238 : vector<1x16xf32> to vector<16xf32>
    %swap3A_240 = vector.shape_cast %broadcast_in_dim3A_1 : vector<16xf32> to vector<1x16xf32>
    tpu.vector_store %arg10[%swap3A_236, %swap3A_237], %swap3A_240 {strides = array<i32>} : memref<128x128xf32, #tpu.memory_space<vmem>>, vector<1x16xf32>,
    %swap3A_241 = arith.constant 5 : i32
    %swap3A_242 = arith.index_cast %swap3A_241 : i32 to index
    %swap3A_243 = arith.constant 0 : index
    %swap3A_244 = tpu.vector_load %arg10[%swap3A_242, %swap3A_243] {strides = array<i32>} : memref<128x128xf32, #tpu.memory_space<vmem>>, vector<1x16xf32>,
    %swap3A_245 = vector.shape_cast %swap3A_244 : vector<1x16xf32> to vector<16xf32>
    %swap3A_246 = vector.shape_cast %broadcast_in_dim3A_1 : vector<16xf32> to vector<1x16xf32>
    tpu.vector_store %arg10[%swap3A_242, %swap3A_243], %swap3A_246 {strides = array<i32>} : memref<128x128xf32, #tpu.memory_space<vmem>>, vector<1x16xf32>,
    %swap3A_247 = arith.constant 5 : i32
    %swap3A_248 = arith.index_cast %swap3A_247 : i32 to index
    %swap3A_249 = arith.constant 16 : index
    %swap3A_250 = tpu.vector_load %arg10[%swap3A_248, %swap3A_249] {strides = array<i32>} : memref<128x128xf32, #tpu.memory_space<vmem>>, vector<1x16xf32>,
    %swap3A_251 = vector.shape_cast %swap3A_250 : vector<1x16xf32> to vector<16xf32>
    %swap3A_252 = vector.shape_cast %broadcast_in_dim3A_1 : vector<16xf32> to vector<1x16xf32>
    tpu.vector_store %arg10[%swap3A_248, %swap3A_249], %swap3A_252 {strides = array<i32>} : memref<128x128xf32, #tpu.memory_space<vmem>>, vector<1x16xf32>,
    %swap3A_253 = arith.constant 5 : i32
    %swap3A_254 = arith.index_cast %swap3A_253 : i32 to index
    %swap3A_255 = arith.constant 32 : index
    %swap3A_256 = tpu.vector_load %arg10[%swap3A_254, %swap3A_255] {strides = array<i32>} : memref<128x128xf32, #tpu.memory_space<vmem>>, vector<1x16xf32>,
    %swap3A_257 = vector.shape_cast %swap3A_256 : vector<1x16xf32> to vector<16xf32>
    %swap3A_258 = vector.shape_cast %broadcast_in_dim3A_1 : vector<16xf32> to vector<1x16xf32>
    tpu.vector_store %arg10[%swap3A_254, %swap3A_255], %swap3A_258 {strides = array<i32>} : memref<128x128xf32, #tpu.memory_space<vmem>>, vector<1x16xf32>,
    %swap3A_259 = arith.constant 5 : i32
    %swap3A_260 = arith.index_cast %swap3A_259 : i32 to index
    %swap3A_261 = arith.constant 48 : index
    %swap3A_262 = tpu.vector_load %arg10[%swap3A_260, %swap3A_261] {strides = array<i32>} : memref<128x128xf32, #tpu.memory_space<vmem>>, vector<1x16xf32>,
    %swap3A_263 = vector.shape_cast %swap3A_262 : vector<1x16xf32> to vector<16xf32>
    %swap3A_264 = vector.shape_cast %broadcast_in_dim3A_1 : vector<16xf32> to vector<1x16xf32>
    tpu.vector_store %arg10[%swap3A_260, %swap3A_261], %swap3A_264 {strides = array<i32>} : memref<128x128xf32, #tpu.memory_space<vmem>>, vector<1x16xf32>,
    %swap3A_265 = arith.constant 5 : i32
    %swap3A_266 = arith.index_cast %swap3A_265 : i32 to index
    %swap3A_267 = arith.constant 64 : index
    %swap3A_268 = tpu.vector_load %arg10[%swap3A_266, %swap3A_267] {strides = array<i32>} : memref<128x128xf32, #tpu.memory_space<vmem>>, vector<1x16xf32>,
    %swap3A_269 = vector.shape_cast %swap3A_268 : vector<1x16xf32> to vector<16xf32>
    %swap3A_270 = vector.shape_cast %broadcast_in_dim3A_1 : vector<16xf32> to vector<1x16xf32>
    tpu.vector_store %arg10[%swap3A_266, %swap3A_267], %swap3A_270 {strides = array<i32>} : memref<128x128xf32, #tpu.memory_space<vmem>>, vector<1x16xf32>,
    %swap3A_271 = arith.constant 5 : i32
    %swap3A_272 = arith.index_cast %swap3A_271 : i32 to index
    %swap3A_273 = arith.constant 80 : index
    %swap3A_274 = tpu.vector_load %arg10[%swap3A_272, %swap3A_273] {strides = array<i32>} : memref<128x128xf32, #tpu.memory_space<vmem>>, vector<1x16xf32>,
    %swap3A_275 = vector.shape_cast %swap3A_274 : vector<1x16xf32> to vector<16xf32>
    %swap3A_276 = vector.shape_cast %broadcast_in_dim3A_1 : vector<16xf32> to vector<1x16xf32>
    tpu.vector_store %arg10[%swap3A_272, %swap3A_273], %swap3A_276 {strides = array<i32>} : memref<128x128xf32, #tpu.memory_space<vmem>>, vector<1x16xf32>,
    %swap3A_277 = arith.constant 5 : i32
    %swap3A_278 = arith.index_cast %swap3A_277 : i32 to index
    %swap3A_279 = arith.constant 96 : index
    %swap3A_280 = tpu.vector_load %arg10[%swap3A_278, %swap3A_279] {strides = array<i32>} : memref<128x128xf32, #tpu.memory_space<vmem>>, vector<1x16xf32>,
    %swap3A_281 = vector.shape_cast %swap3A_280 : vector<1x16xf32> to vector<16xf32>
    %swap3A_282 = vector.shape_cast %broadcast_in_dim3A_1 : vector<16xf32> to vector<1x16xf32>
    tpu.vector_store %arg10[%swap3A_278, %swap3A_279], %swap3A_282 {strides = array<i32>} : memref<128x128xf32, #tpu.memory_space<vmem>>, vector<1x16xf32>,
    %swap3A_283 = arith.constant 5 : i32
    %swap3A_284 = arith.index_cast %swap3A_283 : i32 to index
    %swap3A_285 = arith.constant 112 : index
    %swap3A_286 = tpu.vector_load %arg10[%swap3A_284, %swap3A_285] {strides = array<i32>} : memref<128x128xf32, #tpu.memory_space<vmem>>, vector<1x16xf32>,
    %swap3A_287 = vector.shape_cast %swap3A_286 : vector<1x16xf32> to vector<16xf32>
    %swap3A_288 = vector.shape_cast %broadcast_in_dim3A_1 : vector<16xf32> to vector<1x16xf32>
    tpu.vector_store %arg10[%swap3A_284, %swap3A_285], %swap3A_288 {strides = array<i32>} : memref<128x128xf32, #tpu.memory_space<vmem>>, vector<1x16xf32>,
    %swap3A_289 = arith.constant 6 : i32
    %swap3A_290 = arith.index_cast %swap3A_289 : i32 to index
    %swap3A_291 = arith.constant 0 : index
    %swap3A_292 = tpu.vector_load %arg10[%swap3A_290, %swap3A_291] {strides = array<i32>} : memref<128x128xf32, #tpu.memory_space<vmem>>, vector<1x16xf32>,
    %swap3A_293 = vector.shape_cast %swap3A_292 : vector<1x16xf32> to vector<16xf32>
    %swap3A_294 = vector.shape_cast %broadcast_in_dim3A_1 : vector<16xf32> to vector<1x16xf32>
    tpu.vector_store %arg10[%swap3A_290, %swap3A_291], %swap3A_294 {strides = array<i32>} : memref<128x128xf32, #tpu.memory_space<vmem>>, vector<1x16xf32>,
    %swap3A_295 = arith.constant 6 : i32
    %swap3A_296 = arith.index_cast %swap3A_295 : i32 to index
    %swap3A_297 = arith.constant 16 : index
    %swap3A_298 = tpu.vector_load %arg10[%swap3A_296, %swap3A_297] {strides = array<i32>} : memref<128x128xf32, #tpu.memory_space<vmem>>, vector<1x16xf32>,
    %swap3A_299 = vector.shape_cast %swap3A_298 : vector<1x16xf32> to vector<16xf32>
    %swap3A_300 = vector.shape_cast %broadcast_in_dim3A_1 : vector<16xf32> to vector<1x16xf32>
    tpu.vector_store %arg10[%swap3A_296, %swap3A_297], %swap3A_300 {strides = array<i32>} : memref<128x128xf32, #tpu.memory_space<vmem>>, vector<1x16xf32>,
    %swap3A_301 = arith.constant 6 : i32
    %swap3A_302 = arith.index_cast %swap3A_301 : i32 to index
    %swap3A_303 = arith.constant 32 : index
    %swap3A_304 = tpu.vector_load %arg10[%swap3A_302, %swap3A_303] {strides = array<i32>} : memref<128x128xf32, #tpu.memory_space<vmem>>, vector<1x16xf32>,
    %swap3A_305 = vector.shape_cast %swap3A_304 : vector<1x16xf32> to vector<16xf32>
    %swap3A_306 = vector.shape_cast %broadcast_in_dim3A_1 : vector<16xf32> to vector<1x16xf32>
    tpu.vector_store %arg10[%swap3A_302, %swap3A_303], %swap3A_306 {strides = array<i32>} : memref<128x128xf32, #tpu.memory_space<vmem>>, vector<1x16xf32>,
    %swap3A_307 = arith.constant 6 : i32
    %swap3A_308 = arith.index_cast %swap3A_307 : i32 to index
    %swap3A_309 = arith.constant 48 : index
    %swap3A_310 = tpu.vector_load %arg10[%swap3A_308, %swap3A_309] {strides = array<i32>} : memref<128x128xf32, #tpu.memory_space<vmem>>, vector<1x16xf32>,
    %swap3A_311 = vector.shape_cast %swap3A_310 : vector<1x16xf32> to vector<16xf32>
    %swap3A_312 = vector.shape_cast %broadcast_in_dim3A_1 : vector<16xf32> to vector<1x16xf32>
    tpu.vector_store %arg10[%swap3A_308, %swap3A_309], %swap3A_312 {strides = array<i32>} : memref<128x128xf32, #tpu.memory_space<vmem>>, vector<1x16xf32>,
    %swap3A_313 = arith.constant 6 : i32
    %swap3A_314 = arith.index_cast %swap3A_313 : i32 to index
    %swap3A_315 = arith.constant 64 : index
    %swap3A_316 = tpu.vector_load %arg10[%swap3A_314, %swap3A_315] {strides = array<i32>} : memref<128x128xf32, #tpu.memory_space<vmem>>, vector<1x16xf32>,
    %swap3A_317 = vector.shape_cast %swap3A_316 : vector<1x16xf32> to vector<16xf32>
    %swap3A_318 = vector.shape_cast %broadcast_in_dim3A_1 : vector<16xf32> to vector<1x16xf32>
    tpu.vector_store %arg10[%swap3A_314, %swap3A_315], %swap3A_318 {strides = array<i32>} : memref<128x128xf32, #tpu.memory_space<vmem>>, vector<1x16xf32>,
    %swap3A_319 = arith.constant 6 : i32
    %swap3A_320 = arith.index_cast %swap3A_319 : i32 to index
    %swap3A_321 = arith.constant 80 : index
    %swap3A_322 = tpu.vector_load %arg10[%swap3A_320, %swap3A_321] {strides = array<i32>} : memref<128x128xf32, #tpu.memory_space<vmem>>, vector<1x16xf32>,
    %swap3A_323 = vector.shape_cast %swap3A_322 : vector<1x16xf32> to vector<16xf32>
    %swap3A_324 = vector.shape_cast %broadcast_in_dim3A_1 : vector<16xf32> to vector<1x16xf32>
    tpu.vector_store %arg10[%swap3A_320, %swap3A_321], %swap3A_324 {strides = array<i32>} : memref<128x128xf32, #tpu.memory_space<vmem>>, vector<1x16xf32>,
    %swap3A_325 = arith.constant 6 : i32
    %swap3A_326 = arith.index_cast %swap3A_325 : i32 to index
    %swap3A_327 = arith.constant 96 : index
    %swap3A_328 = tpu.vector_load %arg10[%swap3A_326, %swap3A_327] {strides = array<i32>} : memref<128x128xf32, #tpu.memory_space<vmem>>, vector<1x16xf32>,
    %swap3A_329 = vector.shape_cast %swap3A_328 : vector<1x16xf32> to vector<16xf32>
    %swap3A_330 = vector.shape_cast %broadcast_in_dim3A_1 : vector<16xf32> to vector<1x16xf32>
    tpu.vector_store %arg10[%swap3A_326, %swap3A_327], %swap3A_330 {strides = array<i32>} : memref<128x128xf32, #tpu.memory_space<vmem>>, vector<1x16xf32>,
    %swap3A_331 = arith.constant 6 : i32
    %swap3A_332 = arith.index_cast %swap3A_331 : i32 to index
    %swap3A_333 = arith.constant 112 : index
    %swap3A_334 = tpu.vector_load %arg10[%swap3A_332, %swap3A_333] {strides = array<i32>} : memref<128x128xf32, #tpu.memory_space<vmem>>, vector<1x16xf32>,
    %swap3A_335 = vector.shape_cast %swap3A_334 : vector<1x16xf32> to vector<16xf32>
    %swap3A_336 = vector.shape_cast %broadcast_in_dim3A_1 : vector<16xf32> to vector<1x16xf32>
    tpu.vector_store %arg10[%swap3A_332, %swap3A_333], %swap3A_336 {strides = array<i32>} : memref<128x128xf32, #tpu.memory_space<vmem>>, vector<1x16xf32>,
    %swap3A_337 = arith.constant 7 : i32
    %swap3A_338 = arith.index_cast %swap3A_337 : i32 to index
    %swap3A_339 = arith.constant 0 : index
    %swap3A_340 = tpu.vector_load %arg10[%swap3A_338, %swap3A_339] {strides = array<i32>} : memref<128x128xf32, #tpu.memory_space<vmem>>, vector<1x16xf32>,
    %swap3A_341 = vector.shape_cast %swap3A_340 : vector<1x16xf32> to vector<16xf32>
    %swap3A_342 = vector.shape_cast %broadcast_in_dim3A_1 : vector<16xf32> to vector<1x16xf32>
    tpu.vector_store %arg10[%swap3A_338, %swap3A_339], %swap3A_342 {strides = array<i32>} : memref<128x128xf32, #tpu.memory_space<vmem>>, vector<1x16xf32>,
    %swap3A_343 = arith.constant 7 : i32
    %swap3A_344 = arith.index_cast %swap3A_343 : i32 to index
    %swap3A_345 = arith.constant 16 : index
    %swap3A_346 = tpu.vector_load %arg10[%swap3A_344, %swap3A_345] {strides = array<i32>} : memref<128x128xf32, #tpu.memory_space<vmem>>, vector<1x16xf32>,
    %swap3A_347 = vector.shape_cast %swap3A_346 : vector<1x16xf32> to vector<16xf32>
    %swap3A_348 = vector.shape_cast %broadcast_in_dim3A_1 : vector<16xf32> to vector<1x16xf32>
    tpu.vector_store %arg10[%swap3A_344, %swap3A_345], %swap3A_348 {strides = array<i32>} : memref<128x128xf32, #tpu.memory_space<vmem>>, vector<1x16xf32>,
    %swap3A_349 = arith.constant 7 : i32
    %swap3A_350 = arith.index_cast %swap3A_349 : i32 to index
    %swap3A_351 = arith.constant 32 : index
    %swap3A_352 = tpu.vector_load %arg10[%swap3A_350, %swap3A_351] {strides = array<i32>} : memref<128x128xf32, #tpu.memory_space<vmem>>, vector<1x16xf32>,
    %swap3A_353 = vector.shape_cast %swap3A_352 : vector<1x16xf32> to vector<16xf32>
    %swap3A_354 = vector.shape_cast %broadcast_in_dim3A_1 : vector<16xf32> to vector<1x16xf32>
    tpu.vector_store %arg10[%swap3A_350, %swap3A_351], %swap3A_354 {strides = array<i32>} : memref<128x128xf32, #tpu.memory_space<vmem>>, vector<1x16xf32>,
    %swap3A_355 = arith.constant 7 : i32
    %swap3A_356 = arith.index_cast %swap3A_355 : i32 to index
    %swap3A_357 = arith.constant 48 : index
    %swap3A_358 = tpu.vector_load %arg10[%swap3A_356, %swap3A_357] {strides = array<i32>} : memref<128x128xf32, #tpu.memory_space<vmem>>, vector<1x16xf32>,
    %swap3A_359 = vector.shape_cast %swap3A_358 : vector<1x16xf32> to vector<16xf32>
    %swap3A_360 = vector.shape_cast %broadcast_in_dim3A_1 : vector<16xf32> to vector<1x16xf32>
    tpu.vector_store %arg10[%swap3A_356, %swap3A_357], %swap3A_360 {strides = array<i32>} : memref<128x128xf32, #tpu.memory_space<vmem>>, vector<1x16xf32>,
    %swap3A_361 = arith.constant 7 : i32
    %swap3A_362 = arith.index_cast %swap3A_361 : i32 to index
    %swap3A_363 = arith.constant 64 : index
    %swap3A_364 = tpu.vector_load %arg10[%swap3A_362, %swap3A_363] {strides = array<i32>} : memref<128x128xf32, #tpu.memory_space<vmem>>, vector<1x16xf32>,
    %swap3A_365 = vector.shape_cast %swap3A_364 : vector<1x16xf32> to vector<16xf32>
    %swap3A_366 = vector.shape_cast %broadcast_in_dim3A_1 : vector<16xf32> to vector<1x16xf32>
    tpu.vector_store %arg10[%swap3A_362, %swap3A_363], %swap3A_366 {strides = array<i32>} : memref<128x128xf32, #tpu.memory_space<vmem>>, vector<1x16xf32>,
    %swap3A_367 = arith.constant 7 : i32
    %swap3A_368 = arith.index_cast %swap3A_367 : i32 to index
    %swap3A_369 = arith.constant 80 : index
    %swap3A_370 = tpu.vector_load %arg10[%swap3A_368, %swap3A_369] {strides = array<i32>} : memref<128x128xf32, #tpu.memory_space<vmem>>, vector<1x16xf32>,
    %swap3A_371 = vector.shape_cast %swap3A_370 : vector<1x16xf32> to vector<16xf32>
    %swap3A_372 = vector.shape_cast %broadcast_in_dim3A_1 : vector<16xf32> to vector<1x16xf32>
    tpu.vector_store %arg10[%swap3A_368, %swap3A_369], %swap3A_372 {strides = array<i32>} : memref<128x128xf32, #tpu.memory_space<vmem>>, vector<1x16xf32>,
    %swap3A_373 = arith.constant 7 : i32
    %swap3A_374 = arith.index_cast %swap3A_373 : i32 to index
    %swap3A_375 = arith.constant 96 : index
    %swap3A_376 = tpu.vector_load %arg10[%swap3A_374, %swap3A_375] {strides = array<i32>} : memref<128x128xf32, #tpu.memory_space<vmem>>, vector<1x16xf32>,
    %swap3A_377 = vector.shape_cast %swap3A_376 : vector<1x16xf32> to vector<16xf32>
    %swap3A_378 = vector.shape_cast %broadcast_in_dim3A_1 : vector<16xf32> to vector<1x16xf32>
    tpu.vector_store %arg10[%swap3A_374, %swap3A_375], %swap3A_378 {strides = array<i32>} : memref<128x128xf32, #tpu.memory_space<vmem>>, vector<1x16xf32>,
    %swap3A_379 = arith.constant 7 : i32
    %swap3A_380 = arith.index_cast %swap3A_379 : i32 to index
    %swap3A_381 = arith.constant 112 : index
    %swap3A_382 = tpu.vector_load %arg10[%swap3A_380, %swap3A_381] {strides = array<i32>} : memref<128x128xf32, #tpu.memory_space<vmem>>, vector<1x16xf32>,
    %swap3A_383 = vector.shape_cast %swap3A_382 : vector<1x16xf32> to vector<16xf32>
    %swap3A_384 = vector.shape_cast %broadcast_in_dim3A_1 : vector<16xf32> to vector<1x16xf32>
    tpu.vector_store %arg10[%swap3A_380, %swap3A_381], %swap3A_384 {strides = array<i32>} : memref<128x128xf32, #tpu.memory_space<vmem>>, vector<1x16xf32>,
    %swap3A_385 = arith.constant 8 : i32
    %swap3A_386 = arith.index_cast %swap3A_385 : i32 to index
    %swap3A_387 = arith.constant 0 : index
    %swap3A_388 = tpu.vector_load %arg10[%swap3A_386, %swap3A_387] {strides = array<i32>} : memref<128x128xf32, #tpu.memory_space<vmem>>, vector<1x16xf32>,
    %swap3A_389 = vector.shape_cast %swap3A_388 : vector<1x16xf32> to vector<16xf32>
    %swap3A_390 = vector.shape_cast %broadcast_in_dim3A_1 : vector<16xf32> to vector<1x16xf32>
    tpu.vector_store %arg10[%swap3A_386, %swap3A_387], %swap3A_390 {strides = array<i32>} : memref<128x128xf32, #tpu.memory_space<vmem>>, vector<1x16xf32>,
    %swap3A_391 = arith.constant 8 : i32
    %swap3A_392 = arith.index_cast %swap3A_391 : i32 to index
    %swap3A_393 = arith.constant 16 : index
    %swap3A_394 = tpu.vector_load %arg10[%swap3A_392, %swap3A_393] {strides = array<i32>} : memref<128x128xf32, #tpu.memory_space<vmem>>, vector<1x16xf32>,
    %swap3A_395 = vector.shape_cast %swap3A_394 : vector<1x16xf32> to vector<16xf32>
    %swap3A_396 = vector.shape_cast %broadcast_in_dim3A_1 : vector<16xf32> to vector<1x16xf32>
    tpu.vector_store %arg10[%swap3A_392, %swap3A_393], %swap3A_396 {strides = array<i32>} : memref<128x128xf32, #tpu.memory_space<vmem>>, vector<1x16xf32>,
    %swap3A_397 = arith.constant 8 : i32
    %swap3A_398 = arith.index_cast %swap3A_397 : i32 to index
    %swap3A_399 = arith.constant 32 : index
    %swap3A_400 = tpu.vector_load %arg10[%swap3A_398, %swap3A_399] {strides = array<i32>} : memref<128x128xf32, #tpu.memory_space<vmem>>, vector<1x16xf32>,
    %swap3A_401 = vector.shape_cast %swap3A_400 : vector<1x16xf32> to vector<16xf32>
    %swap3A_402 = vector.shape_cast %broadcast_in_dim3A_1 : vector<16xf32> to vector<1x16xf32>
    tpu.vector_store %arg10[%swap3A_398, %swap3A_399], %swap3A_402 {strides = array<i32>} : memref<128x128xf32, #tpu.memory_space<vmem>>, vector<1x16xf32>,
    %swap3A_403 = arith.constant 8 : i32
    %swap3A_404 = arith.index_cast %swap3A_403 : i32 to index
    %swap3A_405 = arith.constant 48 : index
    %swap3A_406 = tpu.vector_load %arg10[%swap3A_404, %swap3A_405] {strides = array<i32>} : memref<128x128xf32, #tpu.memory_space<vmem>>, vector<1x16xf32>,
    %swap3A_407 = vector.shape_cast %swap3A_406 : vector<1x16xf32> to vector<16xf32>
    %swap3A_408 = vector.shape_cast %broadcast_in_dim3A_1 : vector<16xf32> to vector<1x16xf32>
    tpu.vector_store %arg10[%swap3A_404, %swap3A_405], %swap3A_408 {strides = array<i32>} : memref<128x128xf32, #tpu.memory_space<vmem>>, vector<1x16xf32>,
    %swap3A_409 = arith.constant 8 : i32
    %swap3A_410 = arith.index_cast %swap3A_409 : i32 to index
    %swap3A_411 = arith.constant 64 : index
    %swap3A_412 = tpu.vector_load %arg10[%swap3A_410, %swap3A_411] {strides = array<i32>} : memref<128x128xf32, #tpu.memory_space<vmem>>, vector<1x16xf32>,
    %swap3A_413 = vector.shape_cast %swap3A_412 : vector<1x16xf32> to vector<16xf32>
    %swap3A_414 = vector.shape_cast %broadcast_in_dim3A_1 : vector<16xf32> to vector<1x16xf32>
    tpu.vector_store %arg10[%swap3A_410, %swap3A_411], %swap3A_414 {strides = array<i32>} : memref<128x128xf32, #tpu.memory_space<vmem>>, vector<1x16xf32>,
    %swap3A_415 = arith.constant 8 : i32
    %swap3A_416 = arith.index_cast %swap3A_415 : i32 to index
    %swap3A_417 = arith.constant 80 : index
    %swap3A_418 = tpu.vector_load %arg10[%swap3A_416, %swap3A_417] {strides = array<i32>} : memref<128x128xf32, #tpu.memory_space<vmem>>, vector<1x16xf32>,
    %swap3A_419 = vector.shape_cast %swap3A_418 : vector<1x16xf32> to vector<16xf32>
    %swap3A_420 = vector.shape_cast %broadcast_in_dim3A_1 : vector<16xf32> to vector<1x16xf32>
    tpu.vector_store %arg10[%swap3A_416, %swap3A_417], %swap3A_420 {strides = array<i32>} : memref<128x128xf32, #tpu.memory_space<vmem>>, vector<1x16xf32>,
    %swap3A_421 = arith.constant 8 : i32
    %swap3A_422 = arith.index_cast %swap3A_421 : i32 to index
    %swap3A_423 = arith.constant 96 : index
    %swap3A_424 = tpu.vector_load %arg10[%swap3A_422, %swap3A_423] {strides = array<i32>} : memref<128x128xf32, #tpu.memory_space<vmem>>, vector<1x16xf32>,
    %swap3A_425 = vector.shape_cast %swap3A_424 : vector<1x16xf32> to vector<16xf32>
    %swap3A_426 = vector.shape_cast %broadcast_in_dim3A_1 : vector<16xf32> to vector<1x16xf32>
    tpu.vector_store %arg10[%swap3A_422, %swap3A_423], %swap3A_426 {strides = array<i32>} : memref<128x128xf32, #tpu.memory_space<vmem>>, vector<1x16xf32>,
    %swap3A_427 = arith.constant 8 : i32
    %swap3A_428 = arith.index_cast %swap3A_427 : i32 to index
    %swap3A_429 = arith.constant 112 : index
    %swap3A_430 = tpu.vector_load %arg10[%swap3A_428, %swap3A_429] {strides = array<i32>} : memref<128x128xf32, #tpu.memory_space<vmem>>, vector<1x16xf32>,
    %swap3A_431 = vector.shape_cast %swap3A_430 : vector<1x16xf32> to vector<16xf32>
    %swap3A_432 = vector.shape_cast %broadcast_in_dim3A_1 : vector<16xf32> to vector<1x16xf32>
    tpu.vector_store %arg10[%swap3A_428, %swap3A_429], %swap3A_432 {strides = array<i32>} : memref<128x128xf32, #tpu.memory_space<vmem>>, vector<1x16xf32>,
    %swap3A_433 = arith.constant 9 : i32
    %swap3A_434 = arith.index_cast %swap3A_433 : i32 to index
    %swap3A_435 = arith.constant 0 : index
    %swap3A_436 = tpu.vector_load %arg10[%swap3A_434, %swap3A_435] {strides = array<i32>} : memref<128x128xf32, #tpu.memory_space<vmem>>, vector<1x16xf32>,
    %swap3A_437 = vector.shape_cast %swap3A_436 : vector<1x16xf32> to vector<16xf32>
    %swap3A_438 = vector.shape_cast %broadcast_in_dim3A_1 : vector<16xf32> to vector<1x16xf32>
    tpu.vector_store %arg10[%swap3A_434, %swap3A_435], %swap3A_438 {strides = array<i32>} : memref<128x128xf32, #tpu.memory_space<vmem>>, vector<1x16xf32>,
    %swap3A_439 = arith.constant 9 : i32
    %swap3A_440 = arith.index_cast %swap3A_439 : i32 to index
    %swap3A_441 = arith.constant 16 : index
    %swap3A_442 = tpu.vector_load %arg10[%swap3A_440, %swap3A_441] {strides = array<i32>} : memref<128x128xf32, #tpu.memory_space<vmem>>, vector<1x16xf32>,
    %swap3A_443 = vector.shape_cast %swap3A_442 : vector<1x16xf32> to vector<16xf32>
    %swap3A_444 = vector.shape_cast %broadcast_in_dim3A_1 : vector<16xf32> to vector<1x16xf32>
    tpu.vector_store %arg10[%swap3A_440, %swap3A_441], %swap3A_444 {strides = array<i32>} : memref<128x128xf32, #tpu.memory_space<vmem>>, vector<1x16xf32>,
    %swap3A_445 = arith.constant 9 : i32
    %swap3A_446 = arith.index_cast %swap3A_445 : i32 to index
    %swap3A_447 = arith.constant 32 : index
    %swap3A_448 = tpu.vector_load %arg10[%swap3A_446, %swap3A_447] {strides = array<i32>} : memref<128x128xf32, #tpu.memory_space<vmem>>, vector<1x16xf32>,
    %swap3A_449 = vector.shape_cast %swap3A_448 : vector<1x16xf32> to vector<16xf32>
    %swap3A_450 = vector.shape_cast %broadcast_in_dim3A_1 : vector<16xf32> to vector<1x16xf32>
    tpu.vector_store %arg10[%swap3A_446, %swap3A_447], %swap3A_450 {strides = array<i32>} : memref<128x128xf32, #tpu.memory_space<vmem>>, vector<1x16xf32>,
    %swap3A_451 = arith.constant 9 : i32
    %swap3A_452 = arith.index_cast %swap3A_451 : i32 to index
    %swap3A_453 = arith.constant 48 : index
    %swap3A_454 = tpu.vector_load %arg10[%swap3A_452, %swap3A_453] {strides = array<i32>} : memref<128x128xf32, #tpu.memory_space<vmem>>, vector<1x16xf32>,
    %swap3A_455 = vector.shape_cast %swap3A_454 : vector<1x16xf32> to vector<16xf32>
    %swap3A_456 = vector.shape_cast %broadcast_in_dim3A_1 : vector<16xf32> to vector<1x16xf32>
    tpu.vector_store %arg10[%swap3A_452, %swap3A_453], %swap3A_456 {strides = array<i32>} : memref<128x128xf32, #tpu.memory_space<vmem>>, vector<1x16xf32>,
    %swap3A_457 = arith.constant 9 : i32
    %swap3A_458 = arith.index_cast %swap3A_457 : i32 to index
    %swap3A_459 = arith.constant 64 : index
    %swap3A_460 = tpu.vector_load %arg10[%swap3A_458, %swap3A_459] {strides = array<i32>} : memref<128x128xf32, #tpu.memory_space<vmem>>, vector<1x16xf32>,
    %swap3A_461 = vector.shape_cast %swap3A_460 : vector<1x16xf32> to vector<16xf32>
    %swap3A_462 = vector.shape_cast %broadcast_in_dim3A_1 : vector<16xf32> to vector<1x16xf32>
    tpu.vector_store %arg10[%swap3A_458, %swap3A_459], %swap3A_462 {strides = array<i32>} : memref<128x128xf32, #tpu.memory_space<vmem>>, vector<1x16xf32>,
    %swap3A_463 = arith.constant 9 : i32
    %swap3A_464 = arith.index_cast %swap3A_463 : i32 to index
    %swap3A_465 = arith.constant 80 : index
    %swap3A_466 = tpu.vector_load %arg10[%swap3A_464, %swap3A_465] {strides = array<i32>} : memref<128x128xf32, #tpu.memory_space<vmem>>, vector<1x16xf32>,
    %swap3A_467 = vector.shape_cast %swap3A_466 : vector<1x16xf32> to vector<16xf32>
    %swap3A_468 = vector.shape_cast %broadcast_in_dim3A_1 : vector<16xf32> to vector<1x16xf32>
    tpu.vector_store %arg10[%swap3A_464, %swap3A_465], %swap3A_468 {strides = array<i32>} : memref<128x128xf32, #tpu.memory_space<vmem>>, vector<1x16xf32>,
    %swap3A_469 = arith.constant 9 : i32
    %swap3A_470 = arith.index_cast %swap3A_469 : i32 to index
    %swap3A_471 = arith.constant 96 : index
    %swap3A_472 = tpu.vector_load %arg10[%swap3A_470, %swap3A_471] {strides = array<i32>} : memref<128x128xf32, #tpu.memory_space<vmem>>, vector<1x16xf32>,
    %swap3A_473 = vector.shape_cast %swap3A_472 : vector<1x16xf32> to vector<16xf32>
    %swap3A_474 = vector.shape_cast %broadcast_in_dim3A_1 : vector<16xf32> to vector<1x16xf32>
    tpu.vector_store %arg10[%swap3A_470, %swap3A_471], %swap3A_474 {strides = array<i32>} : memref<128x128xf32, #tpu.memory_space<vmem>>, vector<1x16xf32>,
    %swap3A_475 = arith.constant 9 : i32
    %swap3A_476 = arith.index_cast %swap3A_475 : i32 to index
    %swap3A_477 = arith.constant 112 : index
    %swap3A_478 = tpu.vector_load %arg10[%swap3A_476, %swap3A_477] {strides = array<i32>} : memref<128x128xf32, #tpu.memory_space<vmem>>, vector<1x16xf32>,
    %swap3A_479 = vector.shape_cast %swap3A_478 : vector<1x16xf32> to vector<16xf32>
    %swap3A_480 = vector.shape_cast %broadcast_in_dim3A_1 : vector<16xf32> to vector<1x16xf32>
    tpu.vector_store %arg10[%swap3A_476, %swap3A_477], %swap3A_480 {strides = array<i32>} : memref<128x128xf32, #tpu.memory_space<vmem>>, vector<1x16xf32>,
    %swap3A_481 = arith.constant 10 : i32
    %swap3A_482 = arith.index_cast %swap3A_481 : i32 to index
    %swap3A_483 = arith.constant 0 : index
    %swap3A_484 = tpu.vector_load %arg10[%swap3A_482, %swap3A_483] {strides = array<i32>} : memref<128x128xf32, #tpu.memory_space<vmem>>, vector<1x16xf32>,
    %swap3A_485 = vector.shape_cast %swap3A_484 : vector<1x16xf32> to vector<16xf32>
    %swap3A_486 = vector.shape_cast %broadcast_in_dim3A_1 : vector<16xf32> to vector<1x16xf32>
    tpu.vector_store %arg10[%swap3A_482, %swap3A_483], %swap3A_486 {strides = array<i32>} : memref<128x128xf32, #tpu.memory_space<vmem>>, vector<1x16xf32>,
    %swap3A_487 = arith.constant 10 : i32
    %swap3A_488 = arith.index_cast %swap3A_487 : i32 to index
    %swap3A_489 = arith.constant 16 : index
    %swap3A_490 = tpu.vector_load %arg10[%swap3A_488, %swap3A_489] {strides = array<i32>} : memref<128x128xf32, #tpu.memory_space<vmem>>, vector<1x16xf32>,
    %swap3A_491 = vector.shape_cast %swap3A_490 : vector<1x16xf32> to vector<16xf32>
    %swap3A_492 = vector.shape_cast %broadcast_in_dim3A_1 : vector<16xf32> to vector<1x16xf32>
    tpu.vector_store %arg10[%swap3A_488, %swap3A_489], %swap3A_492 {strides = array<i32>} : memref<128x128xf32, #tpu.memory_space<vmem>>, vector<1x16xf32>,
    %swap3A_493 = arith.constant 10 : i32
    %swap3A_494 = arith.index_cast %swap3A_493 : i32 to index
    %swap3A_495 = arith.constant 32 : index
    %swap3A_496 = tpu.vector_load %arg10[%swap3A_494, %swap3A_495] {strides = array<i32>} : memref<128x128xf32, #tpu.memory_space<vmem>>, vector<1x16xf32>,
    %swap3A_497 = vector.shape_cast %swap3A_496 : vector<1x16xf32> to vector<16xf32>
    %swap3A_498 = vector.shape_cast %broadcast_in_dim3A_1 : vector<16xf32> to vector<1x16xf32>
    tpu.vector_store %arg10[%swap3A_494, %swap3A_495], %swap3A_498 {strides = array<i32>} : memref<128x128xf32, #tpu.memory_space<vmem>>, vector<1x16xf32>,
    %swap3A_499 = arith.constant 10 : i32
    %swap3A_500 = arith.index_cast %swap3A_499 : i32 to index
    %swap3A_501 = arith.constant 48 : index
    %swap3A_502 = tpu.vector_load %arg10[%swap3A_500, %swap3A_501] {strides = array<i32>} : memref<128x128xf32, #tpu.memory_space<vmem>>, vector<1x16xf32>,
    %swap3A_503 = vector.shape_cast %swap3A_502 : vector<1x16xf32> to vector<16xf32>
    %swap3A_504 = vector.shape_cast %broadcast_in_dim3A_1 : vector<16xf32> to vector<1x16xf32>
    tpu.vector_store %arg10[%swap3A_500, %swap3A_501], %swap3A_504 {strides = array<i32>} : memref<128x128xf32, #tpu.memory_space<vmem>>, vector<1x16xf32>,
    %swap3A_505 = arith.constant 10 : i32
    %swap3A_506 = arith.index_cast %swap3A_505 : i32 to index
    %swap3A_507 = arith.constant 64 : index
    %swap3A_508 = tpu.vector_load %arg10[%swap3A_506, %swap3A_507] {strides = array<i32>} : memref<128x128xf32, #tpu.memory_space<vmem>>, vector<1x16xf32>,
    %swap3A_509 = vector.shape_cast %swap3A_508 : vector<1x16xf32> to vector<16xf32>
    %swap3A_510 = vector.shape_cast %broadcast_in_dim3A_1 : vector<16xf32> to vector<1x16xf32>
    tpu.vector_store %arg10[%swap3A_506, %swap3A_507], %swap3A_510 {strides = array<i32>} : memref<128x128xf32, #tpu.memory_space<vmem>>, vector<1x16xf32>,
    %swap3A_511 = arith.constant 10 : i32
    %swap3A_512 = arith.index_cast %swap3A_511 : i32 to index
    %swap3A_513 = arith.constant 80 : index
    %swap3A_514 = tpu.vector_load %arg10[%swap3A_512, %swap3A_513] {strides = array<i32>} : memref<128x128xf32, #tpu.memory_space<vmem>>, vector<1x16xf32>,
    %swap3A_515 = vector.shape_cast %swap3A_514 : vector<1x16xf32> to vector<16xf32>
    %swap3A_516 = vector.shape_cast %broadcast_in_dim3A_1 : vector<16xf32> to vector<1x16xf32>
    tpu.vector_store %arg10[%swap3A_512, %swap3A_513], %swap3A_516 {strides = array<i32>} : memref<128x128xf32, #tpu.memory_space<vmem>>, vector<1x16xf32>,
    %swap3A_517 = arith.constant 10 : i32
    %swap3A_518 = arith.index_cast %swap3A_517 : i32 to index
    %swap3A_519 = arith.constant 96 : index
    %swap3A_520 = tpu.vector_load %arg10[%swap3A_518, %swap3A_519] {strides = array<i32>} : memref<128x128xf32, #tpu.memory_space<vmem>>, vector<1x16xf32>,
    %swap3A_521 = vector.shape_cast %swap3A_520 : vector<1x16xf32> to vector<16xf32>
    %swap3A_522 = vector.shape_cast %broadcast_in_dim3A_1 : vector<16xf32> to vector<1x16xf32>
    tpu.vector_store %arg10[%swap3A_518, %swap3A_519], %swap3A_522 {strides = array<i32>} : memref<128x128xf32, #tpu.memory_space<vmem>>, vector<1x16xf32>,
    %swap3A_523 = arith.constant 10 : i32
    %swap3A_524 = arith.index_cast %swap3A_523 : i32 to index
    %swap3A_525 = arith.constant 112 : index
    %swap3A_526 = tpu.vector_load %arg10[%swap3A_524, %swap3A_525] {strides = array<i32>} : memref<128x128xf32, #tpu.memory_space<vmem>>, vector<1x16xf32>,
    %swap3A_527 = vector.shape_cast %swap3A_526 : vector<1x16xf32> to vector<16xf32>
    %swap3A_528 = vector.shape_cast %broadcast_in_dim3A_1 : vector<16xf32> to vector<1x16xf32>
    tpu.vector_store %arg10[%swap3A_524, %swap3A_525], %swap3A_528 {strides = array<i32>} : memref<128x128xf32, #tpu.memory_space<vmem>>, vector<1x16xf32>,
    %swap3A_529 = arith.constant 11 : i32
    %swap3A_530 = arith.index_cast %swap3A_529 : i32 to index
    %swap3A_531 = arith.constant 0 : index
    %swap3A_532 = tpu.vector_load %arg10[%swap3A_530, %swap3A_531] {strides = array<i32>} : memref<128x128xf32, #tpu.memory_space<vmem>>, vector<1x16xf32>,
    %swap3A_533 = vector.shape_cast %swap3A_532 : vector<1x16xf32> to vector<16xf32>
    %swap3A_534 = vector.shape_cast %broadcast_in_dim3A_1 : vector<16xf32> to vector<1x16xf32>
    tpu.vector_store %arg10[%swap3A_530, %swap3A_531], %swap3A_534 {strides = array<i32>} : memref<128x128xf32, #tpu.memory_space<vmem>>, vector<1x16xf32>,
    %swap3A_535 = arith.constant 11 : i32
    %swap3A_536 = arith.index_cast %swap3A_535 : i32 to index
    %swap3A_537 = arith.constant 16 : index
    %swap3A_538 = tpu.vector_load %arg10[%swap3A_536, %swap3A_537] {strides = array<i32>} : memref<128x128xf32, #tpu.memory_space<vmem>>, vector<1x16xf32>,
    %swap3A_539 = vector.shape_cast %swap3A_538 : vector<1x16xf32> to vector<16xf32>
    %swap3A_540 = vector.shape_cast %broadcast_in_dim3A_1 : vector<16xf32> to vector<1x16xf32>
    tpu.vector_store %arg10[%swap3A_536, %swap3A_537], %swap3A_540 {strides = array<i32>} : memref<128x128xf32, #tpu.memory_space<vmem>>, vector<1x16xf32>,
    %swap3A_541 = arith.constant 11 : i32
    %swap3A_542 = arith.index_cast %swap3A_541 : i32 to index
    %swap3A_543 = arith.constant 32 : index
    %swap3A_544 = tpu.vector_load %arg10[%swap3A_542, %swap3A_543] {strides = array<i32>} : memref<128x128xf32, #tpu.memory_space<vmem>>, vector<1x16xf32>,
    %swap3A_545 = vector.shape_cast %swap3A_544 : vector<1x16xf32> to vector<16xf32>
    %swap3A_546 = vector.shape_cast %broadcast_in_dim3A_1 : vector<16xf32> to vector<1x16xf32>
    tpu.vector_store %arg10[%swap3A_542, %swap3A_543], %swap3A_546 {strides = array<i32>} : memref<128x128xf32, #tpu.memory_space<vmem>>, vector<1x16xf32>,
    %swap3A_547 = arith.constant 11 : i32
    %swap3A_548 = arith.index_cast %swap3A_547 : i32 to index
    %swap3A_549 = arith.constant 48 : index
    %swap3A_550 = tpu.vector_load %arg10[%swap3A_548, %swap3A_549] {strides = array<i32>} : memref<128x128xf32, #tpu.memory_space<vmem>>, vector<1x16xf32>,
    %swap3A_551 = vector.shape_cast %swap3A_550 : vector<1x16xf32> to vector<16xf32>
    %swap3A_552 = vector.shape_cast %broadcast_in_dim3A_1 : vector<16xf32> to vector<1x16xf32>
    tpu.vector_store %arg10[%swap3A_548, %swap3A_549], %swap3A_552 {strides = array<i32>} : memref<128x128xf32, #tpu.memory_space<vmem>>, vector<1x16xf32>,
    %swap3A_553 = arith.constant 11 : i32
    %swap3A_554 = arith.index_cast %swap3A_553 : i32 to index
    %swap3A_555 = arith.constant 64 : index
    %swap3A_556 = tpu.vector_load %arg10[%swap3A_554, %swap3A_555] {strides = array<i32>} : memref<128x128xf32, #tpu.memory_space<vmem>>, vector<1x16xf32>,
    %swap3A_557 = vector.shape_cast %swap3A_556 : vector<1x16xf32> to vector<16xf32>
    %swap3A_558 = vector.shape_cast %broadcast_in_dim3A_1 : vector<16xf32> to vector<1x16xf32>
    tpu.vector_store %arg10[%swap3A_554, %swap3A_555], %swap3A_558 {strides = array<i32>} : memref<128x128xf32, #tpu.memory_space<vmem>>, vector<1x16xf32>,
    %swap3A_559 = arith.constant 11 : i32
    %swap3A_560 = arith.index_cast %swap3A_559 : i32 to index
    %swap3A_561 = arith.constant 80 : index
    %swap3A_562 = tpu.vector_load %arg10[%swap3A_560, %swap3A_561] {strides = array<i32>} : memref<128x128xf32, #tpu.memory_space<vmem>>, vector<1x16xf32>,
    %swap3A_563 = vector.shape_cast %swap3A_562 : vector<1x16xf32> to vector<16xf32>
    %swap3A_564 = vector.shape_cast %broadcast_in_dim3A_1 : vector<16xf32> to vector<1x16xf32>
    tpu.vector_store %arg10[%swap3A_560, %swap3A_561], %swap3A_564 {strides = array<i32>} : memref<128x128xf32, #tpu.memory_space<vmem>>, vector<1x16xf32>,
    %swap3A_565 = arith.constant 11 : i32
    %swap3A_566 = arith.index_cast %swap3A_565 : i32 to index
    %swap3A_567 = arith.constant 96 : index
    %swap3A_568 = tpu.vector_load %arg10[%swap3A_566, %swap3A_567] {strides = array<i32>} : memref<128x128xf32, #tpu.memory_space<vmem>>, vector<1x16xf32>,
    %swap3A_569 = vector.shape_cast %swap3A_568 : vector<1x16xf32> to vector<16xf32>
    %swap3A_570 = vector.shape_cast %broadcast_in_dim3A_1 : vector<16xf32> to vector<1x16xf32>
    tpu.vector_store %arg10[%swap3A_566, %swap3A_567], %swap3A_570 {strides = array<i32>} : memref<128x128xf32, #tpu.memory_space<vmem>>, vector<1x16xf32>,
    %swap3A_571 = arith.constant 11 : i32
    %swap3A_572 = arith.index_cast %swap3A_571 : i32 to index
    %swap3A_573 = arith.constant 112 : index
    %swap3A_574 = tpu.vector_load %arg10[%swap3A_572, %swap3A_573] {strides = array<i32>} : memref<128x128xf32, #tpu.memory_space<vmem>>, vector<1x16xf32>,
    %swap3A_575 = vector.shape_cast %swap3A_574 : vector<1x16xf32> to vector<16xf32>
    %swap3A_576 = vector.shape_cast %broadcast_in_dim3A_1 : vector<16xf32> to vector<1x16xf32>
    tpu.vector_store %arg10[%swap3A_572, %swap3A_573], %swap3A_576 {strides = array<i32>} : memref<128x128xf32, #tpu.memory_space<vmem>>, vector<1x16xf32>,
    %swap3A_577 = arith.constant 12 : i32
    %swap3A_578 = arith.index_cast %swap3A_577 : i32 to index
    %swap3A_579 = arith.constant 0 : index
    %swap3A_580 = tpu.vector_load %arg10[%swap3A_578, %swap3A_579] {strides = array<i32>} : memref<128x128xf32, #tpu.memory_space<vmem>>, vector<1x16xf32>,
    %swap3A_581 = vector.shape_cast %swap3A_580 : vector<1x16xf32> to vector<16xf32>
    %swap3A_582 = vector.shape_cast %broadcast_in_dim3A_1 : vector<16xf32> to vector<1x16xf32>
    tpu.vector_store %arg10[%swap3A_578, %swap3A_579], %swap3A_582 {strides = array<i32>} : memref<128x128xf32, #tpu.memory_space<vmem>>, vector<1x16xf32>,
    %swap3A_583 = arith.constant 12 : i32
    %swap3A_584 = arith.index_cast %swap3A_583 : i32 to index
    %swap3A_585 = arith.constant 16 : index
    %swap3A_586 = tpu.vector_load %arg10[%swap3A_584, %swap3A_585] {strides = array<i32>} : memref<128x128xf32, #tpu.memory_space<vmem>>, vector<1x16xf32>,
    %swap3A_587 = vector.shape_cast %swap3A_586 : vector<1x16xf32> to vector<16xf32>
    %swap3A_588 = vector.shape_cast %broadcast_in_dim3A_1 : vector<16xf32> to vector<1x16xf32>
    tpu.vector_store %arg10[%swap3A_584, %swap3A_585], %swap3A_588 {strides = array<i32>} : memref<128x128xf32, #tpu.memory_space<vmem>>, vector<1x16xf32>,
    %swap3A_589 = arith.constant 12 : i32
    %swap3A_590 = arith.index_cast %swap3A_589 : i32 to index
    %swap3A_591 = arith.constant 32 : index
    %swap3A_592 = tpu.vector_load %arg10[%swap3A_590, %swap3A_591] {strides = array<i32>} : memref<128x128xf32, #tpu.memory_space<vmem>>, vector<1x16xf32>,
    %swap3A_593 = vector.shape_cast %swap3A_592 : vector<1x16xf32> to vector<16xf32>
    %swap3A_594 = vector.shape_cast %broadcast_in_dim3A_1 : vector<16xf32> to vector<1x16xf32>
    tpu.vector_store %arg10[%swap3A_590, %swap3A_591], %swap3A_594 {strides = array<i32>} : memref<128x128xf32, #tpu.memory_space<vmem>>, vector<1x16xf32>,
    %swap3A_595 = arith.constant 12 : i32
    %swap3A_596 = arith.index_cast %swap3A_595 : i32 to index
    %swap3A_597 = arith.constant 48 : index
    %swap3A_598 = tpu.vector_load %arg10[%swap3A_596, %swap3A_597] {strides = array<i32>} : memref<128x128xf32, #tpu.memory_space<vmem>>, vector<1x16xf32>,
    %swap3A_599 = vector.shape_cast %swap3A_598 : vector<1x16xf32> to vector<16xf32>
    %swap3A_600 = vector.shape_cast %broadcast_in_dim3A_1 : vector<16xf32> to vector<1x16xf32>
    tpu.vector_store %arg10[%swap3A_596, %swap3A_597], %swap3A_600 {strides = array<i32>} : memref<128x128xf32, #tpu.memory_space<vmem>>, vector<1x16xf32>,
    %swap3A_601 = arith.constant 12 : i32
    %swap3A_602 = arith.index_cast %swap3A_601 : i32 to index
    %swap3A_603 = arith.constant 64 : index
    %swap3A_604 = tpu.vector_load %arg10[%swap3A_602, %swap3A_603] {strides = array<i32>} : memref<128x128xf32, #tpu.memory_space<vmem>>, vector<1x16xf32>,
    %swap3A_605 = vector.shape_cast %swap3A_604 : vector<1x16xf32> to vector<16xf32>
    %swap3A_606 = vector.shape_cast %broadcast_in_dim3A_1 : vector<16xf32> to vector<1x16xf32>
    tpu.vector_store %arg10[%swap3A_602, %swap3A_603], %swap3A_606 {strides = array<i32>} : memref<128x128xf32, #tpu.memory_space<vmem>>, vector<1x16xf32>,
    %swap3A_607 = arith.constant 12 : i32
    %swap3A_608 = arith.index_cast %swap3A_607 : i32 to index
    %swap3A_609 = arith.constant 80 : index
    %swap3A_610 = tpu.vector_load %arg10[%swap3A_608, %swap3A_609] {strides = array<i32>} : memref<128x128xf32, #tpu.memory_space<vmem>>, vector<1x16xf32>,
    %swap3A_611 = vector.shape_cast %swap3A_610 : vector<1x16xf32> to vector<16xf32>
    %swap3A_612 = vector.shape_cast %broadcast_in_dim3A_1 : vector<16xf32> to vector<1x16xf32>
    tpu.vector_store %arg10[%swap3A_608, %swap3A_609], %swap3A_612 {strides = array<i32>} : memref<128x128xf32, #tpu.memory_space<vmem>>, vector<1x16xf32>,
    %swap3A_613 = arith.constant 12 : i32
    %swap3A_614 = arith.index_cast %swap3A_613 : i32 to index
    %swap3A_615 = arith.constant 96 : index
    %swap3A_616 = tpu.vector_load %arg10[%swap3A_614, %swap3A_615] {strides = array<i32>} : memref<128x128xf32, #tpu.memory_space<vmem>>, vector<1x16xf32>,
    %swap3A_617 = vector.shape_cast %swap3A_616 : vector<1x16xf32> to vector<16xf32>
    %swap3A_618 = vector.shape_cast %broadcast_in_dim3A_1 : vector<16xf32> to vector<1x16xf32>
    tpu.vector_store %arg10[%swap3A_614, %swap3A_615], %swap3A_618 {strides = array<i32>} : memref<128x128xf32, #tpu.memory_space<vmem>>, vector<1x16xf32>,
    %swap3A_619 = arith.constant 12 : i32
    %swap3A_620 = arith.index_cast %swap3A_619 : i32 to index
    %swap3A_621 = arith.constant 112 : index
    %swap3A_622 = tpu.vector_load %arg10[%swap3A_620, %swap3A_621] {strides = array<i32>} : memref<128x128xf32, #tpu.memory_space<vmem>>, vector<1x16xf32>,
    %swap3A_623 = vector.shape_cast %swap3A_622 : vector<1x16xf32> to vector<16xf32>
    %swap3A_624 = vector.shape_cast %broadcast_in_dim3A_1 : vector<16xf32> to vector<1x16xf32>
    tpu.vector_store %arg10[%swap3A_620, %swap3A_621], %swap3A_624 {strides = array<i32>} : memref<128x128xf32, #tpu.memory_space<vmem>>, vector<1x16xf32>,
    %swap3A_625 = arith.constant 13 : i32
    %swap3A_626 = arith.index_cast %swap3A_625 : i32 to index
    %swap3A_627 = arith.constant 0 : index
    %swap3A_628 = tpu.vector_load %arg10[%swap3A_626, %swap3A_627] {strides = array<i32>} : memref<128x128xf32, #tpu.memory_space<vmem>>, vector<1x16xf32>,
    %swap3A_629 = vector.shape_cast %swap3A_628 : vector<1x16xf32> to vector<16xf32>
    %swap3A_630 = vector.shape_cast %broadcast_in_dim3A_1 : vector<16xf32> to vector<1x16xf32>
    tpu.vector_store %arg10[%swap3A_626, %swap3A_627], %swap3A_630 {strides = array<i32>} : memref<128x128xf32, #tpu.memory_space<vmem>>, vector<1x16xf32>,
    %swap3A_631 = arith.constant 13 : i32
    %swap3A_632 = arith.index_cast %swap3A_631 : i32 to index
    %swap3A_633 = arith.constant 16 : index
    %swap3A_634 = tpu.vector_load %arg10[%swap3A_632, %swap3A_633] {strides = array<i32>} : memref<128x128xf32, #tpu.memory_space<vmem>>, vector<1x16xf32>,
    %swap3A_635 = vector.shape_cast %swap3A_634 : vector<1x16xf32> to vector<16xf32>
    %swap3A_636 = vector.shape_cast %broadcast_in_dim3A_1 : vector<16xf32> to vector<1x16xf32>
    tpu.vector_store %arg10[%swap3A_632, %swap3A_633], %swap3A_636 {strides = array<i32>} : memref<128x128xf32, #tpu.memory_space<vmem>>, vector<1x16xf32>,
    %swap3A_637 = arith.constant 13 : i32
    %swap3A_638 = arith.index_cast %swap3A_637 : i32 to index
    %swap3A_639 = arith.constant 32 : index
    %swap3A_640 = tpu.vector_load %arg10[%swap3A_638, %swap3A_639] {strides = array<i32>} : memref<128x128xf32, #tpu.memory_space<vmem>>, vector<1x16xf32>,
    %swap3A_641 = vector.shape_cast %swap3A_640 : vector<1x16xf32> to vector<16xf32>
    %swap3A_642 = vector.shape_cast %broadcast_in_dim3A_1 : vector<16xf32> to vector<1x16xf32>
    tpu.vector_store %arg10[%swap3A_638, %swap3A_639], %swap3A_642 {strides = array<i32>} : memref<128x128xf32, #tpu.memory_space<vmem>>, vector<1x16xf32>,
    %swap3A_643 = arith.constant 13 : i32
    %swap3A_644 = arith.index_cast %swap3A_643 : i32 to index
    %swap3A_645 = arith.constant 48 : index
    %swap3A_646 = tpu.vector_load %arg10[%swap3A_644, %swap3A_645] {strides = array<i32>} : memref<128x128xf32, #tpu.memory_space<vmem>>, vector<1x16xf32>,
    %swap3A_647 = vector.shape_cast %swap3A_646 : vector<1x16xf32> to vector<16xf32>
    %swap3A_648 = vector.shape_cast %broadcast_in_dim3A_1 : vector<16xf32> to vector<1x16xf32>
    tpu.vector_store %arg10[%swap3A_644, %swap3A_645], %swap3A_648 {strides = array<i32>} : memref<128x128xf32, #tpu.memory_space<vmem>>, vector<1x16xf32>,
    %swap3A_649 = arith.constant 13 : i32
    %swap3A_650 = arith.index_cast %swap3A_649 : i32 to index
    %swap3A_651 = arith.constant 64 : index
    %swap3A_652 = tpu.vector_load %arg10[%swap3A_650, %swap3A_651] {strides = array<i32>} : memref<128x128xf32, #tpu.memory_space<vmem>>, vector<1x16xf32>,
    %swap3A_653 = vector.shape_cast %swap3A_652 : vector<1x16xf32> to vector<16xf32>
    %swap3A_654 = vector.shape_cast %broadcast_in_dim3A_1 : vector<16xf32> to vector<1x16xf32>
    tpu.vector_store %arg10[%swap3A_650, %swap3A_651], %swap3A_654 {strides = array<i32>} : memref<128x128xf32, #tpu.memory_space<vmem>>, vector<1x16xf32>,
    %swap3A_655 = arith.constant 13 : i32
    %swap3A_656 = arith.index_cast %swap3A_655 : i32 to index
    %swap3A_657 = arith.constant 80 : index
    %swap3A_658 = tpu.vector_load %arg10[%swap3A_656, %swap3A_657] {strides = array<i32>} : memref<128x128xf32, #tpu.memory_space<vmem>>, vector<1x16xf32>,
    %swap3A_659 = vector.shape_cast %swap3A_658 : vector<1x16xf32> to vector<16xf32>
    %swap3A_660 = vector.shape_cast %broadcast_in_dim3A_1 : vector<16xf32> to vector<1x16xf32>
    tpu.vector_store %arg10[%swap3A_656, %swap3A_657], %swap3A_660 {strides = array<i32>} : memref<128x128xf32, #tpu.memory_space<vmem>>, vector<1x16xf32>,
    %swap3A_661 = arith.constant 13 : i32
    %swap3A_662 = arith.index_cast %swap3A_661 : i32 to index
    %swap3A_663 = arith.constant 96 : index
    %swap3A_664 = tpu.vector_load %arg10[%swap3A_662, %swap3A_663] {strides = array<i32>} : memref<128x128xf32, #tpu.memory_space<vmem>>, vector<1x16xf32>,
    %swap3A_665 = vector.shape_cast %swap3A_664 : vector<1x16xf32> to vector<16xf32>
    %swap3A_666 = vector.shape_cast %broadcast_in_dim3A_1 : vector<16xf32> to vector<1x16xf32>
    tpu.vector_store %arg10[%swap3A_662, %swap3A_663], %swap3A_666 {strides = array<i32>} : memref<128x128xf32, #tpu.memory_space<vmem>>, vector<1x16xf32>,
    %swap3A_667 = arith.constant 13 : i32
    %swap3A_668 = arith.index_cast %swap3A_667 : i32 to index
    %swap3A_669 = arith.constant 112 : index
    %swap3A_670 = tpu.vector_load %arg10[%swap3A_668, %swap3A_669] {strides = array<i32>} : memref<128x128xf32, #tpu.memory_space<vmem>>, vector<1x16xf32>,
    %swap3A_671 = vector.shape_cast %swap3A_670 : vector<1x16xf32> to vector<16xf32>
    %swap3A_672 = vector.shape_cast %broadcast_in_dim3A_1 : vector<16xf32> to vector<1x16xf32>
    tpu.vector_store %arg10[%swap3A_668, %swap3A_669], %swap3A_672 {strides = array<i32>} : memref<128x128xf32, #tpu.memory_space<vmem>>, vector<1x16xf32>,
    %swap3A_673 = arith.constant 14 : i32
    %swap3A_674 = arith.index_cast %swap3A_673 : i32 to index
    %swap3A_675 = arith.constant 0 : index
    %swap3A_676 = tpu.vector_load %arg10[%swap3A_674, %swap3A_675] {strides = array<i32>} : memref<128x128xf32, #tpu.memory_space<vmem>>, vector<1x16xf32>,
    %swap3A_677 = vector.shape_cast %swap3A_676 : vector<1x16xf32> to vector<16xf32>
    %swap3A_678 = vector.shape_cast %broadcast_in_dim3A_1 : vector<16xf32> to vector<1x16xf32>
    tpu.vector_store %arg10[%swap3A_674, %swap3A_675], %swap3A_678 {strides = array<i32>} : memref<128x128xf32, #tpu.memory_space<vmem>>, vector<1x16xf32>,
    %swap3A_679 = arith.constant 14 : i32
    %swap3A_680 = arith.index_cast %swap3A_679 : i32 to index
    %swap3A_681 = arith.constant 16 : index
    %swap3A_682 = tpu.vector_load %arg10[%swap3A_680, %swap3A_681] {strides = array<i32>} : memref<128x128xf32, #tpu.memory_space<vmem>>, vector<1x16xf32>,
    %swap3A_683 = vector.shape_cast %swap3A_682 : vector<1x16xf32> to vector<16xf32>
    %swap3A_684 = vector.shape_cast %broadcast_in_dim3A_1 : vector<16xf32> to vector<1x16xf32>
    tpu.vector_store %arg10[%swap3A_680, %swap3A_681], %swap3A_684 {strides = array<i32>} : memref<128x128xf32, #tpu.memory_space<vmem>>, vector<1x16xf32>,
    %swap3A_685 = arith.constant 14 : i32
    %swap3A_686 = arith.index_cast %swap3A_685 : i32 to index
    %swap3A_687 = arith.constant 32 : index
    %swap3A_688 = tpu.vector_load %arg10[%swap3A_686, %swap3A_687] {strides = array<i32>} : memref<128x128xf32, #tpu.memory_space<vmem>>, vector<1x16xf32>,
    %swap3A_689 = vector.shape_cast %swap3A_688 : vector<1x16xf32> to vector<16xf32>
    %swap3A_690 = vector.shape_cast %broadcast_in_dim3A_1 : vector<16xf32> to vector<1x16xf32>
    tpu.vector_store %arg10[%swap3A_686, %swap3A_687], %swap3A_690 {strides = array<i32>} : memref<128x128xf32, #tpu.memory_space<vmem>>, vector<1x16xf32>,
    %swap3A_691 = arith.constant 14 : i32
    %swap3A_692 = arith.index_cast %swap3A_691 : i32 to index
    %swap3A_693 = arith.constant 48 : index
    %swap3A_694 = tpu.vector_load %arg10[%swap3A_692, %swap3A_693] {strides = array<i32>} : memref<128x128xf32, #tpu.memory_space<vmem>>, vector<1x16xf32>,
    %swap3A_695 = vector.shape_cast %swap3A_694 : vector<1x16xf32> to vector<16xf32>
    %swap3A_696 = vector.shape_cast %broadcast_in_dim3A_1 : vector<16xf32> to vector<1x16xf32>
    tpu.vector_store %arg10[%swap3A_692, %swap3A_693], %swap3A_696 {strides = array<i32>} : memref<128x128xf32, #tpu.memory_space<vmem>>, vector<1x16xf32>,
    %swap3A_697 = arith.constant 14 : i32
    %swap3A_698 = arith.index_cast %swap3A_697 : i32 to index
    %swap3A_699 = arith.constant 64 : index
    %swap3A_700 = tpu.vector_load %arg10[%swap3A_698, %swap3A_699] {strides = array<i32>} : memref<128x128xf32, #tpu.memory_space<vmem>>, vector<1x16xf32>,
    %swap3A_701 = vector.shape_cast %swap3A_700 : vector<1x16xf32> to vector<16xf32>
    %swap3A_702 = vector.shape_cast %broadcast_in_dim3A_1 : vector<16xf32> to vector<1x16xf32>
    tpu.vector_store %arg10[%swap3A_698, %swap3A_699], %swap3A_702 {strides = array<i32>} : memref<128x128xf32, #tpu.memory_space<vmem>>, vector<1x16xf32>,
    %swap3A_703 = arith.constant 14 : i32
    %swap3A_704 = arith.index_cast %swap3A_703 : i32 to index
    %swap3A_705 = arith.constant 80 : index
    %swap3A_706 = tpu.vector_load %arg10[%swap3A_704, %swap3A_705] {strides = array<i32>} : memref<128x128xf32, #tpu.memory_space<vmem>>, vector<1x16xf32>,
    %swap3A_707 = vector.shape_cast %swap3A_706 : vector<1x16xf32> to vector<16xf32>
    %swap3A_708 = vector.shape_cast %broadcast_in_dim3A_1 : vector<16xf32> to vector<1x16xf32>
    tpu.vector_store %arg10[%swap3A_704, %swap3A_705], %swap3A_708 {strides = array<i32>} : memref<128x128xf32, #tpu.memory_space<vmem>>, vector<1x16xf32>,
    %swap3A_709 = arith.constant 14 : i32
    %swap3A_710 = arith.index_cast %swap3A_709 : i32 to index
    %swap3A_711 = arith.constant 96 : index
    %swap3A_712 = tpu.vector_load %arg10[%swap3A_710, %swap3A_711] {strides = array<i32>} : memref<128x128xf32, #tpu.memory_space<vmem>>, vector<1x16xf32>,
    %swap3A_713 = vector.shape_cast %swap3A_712 : vector<1x16xf32> to vector<16xf32>
    %swap3A_714 = vector.shape_cast %broadcast_in_dim3A_1 : vector<16xf32> to vector<1x16xf32>
    tpu.vector_store %arg10[%swap3A_710, %swap3A_711], %swap3A_714 {strides = array<i32>} : memref<128x128xf32, #tpu.memory_space<vmem>>, vector<1x16xf32>,
    %swap3A_715 = arith.constant 14 : i32
    %swap3A_716 = arith.index_cast %swap3A_715 : i32 to index
    %swap3A_717 = arith.constant 112 : index
    %swap3A_718 = tpu.vector_load %arg10[%swap3A_716, %swap3A_717] {strides = array<i32>} : memref<128x128xf32, #tpu.memory_space<vmem>>, vector<1x16xf32>,
    %swap3A_719 = vector.shape_cast %swap3A_718 : vector<1x16xf32> to vector<16xf32>
    %swap3A_720 = vector.shape_cast %broadcast_in_dim3A_1 : vector<16xf32> to vector<1x16xf32>
    tpu.vector_store %arg10[%swap3A_716, %swap3A_717], %swap3A_720 {strides = array<i32>} : memref<128x128xf32, #tpu.memory_space<vmem>>, vector<1x16xf32>,
    %swap3A_721 = arith.constant 15 : i32
    %swap3A_722 = arith.index_cast %swap3A_721 : i32 to index
    %swap3A_723 = arith.constant 0 : index
    %swap3A_724 = tpu.vector_load %arg10[%swap3A_722, %swap3A_723] {strides = array<i32>} : memref<128x128xf32, #tpu.memory_space<vmem>>, vector<1x16xf32>,
    %swap3A_725 = vector.shape_cast %swap3A_724 : vector<1x16xf32> to vector<16xf32>
    %swap3A_726 = vector.shape_cast %broadcast_in_dim3A_1 : vector<16xf32> to vector<1x16xf32>
    tpu.vector_store %arg10[%swap3A_722, %swap3A_723], %swap3A_726 {strides = array<i32>} : memref<128x128xf32, #tpu.memory_space<vmem>>, vector<1x16xf32>,
    %swap3A_727 = arith.constant 15 : i32
    %swap3A_728 = arith.index_cast %swap3A_727 : i32 to index
    %swap3A_729 = arith.constant 16 : index
    %swap3A_730 = tpu.vector_load %arg10[%swap3A_728, %swap3A_729] {strides = array<i32>} : memref<128x128xf32, #tpu.memory_space<vmem>>, vector<1x16xf32>,
    %swap3A_731 = vector.shape_cast %swap3A_730 : vector<1x16xf32> to vector<16xf32>
    %swap3A_732 = vector.shape_cast %broadcast_in_dim3A_1 : vector<16xf32> to vector<1x16xf32>
    tpu.vector_store %arg10[%swap3A_728, %swap3A_729], %swap3A_732 {strides = array<i32>} : memref<128x128xf32, #tpu.memory_space<vmem>>, vector<1x16xf32>,
    %swap3A_733 = arith.constant 15 : i32
    %swap3A_734 = arith.index_cast %swap3A_733 : i32 to index
    %swap3A_735 = arith.constant 32 : index
    %swap3A_736 = tpu.vector_load %arg10[%swap3A_734, %swap3A_735] {strides = array<i32>} : memref<128x128xf32, #tpu.memory_space<vmem>>, vector<1x16xf32>,
    %swap3A_737 = vector.shape_cast %swap3A_736 : vector<1x16xf32> to vector<16xf32>
    %swap3A_738 = vector.shape_cast %broadcast_in_dim3A_1 : vector<16xf32> to vector<1x16xf32>
    tpu.vector_store %arg10[%swap3A_734, %swap3A_735], %swap3A_738 {strides = array<i32>} : memref<128x128xf32, #tpu.memory_space<vmem>>, vector<1x16xf32>,
    %swap3A_739 = arith.constant 15 : i32
    %swap3A_740 = arith.index_cast %swap3A_739 : i32 to index
    %swap3A_741 = arith.constant 48 : index
    %swap3A_742 = tpu.vector_load %arg10[%swap3A_740, %swap3A_741] {strides = array<i32>} : memref<128x128xf32, #tpu.memory_space<vmem>>, vector<1x16xf32>,
    %swap3A_743 = vector.shape_cast %swap3A_742 : vector<1x16xf32> to vector<16xf32>
    %swap3A_744 = vector.shape_cast %broadcast_in_dim3A_1 : vector<16xf32> to vector<1x16xf32>
    tpu.vector_store %arg10[%swap3A_740, %swap3A_741], %swap3A_744 {strides = array<i32>} : memref<128x128xf32, #tpu.memory_space<vmem>>, vector<1x16xf32>,
    %swap3A_745 = arith.constant 15 : i32
    %swap3A_746 = arith.index_cast %swap3A_745 : i32 to index
    %swap3A_747 = arith.constant 64 : index
    %swap3A_748 = tpu.vector_load %arg10[%swap3A_746, %swap3A_747] {strides = array<i32>} : memref<128x128xf32, #tpu.memory_space<vmem>>, vector<1x16xf32>,
    %swap3A_749 = vector.shape_cast %swap3A_748 : vector<1x16xf32> to vector<16xf32>
    %swap3A_750 = vector.shape_cast %broadcast_in_dim3A_1 : vector<16xf32> to vector<1x16xf32>
    tpu.vector_store %arg10[%swap3A_746, %swap3A_747], %swap3A_750 {strides = array<i32>} : memref<128x128xf32, #tpu.memory_space<vmem>>, vector<1x16xf32>,
    %swap3A_751 = arith.constant 15 : i32
    %swap3A_752 = arith.index_cast %swap3A_751 : i32 to index
    %swap3A_753 = arith.constant 80 : index
    %swap3A_754 = tpu.vector_load %arg10[%swap3A_752, %swap3A_753] {strides = array<i32>} : memref<128x128xf32, #tpu.memory_space<vmem>>, vector<1x16xf32>,
    %swap3A_755 = vector.shape_cast %swap3A_754 : vector<1x16xf32> to vector<16xf32>
    %swap3A_756 = vector.shape_cast %broadcast_in_dim3A_1 : vector<16xf32> to vector<1x16xf32>
    tpu.vector_store %arg10[%swap3A_752, %swap3A_753], %swap3A_756 {strides = array<i32>} : memref<128x128xf32, #tpu.memory_space<vmem>>, vector<1x16xf32>,
    %swap3A_757 = arith.constant 15 : i32
    %swap3A_758 = arith.index_cast %swap3A_757 : i32 to index
    %swap3A_759 = arith.constant 96 : index
    %swap3A_760 = tpu.vector_load %arg10[%swap3A_758, %swap3A_759] {strides = array<i32>} : memref<128x128xf32, #tpu.memory_space<vmem>>, vector<1x16xf32>,
    %swap3A_761 = vector.shape_cast %swap3A_760 : vector<1x16xf32> to vector<16xf32>
    %swap3A_762 = vector.shape_cast %broadcast_in_dim3A_1 : vector<16xf32> to vector<1x16xf32>
    tpu.vector_store %arg10[%swap3A_758, %swap3A_759], %swap3A_762 {strides = array<i32>} : memref<128x128xf32, #tpu.memory_space<vmem>>, vector<1x16xf32>,
    %swap3A_763 = arith.constant 15 : i32
    %swap3A_764 = arith.index_cast %swap3A_763 : i32 to index
    %swap3A_765 = arith.constant 112 : index
    %swap3A_766 = tpu.vector_load %arg10[%swap3A_764, %swap3A_765] {strides = array<i32>} : memref<128x128xf32, #tpu.memory_space<vmem>>, vector<1x16xf32>,
    %swap3A_767 = vector.shape_cast %swap3A_766 : vector<1x16xf32> to vector<16xf32>
    %swap3A_768 = vector.shape_cast %broadcast_in_dim3A_1 : vector<16xf32> to vector<1x16xf32>
    tpu.vector_store %arg10[%swap3A_764, %swap3A_765], %swap3A_768 {strides = array<i32>} : memref<128x128xf32, #tpu.memory_space<vmem>>, vector<1x16xf32>,
    %mul3A_769 = arith.constant 624 : i32
    %mul3A_770 = arith.muli %arg1, %mul3A_769 : i32
    %add3A_771 = arith.constant 0 : i32
    %add3A_772 = arith.addi %mul3A_770, %add3A_771 : i32
    %dma_start3A = arith.constant 0 : i32
    %dma_start3A_773 = arith.constant 0 : i32
    %dma_start3A_774 = tpu.memref_slice %arg10[%dma_start3A, %dma_start3A_773] : memref<128x128xf32, #tpu.memory_space<vmem>> -> memref<16x128xf32, #tpu.memory_space<vmem>>
    %dma_start3A_775 = arith.constant 0 : i32
    %dma_start3A_776 = tpu.memref_slice %arg11[%add3A_772, %dma_start3A_775] : memref<10000x128xf32, #tpu.memory_space<vmem_shared>> -> memref<16x128xf32, #tpu.memory_space<vmem_shared>>
    %dma_start3A_777 = arith.constant 0 : i32
    %dma_start3A_778 = tpu.memref_slice %arg11[%add3A_772, %dma_start3A_777] : memref<10000x128xf32, #tpu.memory_space<vmem_shared>> -> memref<16x128xf32, #tpu.memory_space<vmem_shared>>
    %dma_start3A_779 = arith.constant 0 : i32
    %dma_start3A_780 = arith.constant 0 : i32
    %dma_start3A_781 = tpu.memref_slice %arg10[%dma_start3A_779, %dma_start3A_780] : memref<128x128xf32, #tpu.memory_space<vmem>> -> memref<16x128xf32, #tpu.memory_space<vmem>>
    tpu.enqueue_dma source(%dma_start3A_781 : memref<16x128xf32, #tpu.memory_space<vmem>>) target(%dma_start3A_778 : memref<16x128xf32, #tpu.memory_space<vmem_shared>>) target_semaphore(%arg21 : memref<!tpu.dma_semaphore, #tpu.memory_space<semaphore_mem>>)
    %add3A_782 = arith.constant 16 : i32
    %add3A_783 = arith.addi %mul3A_770, %add3A_782 : i32
    %dma_start3A_784 = arith.constant 0 : i32
    %dma_start3A_785 = arith.constant 0 : i32
    %dma_start3A_786 = tpu.memref_slice %arg10[%dma_start3A_784, %dma_start3A_785] : memref<128x128xf32, #tpu.memory_space<vmem>> -> memref<16x128xf32, #tpu.memory_space<vmem>>
    %dma_start3A_787 = arith.constant 0 : i32
    %dma_start3A_788 = tpu.memref_slice %arg11[%add3A_783, %dma_start3A_787] : memref<10000x128xf32, #tpu.memory_space<vmem_shared>> -> memref<16x128xf32, #tpu.memory_space<vmem_shared>>
    %dma_start3A_789 = arith.constant 0 : i32
    %dma_start3A_790 = tpu.memref_slice %arg11[%add3A_783, %dma_start3A_789] : memref<10000x128xf32, #tpu.memory_space<vmem_shared>> -> memref<16x128xf32, #tpu.memory_space<vmem_shared>>
    %dma_start3A_791 = arith.constant 0 : i32
    %dma_start3A_792 = arith.constant 0 : i32
    %dma_start3A_793 = tpu.memref_slice %arg10[%dma_start3A_791, %dma_start3A_792] : memref<128x128xf32, #tpu.memory_space<vmem>> -> memref<16x128xf32, #tpu.memory_space<vmem>>
    tpu.enqueue_dma source(%dma_start3A_793 : memref<16x128xf32, #tpu.memory_space<vmem>>) target(%dma_start3A_790 : memref<16x128xf32, #tpu.memory_space<vmem_shared>>) target_semaphore(%arg21 : memref<!tpu.dma_semaphore, #tpu.memory_space<semaphore_mem>>)
    %add3A_794 = arith.constant 32 : i32
    %add3A_795 = arith.addi %mul3A_770, %add3A_794 : i32
    %dma_start3A_796 = arith.constant 0 : i32
    %dma_start3A_797 = arith.constant 0 : i32
    %dma_start3A_798 = tpu.memref_slice %arg10[%dma_start3A_796, %dma_start3A_797] : memref<128x128xf32, #tpu.memory_space<vmem>> -> memref<16x128xf32, #tpu.memory_space<vmem>>
    %dma_start3A_799 = arith.constant 0 : i32
    %dma_start3A_800 = tpu.memref_slice %arg11[%add3A_795, %dma_start3A_799] : memref<10000x128xf32, #tpu.memory_space<vmem_shared>> -> memref<16x128xf32, #tpu.memory_space<vmem_shared>>
    %dma_start3A_801 = arith.constant 0 : i32
    %dma_start3A_802 = tpu.memref_slice %arg11[%add3A_795, %dma_start3A_801] : memref<10000x128xf32, #tpu.memory_space<vmem_shared>> -> memref<16x128xf32, #tpu.memory_space<vmem_shared>>
    %dma_start3A_803 = arith.constant 0 : i32
    %dma_start3A_804 = arith.constant 0 : i32
    %dma_start3A_805 = tpu.memref_slice %arg10[%dma_start3A_803, %dma_start3A_804] : memref<128x128xf32, #tpu.memory_space<vmem>> -> memref<16x128xf32, #tpu.memory_space<vmem>>
    tpu.enqueue_dma source(%dma_start3A_805 : memref<16x128xf32, #tpu.memory_space<vmem>>) target(%dma_start3A_802 : memref<16x128xf32, #tpu.memory_space<vmem_shared>>) target_semaphore(%arg21 : memref<!tpu.dma_semaphore, #tpu.memory_space<semaphore_mem>>)
    %add3A_806 = arith.constant 48 : i32
    %add3A_807 = arith.addi %mul3A_770, %add3A_806 : i32
    %dma_start3A_808 = arith.constant 0 : i32
    %dma_start3A_809 = arith.constant 0 : i32
    %dma_start3A_810 = tpu.memref_slice %arg10[%dma_start3A_808, %dma_start3A_809] : memref<128x128xf32, #tpu.memory_space<vmem>> -> memref<16x128xf32, #tpu.memory_space<vmem>>
    %dma_start3A_811 = arith.constant 0 : i32
    %dma_start3A_812 = tpu.memref_slice %arg11[%add3A_807, %dma_start3A_811] : memref<10000x128xf32, #tpu.memory_space<vmem_shared>> -> memref<16x128xf32, #tpu.memory_space<vmem_shared>>
    %dma_start3A_813 = arith.constant 0 : i32
    %dma_start3A_814 = tpu.memref_slice %arg11[%add3A_807, %dma_start3A_813] : memref<10000x128xf32, #tpu.memory_space<vmem_shared>> -> memref<16x128xf32, #tpu.memory_space<vmem_shared>>
    %dma_start3A_815 = arith.constant 0 : i32
    %dma_start3A_816 = arith.constant 0 : i32
    %dma_start3A_817 = tpu.memref_slice %arg10[%dma_start3A_815, %dma_start3A_816] : memref<128x128xf32, #tpu.memory_space<vmem>> -> memref<16x128xf32, #tpu.memory_space<vmem>>
    tpu.enqueue_dma source(%dma_start3A_817 : memref<16x128xf32, #tpu.memory_space<vmem>>) target(%dma_start3A_814 : memref<16x128xf32, #tpu.memory_space<vmem_shared>>) target_semaphore(%arg21 : memref<!tpu.dma_semaphore, #tpu.memory_space<semaphore_mem>>)
    %add3A_818 = arith.constant 64 : i32
    %add3A_819 = arith.addi %mul3A_770, %add3A_818 : i32
    %dma_start3A_820 = arith.constant 0 : i32
    %dma_start3A_821 = arith.constant 0 : i32
    %dma_start3A_822 = tpu.memref_slice %arg10[%dma_start3A_820, %dma_start3A_821] : memref<128x128xf32, #tpu.memory_space<vmem>> -> memref<16x128xf32, #tpu.memory_space<vmem>>
    %dma_start3A_823 = arith.constant 0 : i32
    %dma_start3A_824 = tpu.memref_slice %arg11[%add3A_819, %dma_start3A_823] : memref<10000x128xf32, #tpu.memory_space<vmem_shared>> -> memref<16x128xf32, #tpu.memory_space<vmem_shared>>
    %dma_start3A_825 = arith.constant 0 : i32
    %dma_start3A_826 = tpu.memref_slice %arg11[%add3A_819, %dma_start3A_825] : memref<10000x128xf32, #tpu.memory_space<vmem_shared>> -> memref<16x128xf32, #tpu.memory_space<vmem_shared>>
    %dma_start3A_827 = arith.constant 0 : i32
    %dma_start3A_828 = arith.constant 0 : i32
    %dma_start3A_829 = tpu.memref_slice %arg10[%dma_start3A_827, %dma_start3A_828] : memref<128x128xf32, #tpu.memory_space<vmem>> -> memref<16x128xf32, #tpu.memory_space<vmem>>
    tpu.enqueue_dma source(%dma_start3A_829 : memref<16x128xf32, #tpu.memory_space<vmem>>) target(%dma_start3A_826 : memref<16x128xf32, #tpu.memory_space<vmem_shared>>) target_semaphore(%arg21 : memref<!tpu.dma_semaphore, #tpu.memory_space<semaphore_mem>>)
    %add3A_830 = arith.constant 80 : i32
    %add3A_831 = arith.addi %mul3A_770, %add3A_830 : i32
    %dma_start3A_832 = arith.constant 0 : i32
    %dma_start3A_833 = arith.constant 0 : i32
    %dma_start3A_834 = tpu.memref_slice %arg10[%dma_start3A_832, %dma_start3A_833] : memref<128x128xf32, #tpu.memory_space<vmem>> -> memref<16x128xf32, #tpu.memory_space<vmem>>
    %dma_start3A_835 = arith.constant 0 : i32
    %dma_start3A_836 = tpu.memref_slice %arg11[%add3A_831, %dma_start3A_835] : memref<10000x128xf32, #tpu.memory_space<vmem_shared>> -> memref<16x128xf32, #tpu.memory_space<vmem_shared>>
    %dma_start3A_837 = arith.constant 0 : i32
    %dma_start3A_838 = tpu.memref_slice %arg11[%add3A_831, %dma_start3A_837] : memref<10000x128xf32, #tpu.memory_space<vmem_shared>> -> memref<16x128xf32, #tpu.memory_space<vmem_shared>>
    %dma_start3A_839 = arith.constant 0 : i32
    %dma_start3A_840 = arith.constant 0 : i32
    %dma_start3A_841 = tpu.memref_slice %arg10[%dma_start3A_839, %dma_start3A_840] : memref<128x128xf32, #tpu.memory_space<vmem>> -> memref<16x128xf32, #tpu.memory_space<vmem>>
    tpu.enqueue_dma source(%dma_start3A_841 : memref<16x128xf32, #tpu.memory_space<vmem>>) target(%dma_start3A_838 : memref<16x128xf32, #tpu.memory_space<vmem_shared>>) target_semaphore(%arg21 : memref<!tpu.dma_semaphore, #tpu.memory_space<semaphore_mem>>)
    %add3A_842 = arith.constant 96 : i32
    %add3A_843 = arith.addi %mul3A_770, %add3A_842 : i32
    %dma_start3A_844 = arith.constant 0 : i32
    %dma_start3A_845 = arith.constant 0 : i32
    %dma_start3A_846 = tpu.memref_slice %arg10[%dma_start3A_844, %dma_start3A_845] : memref<128x128xf32, #tpu.memory_space<vmem>> -> memref<16x128xf32, #tpu.memory_space<vmem>>
    %dma_start3A_847 = arith.constant 0 : i32
    %dma_start3A_848 = tpu.memref_slice %arg11[%add3A_843, %dma_start3A_847] : memref<10000x128xf32, #tpu.memory_space<vmem_shared>> -> memref<16x128xf32, #tpu.memory_space<vmem_shared>>
    %dma_start3A_849 = arith.constant 0 : i32
    %dma_start3A_850 = tpu.memref_slice %arg11[%add3A_843, %dma_start3A_849] : memref<10000x128xf32, #tpu.memory_space<vmem_shared>> -> memref<16x128xf32, #tpu.memory_space<vmem_shared>>
    %dma_start3A_851 = arith.constant 0 : i32
    %dma_start3A_852 = arith.constant 0 : i32
    %dma_start3A_853 = tpu.memref_slice %arg10[%dma_start3A_851, %dma_start3A_852] : memref<128x128xf32, #tpu.memory_space<vmem>> -> memref<16x128xf32, #tpu.memory_space<vmem>>
    tpu.enqueue_dma source(%dma_start3A_853 : memref<16x128xf32, #tpu.memory_space<vmem>>) target(%dma_start3A_850 : memref<16x128xf32, #tpu.memory_space<vmem_shared>>) target_semaphore(%arg21 : memref<!tpu.dma_semaphore, #tpu.memory_space<semaphore_mem>>)
    %add3A_854 = arith.constant 112 : i32
    %add3A_855 = arith.addi %mul3A_770, %add3A_854 : i32
    %dma_start3A_856 = arith.constant 0 : i32
    %dma_start3A_857 = arith.constant 0 : i32
    %dma_start3A_858 = tpu.memref_slice %arg10[%dma_start3A_856, %dma_start3A_857] : memref<128x128xf32, #tpu.memory_space<vmem>> -> memref<16x128xf32, #tpu.memory_space<vmem>>
    %dma_start3A_859 = arith.constant 0 : i32
    %dma_start3A_860 = tpu.memref_slice %arg11[%add3A_855, %dma_start3A_859] : memref<10000x128xf32, #tpu.memory_space<vmem_shared>> -> memref<16x128xf32, #tpu.memory_space<vmem_shared>>
    %dma_start3A_861 = arith.constant 0 : i32
    %dma_start3A_862 = tpu.memref_slice %arg11[%add3A_855, %dma_start3A_861] : memref<10000x128xf32, #tpu.memory_space<vmem_shared>> -> memref<16x128xf32, #tpu.memory_space<vmem_shared>>
    %dma_start3A_863 = arith.constant 0 : i32
    %dma_start3A_864 = arith.constant 0 : i32
    %dma_start3A_865 = tpu.memref_slice %arg10[%dma_start3A_863, %dma_start3A_864] : memref<128x128xf32, #tpu.memory_space<vmem>> -> memref<16x128xf32, #tpu.memory_space<vmem>>
    tpu.enqueue_dma source(%dma_start3A_865 : memref<16x128xf32, #tpu.memory_space<vmem>>) target(%dma_start3A_862 : memref<16x128xf32, #tpu.memory_space<vmem_shared>>) target_semaphore(%arg21 : memref<!tpu.dma_semaphore, #tpu.memory_space<semaphore_mem>>)
    %add3A_866 = arith.constant 128 : i32
    %add3A_867 = arith.addi %mul3A_770, %add3A_866 : i32
    %dma_start3A_868 = arith.constant 0 : i32
    %dma_start3A_869 = arith.constant 0 : i32
    %dma_start3A_870 = tpu.memref_slice %arg10[%dma_start3A_868, %dma_start3A_869] : memref<128x128xf32, #tpu.memory_space<vmem>> -> memref<16x128xf32, #tpu.memory_space<vmem>>
    %dma_start3A_871 = arith.constant 0 : i32
    %dma_start3A_872 = tpu.memref_slice %arg11[%add3A_867, %dma_start3A_871] : memref<10000x128xf32, #tpu.memory_space<vmem_shared>> -> memref<16x128xf32, #tpu.memory_space<vmem_shared>>
    %dma_start3A_873 = arith.constant 0 : i32
    %dma_start3A_874 = tpu.memref_slice %arg11[%add3A_867, %dma_start3A_873] : memref<10000x128xf32, #tpu.memory_space<vmem_shared>> -> memref<16x128xf32, #tpu.memory_space<vmem_shared>>
    %dma_start3A_875 = arith.constant 0 : i32
    %dma_start3A_876 = arith.constant 0 : i32
    %dma_start3A_877 = tpu.memref_slice %arg10[%dma_start3A_875, %dma_start3A_876] : memref<128x128xf32, #tpu.memory_space<vmem>> -> memref<16x128xf32, #tpu.memory_space<vmem>>
    tpu.enqueue_dma source(%dma_start3A_877 : memref<16x128xf32, #tpu.memory_space<vmem>>) target(%dma_start3A_874 : memref<16x128xf32, #tpu.memory_space<vmem_shared>>) target_semaphore(%arg21 : memref<!tpu.dma_semaphore, #tpu.memory_space<semaphore_mem>>)
    %add3A_878 = arith.constant 144 : i32
    %add3A_879 = arith.addi %mul3A_770, %add3A_878 : i32
    %dma_start3A_880 = arith.constant 0 : i32
    %dma_start3A_881 = arith.constant 0 : i32
    %dma_start3A_882 = tpu.memref_slice %arg10[%dma_start3A_880, %dma_start3A_881] : memref<128x128xf32, #tpu.memory_space<vmem>> -> memref<16x128xf32, #tpu.memory_space<vmem>>
    %dma_start3A_883 = arith.constant 0 : i32
    %dma_start3A_884 = tpu.memref_slice %arg11[%add3A_879, %dma_start3A_883] : memref<10000x128xf32, #tpu.memory_space<vmem_shared>> -> memref<16x128xf32, #tpu.memory_space<vmem_shared>>
    %dma_start3A_885 = arith.constant 0 : i32
    %dma_start3A_886 = tpu.memref_slice %arg11[%add3A_879, %dma_start3A_885] : memref<10000x128xf32, #tpu.memory_space<vmem_shared>> -> memref<16x128xf32, #tpu.memory_space<vmem_shared>>
    %dma_start3A_887 = arith.constant 0 : i32
    %dma_start3A_888 = arith.constant 0 : i32
    %dma_start3A_889 = tpu.memref_slice %arg10[%dma_start3A_887, %dma_start3A_888] : memref<128x128xf32, #tpu.memory_space<vmem>> -> memref<16x128xf32, #tpu.memory_space<vmem>>
    tpu.enqueue_dma source(%dma_start3A_889 : memref<16x128xf32, #tpu.memory_space<vmem>>) target(%dma_start3A_886 : memref<16x128xf32, #tpu.memory_space<vmem_shared>>) target_semaphore(%arg21 : memref<!tpu.dma_semaphore, #tpu.memory_space<semaphore_mem>>)
    %add3A_890 = arith.constant 160 : i32
    %add3A_891 = arith.addi %mul3A_770, %add3A_890 : i32
    %dma_start3A_892 = arith.constant 0 : i32
    %dma_start3A_893 = arith.constant 0 : i32
    %dma_start3A_894 = tpu.memref_slice %arg10[%dma_start3A_892, %dma_start3A_893] : memref<128x128xf32, #tpu.memory_space<vmem>> -> memref<16x128xf32, #tpu.memory_space<vmem>>
    %dma_start3A_895 = arith.constant 0 : i32
    %dma_start3A_896 = tpu.memref_slice %arg11[%add3A_891, %dma_start3A_895] : memref<10000x128xf32, #tpu.memory_space<vmem_shared>> -> memref<16x128xf32, #tpu.memory_space<vmem_shared>>
    %dma_start3A_897 = arith.constant 0 : i32
    %dma_start3A_898 = tpu.memref_slice %arg11[%add3A_891, %dma_start3A_897] : memref<10000x128xf32, #tpu.memory_space<vmem_shared>> -> memref<16x128xf32, #tpu.memory_space<vmem_shared>>
    %dma_start3A_899 = arith.constant 0 : i32
    %dma_start3A_900 = arith.constant 0 : i32
    %dma_start3A_901 = tpu.memref_slice %arg10[%dma_start3A_899, %dma_start3A_900] : memref<128x128xf32, #tpu.memory_space<vmem>> -> memref<16x128xf32, #tpu.memory_space<vmem>>
    tpu.enqueue_dma source(%dma_start3A_901 : memref<16x128xf32, #tpu.memory_space<vmem>>) target(%dma_start3A_898 : memref<16x128xf32, #tpu.memory_space<vmem_shared>>) target_semaphore(%arg21 : memref<!tpu.dma_semaphore, #tpu.memory_space<semaphore_mem>>)
    %add3A_902 = arith.constant 176 : i32
    %add3A_903 = arith.addi %mul3A_770, %add3A_902 : i32
    %dma_start3A_904 = arith.constant 0 : i32
    %dma_start3A_905 = arith.constant 0 : i32
    %dma_start3A_906 = tpu.memref_slice %arg10[%dma_start3A_904, %dma_start3A_905] : memref<128x128xf32, #tpu.memory_space<vmem>> -> memref<16x128xf32, #tpu.memory_space<vmem>>
    %dma_start3A_907 = arith.constant 0 : i32
    %dma_start3A_908 = tpu.memref_slice %arg11[%add3A_903, %dma_start3A_907] : memref<10000x128xf32, #tpu.memory_space<vmem_shared>> -> memref<16x128xf32, #tpu.memory_space<vmem_shared>>
    %dma_start3A_909 = arith.constant 0 : i32
    %dma_start3A_910 = tpu.memref_slice %arg11[%add3A_903, %dma_start3A_909] : memref<10000x128xf32, #tpu.memory_space<vmem_shared>> -> memref<16x128xf32, #tpu.memory_space<vmem_shared>>
    %dma_start3A_911 = arith.constant 0 : i32
    %dma_start3A_912 = arith.constant 0 : i32
    %dma_start3A_913 = tpu.memref_slice %arg10[%dma_start3A_911, %dma_start3A_912] : memref<128x128xf32, #tpu.memory_space<vmem>> -> memref<16x128xf32, #tpu.memory_space<vmem>>
    tpu.enqueue_dma source(%dma_start3A_913 : memref<16x128xf32, #tpu.memory_space<vmem>>) target(%dma_start3A_910 : memref<16x128xf32, #tpu.memory_space<vmem_shared>>) target_semaphore(%arg21 : memref<!tpu.dma_semaphore, #tpu.memory_space<semaphore_mem>>)
    %add3A_914 = arith.constant 192 : i32
    %add3A_915 = arith.addi %mul3A_770, %add3A_914 : i32
    %dma_start3A_916 = arith.constant 0 : i32
    %dma_start3A_917 = arith.constant 0 : i32
    %dma_start3A_918 = tpu.memref_slice %arg10[%dma_start3A_916, %dma_start3A_917] : memref<128x128xf32, #tpu.memory_space<vmem>> -> memref<16x128xf32, #tpu.memory_space<vmem>>
    %dma_start3A_919 = arith.constant 0 : i32
    %dma_start3A_920 = tpu.memref_slice %arg11[%add3A_915, %dma_start3A_919] : memref<10000x128xf32, #tpu.memory_space<vmem_shared>> -> memref<16x128xf32, #tpu.memory_space<vmem_shared>>
    %dma_start3A_921 = arith.constant 0 : i32
    %dma_start3A_922 = tpu.memref_slice %arg11[%add3A_915, %dma_start3A_921] : memref<10000x128xf32, #tpu.memory_space<vmem_shared>> -> memref<16x128xf32, #tpu.memory_space<vmem_shared>>
    %dma_start3A_923 = arith.constant 0 : i32
    %dma_start3A_924 = arith.constant 0 : i32
    %dma_start3A_925 = tpu.memref_slice %arg10[%dma_start3A_923, %dma_start3A_924] : memref<128x128xf32, #tpu.memory_space<vmem>> -> memref<16x128xf32, #tpu.memory_space<vmem>>
    tpu.enqueue_dma source(%dma_start3A_925 : memref<16x128xf32, #tpu.memory_space<vmem>>) target(%dma_start3A_922 : memref<16x128xf32, #tpu.memory_space<vmem_shared>>) target_semaphore(%arg21 : memref<!tpu.dma_semaphore, #tpu.memory_space<semaphore_mem>>)
    %add3A_926 = arith.constant 208 : i32
    %add3A_927 = arith.addi %mul3A_770, %add3A_926 : i32
    %dma_start3A_928 = arith.constant 0 : i32
    %dma_start3A_929 = arith.constant 0 : i32
    %dma_start3A_930 = tpu.memref_slice %arg10[%dma_start3A_928, %dma_start3A_929] : memref<128x128xf32, #tpu.memory_space<vmem>> -> memref<16x128xf32, #tpu.memory_space<vmem>>
    %dma_start3A_931 = arith.constant 0 : i32
    %dma_start3A_932 = tpu.memref_slice %arg11[%add3A_927, %dma_start3A_931] : memref<10000x128xf32, #tpu.memory_space<vmem_shared>> -> memref<16x128xf32, #tpu.memory_space<vmem_shared>>
    %dma_start3A_933 = arith.constant 0 : i32
    %dma_start3A_934 = tpu.memref_slice %arg11[%add3A_927, %dma_start3A_933] : memref<10000x128xf32, #tpu.memory_space<vmem_shared>> -> memref<16x128xf32, #tpu.memory_space<vmem_shared>>
    %dma_start3A_935 = arith.constant 0 : i32
    %dma_start3A_936 = arith.constant 0 : i32
    %dma_start3A_937 = tpu.memref_slice %arg10[%dma_start3A_935, %dma_start3A_936] : memref<128x128xf32, #tpu.memory_space<vmem>> -> memref<16x128xf32, #tpu.memory_space<vmem>>
    tpu.enqueue_dma source(%dma_start3A_937 : memref<16x128xf32, #tpu.memory_space<vmem>>) target(%dma_start3A_934 : memref<16x128xf32, #tpu.memory_space<vmem_shared>>) target_semaphore(%arg21 : memref<!tpu.dma_semaphore, #tpu.memory_space<semaphore_mem>>)
    %add3A_938 = arith.constant 224 : i32
    %add3A_939 = arith.addi %mul3A_770, %add3A_938 : i32
    %dma_start3A_940 = arith.constant 0 : i32
    %dma_start3A_941 = arith.constant 0 : i32
    %dma_start3A_942 = tpu.memref_slice %arg10[%dma_start3A_940, %dma_start3A_941] : memref<128x128xf32, #tpu.memory_space<vmem>> -> memref<16x128xf32, #tpu.memory_space<vmem>>
    %dma_start3A_943 = arith.constant 0 : i32
    %dma_start3A_944 = tpu.memref_slice %arg11[%add3A_939, %dma_start3A_943] : memref<10000x128xf32, #tpu.memory_space<vmem_shared>> -> memref<16x128xf32, #tpu.memory_space<vmem_shared>>
    %dma_start3A_945 = arith.constant 0 : i32
    %dma_start3A_946 = tpu.memref_slice %arg11[%add3A_939, %dma_start3A_945] : memref<10000x128xf32, #tpu.memory_space<vmem_shared>> -> memref<16x128xf32, #tpu.memory_space<vmem_shared>>
    %dma_start3A_947 = arith.constant 0 : i32
    %dma_start3A_948 = arith.constant 0 : i32
    %dma_start3A_949 = tpu.memref_slice %arg10[%dma_start3A_947, %dma_start3A_948] : memref<128x128xf32, #tpu.memory_space<vmem>> -> memref<16x128xf32, #tpu.memory_space<vmem>>
    tpu.enqueue_dma source(%dma_start3A_949 : memref<16x128xf32, #tpu.memory_space<vmem>>) target(%dma_start3A_946 : memref<16x128xf32, #tpu.memory_space<vmem_shared>>) target_semaphore(%arg21 : memref<!tpu.dma_semaphore, #tpu.memory_space<semaphore_mem>>)
    %add3A_950 = arith.constant 240 : i32
    %add3A_951 = arith.addi %mul3A_770, %add3A_950 : i32
    %dma_start3A_952 = arith.constant 0 : i32
    %dma_start3A_953 = arith.constant 0 : i32
    %dma_start3A_954 = tpu.memref_slice %arg10[%dma_start3A_952, %dma_start3A_953] : memref<128x128xf32, #tpu.memory_space<vmem>> -> memref<16x128xf32, #tpu.memory_space<vmem>>
    %dma_start3A_955 = arith.constant 0 : i32
    %dma_start3A_956 = tpu.memref_slice %arg11[%add3A_951, %dma_start3A_955] : memref<10000x128xf32, #tpu.memory_space<vmem_shared>> -> memref<16x128xf32, #tpu.memory_space<vmem_shared>>
    %dma_start3A_957 = arith.constant 0 : i32
    %dma_start3A_958 = tpu.memref_slice %arg11[%add3A_951, %dma_start3A_957] : memref<10000x128xf32, #tpu.memory_space<vmem_shared>> -> memref<16x128xf32, #tpu.memory_space<vmem_shared>>
    %dma_start3A_959 = arith.constant 0 : i32
    %dma_start3A_960 = arith.constant 0 : i32
    %dma_start3A_961 = tpu.memref_slice %arg10[%dma_start3A_959, %dma_start3A_960] : memref<128x128xf32, #tpu.memory_space<vmem>> -> memref<16x128xf32, #tpu.memory_space<vmem>>
    tpu.enqueue_dma source(%dma_start3A_961 : memref<16x128xf32, #tpu.memory_space<vmem>>) target(%dma_start3A_958 : memref<16x128xf32, #tpu.memory_space<vmem_shared>>) target_semaphore(%arg21 : memref<!tpu.dma_semaphore, #tpu.memory_space<semaphore_mem>>)
    %add3A_962 = arith.constant 256 : i32
    %add3A_963 = arith.addi %mul3A_770, %add3A_962 : i32
    %dma_start3A_964 = arith.constant 0 : i32
    %dma_start3A_965 = arith.constant 0 : i32
    %dma_start3A_966 = tpu.memref_slice %arg10[%dma_start3A_964, %dma_start3A_965] : memref<128x128xf32, #tpu.memory_space<vmem>> -> memref<16x128xf32, #tpu.memory_space<vmem>>
    %dma_start3A_967 = arith.constant 0 : i32
    %dma_start3A_968 = tpu.memref_slice %arg11[%add3A_963, %dma_start3A_967] : memref<10000x128xf32, #tpu.memory_space<vmem_shared>> -> memref<16x128xf32, #tpu.memory_space<vmem_shared>>
    %dma_start3A_969 = arith.constant 0 : i32
    %dma_start3A_970 = tpu.memref_slice %arg11[%add3A_963, %dma_start3A_969] : memref<10000x128xf32, #tpu.memory_space<vmem_shared>> -> memref<16x128xf32, #tpu.memory_space<vmem_shared>>
    %dma_start3A_971 = arith.constant 0 : i32
    %dma_start3A_972 = arith.constant 0 : i32
    %dma_start3A_973 = tpu.memref_slice %arg10[%dma_start3A_971, %dma_start3A_972] : memref<128x128xf32, #tpu.memory_space<vmem>> -> memref<16x128xf32, #tpu.memory_space<vmem>>
    tpu.enqueue_dma source(%dma_start3A_973 : memref<16x128xf32, #tpu.memory_space<vmem>>) target(%dma_start3A_970 : memref<16x128xf32, #tpu.memory_space<vmem_shared>>) target_semaphore(%arg21 : memref<!tpu.dma_semaphore, #tpu.memory_space<semaphore_mem>>)
    %add3A_974 = arith.constant 272 : i32
    %add3A_975 = arith.addi %mul3A_770, %add3A_974 : i32
    %dma_start3A_976 = arith.constant 0 : i32
    %dma_start3A_977 = arith.constant 0 : i32
    %dma_start3A_978 = tpu.memref_slice %arg10[%dma_start3A_976, %dma_start3A_977] : memref<128x128xf32, #tpu.memory_space<vmem>> -> memref<16x128xf32, #tpu.memory_space<vmem>>
    %dma_start3A_979 = arith.constant 0 : i32
    %dma_start3A_980 = tpu.memref_slice %arg11[%add3A_975, %dma_start3A_979] : memref<10000x128xf32, #tpu.memory_space<vmem_shared>> -> memref<16x128xf32, #tpu.memory_space<vmem_shared>>
    %dma_start3A_981 = arith.constant 0 : i32
    %dma_start3A_982 = tpu.memref_slice %arg11[%add3A_975, %dma_start3A_981] : memref<10000x128xf32, #tpu.memory_space<vmem_shared>> -> memref<16x128xf32, #tpu.memory_space<vmem_shared>>
    %dma_start3A_983 = arith.constant 0 : i32
    %dma_start3A_984 = arith.constant 0 : i32
    %dma_start3A_985 = tpu.memref_slice %arg10[%dma_start3A_983, %dma_start3A_984] : memref<128x128xf32, #tpu.memory_space<vmem>> -> memref<16x128xf32, #tpu.memory_space<vmem>>
    tpu.enqueue_dma source(%dma_start3A_985 : memref<16x128xf32, #tpu.memory_space<vmem>>) target(%dma_start3A_982 : memref<16x128xf32, #tpu.memory_space<vmem_shared>>) target_semaphore(%arg21 : memref<!tpu.dma_semaphore, #tpu.memory_space<semaphore_mem>>)
    %add3A_986 = arith.constant 288 : i32
    %add3A_987 = arith.addi %mul3A_770, %add3A_986 : i32
    %dma_start3A_988 = arith.constant 0 : i32
    %dma_start3A_989 = arith.constant 0 : i32
    %dma_start3A_990 = tpu.memref_slice %arg10[%dma_start3A_988, %dma_start3A_989] : memref<128x128xf32, #tpu.memory_space<vmem>> -> memref<16x128xf32, #tpu.memory_space<vmem>>
    %dma_start3A_991 = arith.constant 0 : i32
    %dma_start3A_992 = tpu.memref_slice %arg11[%add3A_987, %dma_start3A_991] : memref<10000x128xf32, #tpu.memory_space<vmem_shared>> -> memref<16x128xf32, #tpu.memory_space<vmem_shared>>
    %dma_start3A_993 = arith.constant 0 : i32
    %dma_start3A_994 = tpu.memref_slice %arg11[%add3A_987, %dma_start3A_993] : memref<10000x128xf32, #tpu.memory_space<vmem_shared>> -> memref<16x128xf32, #tpu.memory_space<vmem_shared>>
    %dma_start3A_995 = arith.constant 0 : i32
    %dma_start3A_996 = arith.constant 0 : i32
    %dma_start3A_997 = tpu.memref_slice %arg10[%dma_start3A_995, %dma_start3A_996] : memref<128x128xf32, #tpu.memory_space<vmem>> -> memref<16x128xf32, #tpu.memory_space<vmem>>
    tpu.enqueue_dma source(%dma_start3A_997 : memref<16x128xf32, #tpu.memory_space<vmem>>) target(%dma_start3A_994 : memref<16x128xf32, #tpu.memory_space<vmem_shared>>) target_semaphore(%arg21 : memref<!tpu.dma_semaphore, #tpu.memory_space<semaphore_mem>>)
    %add3A_998 = arith.constant 304 : i32
    %add3A_999 = arith.addi %mul3A_770, %add3A_998 : i32
    %dma_start3A_1000 = arith.constant 0 : i32
    %dma_start3A_1001 = arith.constant 0 : i32
    %dma_start3A_1002 = tpu.memref_slice %arg10[%dma_start3A_1000, %dma_start3A_1001] : memref<128x128xf32, #tpu.memory_space<vmem>> -> memref<16x128xf32, #tpu.memory_space<vmem>>
    %dma_start3A_1003 = arith.constant 0 : i32
    %dma_start3A_1004 = tpu.memref_slice %arg11[%add3A_999, %dma_start3A_1003] : memref<10000x128xf32, #tpu.memory_space<vmem_shared>> -> memref<16x128xf32, #tpu.memory_space<vmem_shared>>
    %dma_start3A_1005 = arith.constant 0 : i32
    %dma_start3A_1006 = tpu.memref_slice %arg11[%add3A_999, %dma_start3A_1005] : memref<10000x128xf32, #tpu.memory_space<vmem_shared>> -> memref<16x128xf32, #tpu.memory_space<vmem_shared>>
    %dma_start3A_1007 = arith.constant 0 : i32
    %dma_start3A_1008 = arith.constant 0 : i32
    %dma_start3A_1009 = tpu.memref_slice %arg10[%dma_start3A_1007, %dma_start3A_1008] : memref<128x128xf32, #tpu.memory_space<vmem>> -> memref<16x128xf32, #tpu.memory_space<vmem>>
    tpu.enqueue_dma source(%dma_start3A_1009 : memref<16x128xf32, #tpu.memory_space<vmem>>) target(%dma_start3A_1006 : memref<16x128xf32, #tpu.memory_space<vmem_shared>>) target_semaphore(%arg21 : memref<!tpu.dma_semaphore, #tpu.memory_space<semaphore_mem>>)
    %add3A_1010 = arith.constant 320 : i32
    %add3A_1011 = arith.addi %mul3A_770, %add3A_1010 : i32
    %dma_start3A_1012 = arith.constant 0 : i32
    %dma_start3A_1013 = arith.constant 0 : i32
    %dma_start3A_1014 = tpu.memref_slice %arg10[%dma_start3A_1012, %dma_start3A_1013] : memref<128x128xf32, #tpu.memory_space<vmem>> -> memref<16x128xf32, #tpu.memory_space<vmem>>
    %dma_start3A_1015 = arith.constant 0 : i32
    %dma_start3A_1016 = tpu.memref_slice %arg11[%add3A_1011, %dma_start3A_1015] : memref<10000x128xf32, #tpu.memory_space<vmem_shared>> -> memref<16x128xf32, #tpu.memory_space<vmem_shared>>
    %dma_start3A_1017 = arith.constant 0 : i32
    %dma_start3A_1018 = tpu.memref_slice %arg11[%add3A_1011, %dma_start3A_1017] : memref<10000x128xf32, #tpu.memory_space<vmem_shared>> -> memref<16x128xf32, #tpu.memory_space<vmem_shared>>
    %dma_start3A_1019 = arith.constant 0 : i32
    %dma_start3A_1020 = arith.constant 0 : i32
    %dma_start3A_1021 = tpu.memref_slice %arg10[%dma_start3A_1019, %dma_start3A_1020] : memref<128x128xf32, #tpu.memory_space<vmem>> -> memref<16x128xf32, #tpu.memory_space<vmem>>
    tpu.enqueue_dma source(%dma_start3A_1021 : memref<16x128xf32, #tpu.memory_space<vmem>>) target(%dma_start3A_1018 : memref<16x128xf32, #tpu.memory_space<vmem_shared>>) target_semaphore(%arg21 : memref<!tpu.dma_semaphore, #tpu.memory_space<semaphore_mem>>)
    %add3A_1022 = arith.constant 336 : i32
    %add3A_1023 = arith.addi %mul3A_770, %add3A_1022 : i32
    %dma_start3A_1024 = arith.constant 0 : i32
    %dma_start3A_1025 = arith.constant 0 : i32
    %dma_start3A_1026 = tpu.memref_slice %arg10[%dma_start3A_1024, %dma_start3A_1025] : memref<128x128xf32, #tpu.memory_space<vmem>> -> memref<16x128xf32, #tpu.memory_space<vmem>>
    %dma_start3A_1027 = arith.constant 0 : i32
    %dma_start3A_1028 = tpu.memref_slice %arg11[%add3A_1023, %dma_start3A_1027] : memref<10000x128xf32, #tpu.memory_space<vmem_shared>> -> memref<16x128xf32, #tpu.memory_space<vmem_shared>>
    %dma_start3A_1029 = arith.constant 0 : i32
    %dma_start3A_1030 = tpu.memref_slice %arg11[%add3A_1023, %dma_start3A_1029] : memref<10000x128xf32, #tpu.memory_space<vmem_shared>> -> memref<16x128xf32, #tpu.memory_space<vmem_shared>>
    %dma_start3A_1031 = arith.constant 0 : i32
    %dma_start3A_1032 = arith.constant 0 : i32
    %dma_start3A_1033 = tpu.memref_slice %arg10[%dma_start3A_1031, %dma_start3A_1032] : memref<128x128xf32, #tpu.memory_space<vmem>> -> memref<16x128xf32, #tpu.memory_space<vmem>>
    tpu.enqueue_dma source(%dma_start3A_1033 : memref<16x128xf32, #tpu.memory_space<vmem>>) target(%dma_start3A_1030 : memref<16x128xf32, #tpu.memory_space<vmem_shared>>) target_semaphore(%arg21 : memref<!tpu.dma_semaphore, #tpu.memory_space<semaphore_mem>>)
    %add3A_1034 = arith.constant 352 : i32
    %add3A_1035 = arith.addi %mul3A_770, %add3A_1034 : i32
    %dma_start3A_1036 = arith.constant 0 : i32
    %dma_start3A_1037 = arith.constant 0 : i32
    %dma_start3A_1038 = tpu.memref_slice %arg10[%dma_start3A_1036, %dma_start3A_1037] : memref<128x128xf32, #tpu.memory_space<vmem>> -> memref<16x128xf32, #tpu.memory_space<vmem>>
    %dma_start3A_1039 = arith.constant 0 : i32
    %dma_start3A_1040 = tpu.memref_slice %arg11[%add3A_1035, %dma_start3A_1039] : memref<10000x128xf32, #tpu.memory_space<vmem_shared>> -> memref<16x128xf32, #tpu.memory_space<vmem_shared>>
    %dma_start3A_1041 = arith.constant 0 : i32
    %dma_start3A_1042 = tpu.memref_slice %arg11[%add3A_1035, %dma_start3A_1041] : memref<10000x128xf32, #tpu.memory_space<vmem_shared>> -> memref<16x128xf32, #tpu.memory_space<vmem_shared>>
    %dma_start3A_1043 = arith.constant 0 : i32
    %dma_start3A_1044 = arith.constant 0 : i32
    %dma_start3A_1045 = tpu.memref_slice %arg10[%dma_start3A_1043, %dma_start3A_1044] : memref<128x128xf32, #tpu.memory_space<vmem>> -> memref<16x128xf32, #tpu.memory_space<vmem>>
    tpu.enqueue_dma source(%dma_start3A_1045 : memref<16x128xf32, #tpu.memory_space<vmem>>) target(%dma_start3A_1042 : memref<16x128xf32, #tpu.memory_space<vmem_shared>>) target_semaphore(%arg21 : memref<!tpu.dma_semaphore, #tpu.memory_space<semaphore_mem>>)
    %add3A_1046 = arith.constant 368 : i32
    %add3A_1047 = arith.addi %mul3A_770, %add3A_1046 : i32
    %dma_start3A_1048 = arith.constant 0 : i32
    %dma_start3A_1049 = arith.constant 0 : i32
    %dma_start3A_1050 = tpu.memref_slice %arg10[%dma_start3A_1048, %dma_start3A_1049] : memref<128x128xf32, #tpu.memory_space<vmem>> -> memref<16x128xf32, #tpu.memory_space<vmem>>
    %dma_start3A_1051 = arith.constant 0 : i32
    %dma_start3A_1052 = tpu.memref_slice %arg11[%add3A_1047, %dma_start3A_1051] : memref<10000x128xf32, #tpu.memory_space<vmem_shared>> -> memref<16x128xf32, #tpu.memory_space<vmem_shared>>
    %dma_start3A_1053 = arith.constant 0 : i32
    %dma_start3A_1054 = tpu.memref_slice %arg11[%add3A_1047, %dma_start3A_1053] : memref<10000x128xf32, #tpu.memory_space<vmem_shared>> -> memref<16x128xf32, #tpu.memory_space<vmem_shared>>
    %dma_start3A_1055 = arith.constant 0 : i32
    %dma_start3A_1056 = arith.constant 0 : i32
    %dma_start3A_1057 = tpu.memref_slice %arg10[%dma_start3A_1055, %dma_start3A_1056] : memref<128x128xf32, #tpu.memory_space<vmem>> -> memref<16x128xf32, #tpu.memory_space<vmem>>
    tpu.enqueue_dma source(%dma_start3A_1057 : memref<16x128xf32, #tpu.memory_space<vmem>>) target(%dma_start3A_1054 : memref<16x128xf32, #tpu.memory_space<vmem_shared>>) target_semaphore(%arg21 : memref<!tpu.dma_semaphore, #tpu.memory_space<semaphore_mem>>)
    %add3A_1058 = arith.constant 384 : i32
    %add3A_1059 = arith.addi %mul3A_770, %add3A_1058 : i32
    %dma_start3A_1060 = arith.constant 0 : i32
    %dma_start3A_1061 = arith.constant 0 : i32
    %dma_start3A_1062 = tpu.memref_slice %arg10[%dma_start3A_1060, %dma_start3A_1061] : memref<128x128xf32, #tpu.memory_space<vmem>> -> memref<16x128xf32, #tpu.memory_space<vmem>>
    %dma_start3A_1063 = arith.constant 0 : i32
    %dma_start3A_1064 = tpu.memref_slice %arg11[%add3A_1059, %dma_start3A_1063] : memref<10000x128xf32, #tpu.memory_space<vmem_shared>> -> memref<16x128xf32, #tpu.memory_space<vmem_shared>>
    %dma_start3A_1065 = arith.constant 0 : i32
    %dma_start3A_1066 = tpu.memref_slice %arg11[%add3A_1059, %dma_start3A_1065] : memref<10000x128xf32, #tpu.memory_space<vmem_shared>> -> memref<16x128xf32, #tpu.memory_space<vmem_shared>>
    %dma_start3A_1067 = arith.constant 0 : i32
    %dma_start3A_1068 = arith.constant 0 : i32
    %dma_start3A_1069 = tpu.memref_slice %arg10[%dma_start3A_1067, %dma_start3A_1068] : memref<128x128xf32, #tpu.memory_space<vmem>> -> memref<16x128xf32, #tpu.memory_space<vmem>>
    tpu.enqueue_dma source(%dma_start3A_1069 : memref<16x128xf32, #tpu.memory_space<vmem>>) target(%dma_start3A_1066 : memref<16x128xf32, #tpu.memory_space<vmem_shared>>) target_semaphore(%arg21 : memref<!tpu.dma_semaphore, #tpu.memory_space<semaphore_mem>>)
    %add3A_1070 = arith.constant 400 : i32
    %add3A_1071 = arith.addi %mul3A_770, %add3A_1070 : i32
    %dma_start3A_1072 = arith.constant 0 : i32
    %dma_start3A_1073 = arith.constant 0 : i32
    %dma_start3A_1074 = tpu.memref_slice %arg10[%dma_start3A_1072, %dma_start3A_1073] : memref<128x128xf32, #tpu.memory_space<vmem>> -> memref<16x128xf32, #tpu.memory_space<vmem>>
    %dma_start3A_1075 = arith.constant 0 : i32
    %dma_start3A_1076 = tpu.memref_slice %arg11[%add3A_1071, %dma_start3A_1075] : memref<10000x128xf32, #tpu.memory_space<vmem_shared>> -> memref<16x128xf32, #tpu.memory_space<vmem_shared>>
    %dma_start3A_1077 = arith.constant 0 : i32
    %dma_start3A_1078 = tpu.memref_slice %arg11[%add3A_1071, %dma_start3A_1077] : memref<10000x128xf32, #tpu.memory_space<vmem_shared>> -> memref<16x128xf32, #tpu.memory_space<vmem_shared>>
    %dma_start3A_1079 = arith.constant 0 : i32
    %dma_start3A_1080 = arith.constant 0 : i32
    %dma_start3A_1081 = tpu.memref_slice %arg10[%dma_start3A_1079, %dma_start3A_1080] : memref<128x128xf32, #tpu.memory_space<vmem>> -> memref<16x128xf32, #tpu.memory_space<vmem>>
    tpu.enqueue_dma source(%dma_start3A_1081 : memref<16x128xf32, #tpu.memory_space<vmem>>) target(%dma_start3A_1078 : memref<16x128xf32, #tpu.memory_space<vmem_shared>>) target_semaphore(%arg21 : memref<!tpu.dma_semaphore, #tpu.memory_space<semaphore_mem>>)
    %add3A_1082 = arith.constant 416 : i32
    %add3A_1083 = arith.addi %mul3A_770, %add3A_1082 : i32
    %dma_start3A_1084 = arith.constant 0 : i32
    %dma_start3A_1085 = arith.constant 0 : i32
    %dma_start3A_1086 = tpu.memref_slice %arg10[%dma_start3A_1084, %dma_start3A_1085] : memref<128x128xf32, #tpu.memory_space<vmem>> -> memref<16x128xf32, #tpu.memory_space<vmem>>
    %dma_start3A_1087 = arith.constant 0 : i32
    %dma_start3A_1088 = tpu.memref_slice %arg11[%add3A_1083, %dma_start3A_1087] : memref<10000x128xf32, #tpu.memory_space<vmem_shared>> -> memref<16x128xf32, #tpu.memory_space<vmem_shared>>
    %dma_start3A_1089 = arith.constant 0 : i32
    %dma_start3A_1090 = tpu.memref_slice %arg11[%add3A_1083, %dma_start3A_1089] : memref<10000x128xf32, #tpu.memory_space<vmem_shared>> -> memref<16x128xf32, #tpu.memory_space<vmem_shared>>
    %dma_start3A_1091 = arith.constant 0 : i32
    %dma_start3A_1092 = arith.constant 0 : i32
    %dma_start3A_1093 = tpu.memref_slice %arg10[%dma_start3A_1091, %dma_start3A_1092] : memref<128x128xf32, #tpu.memory_space<vmem>> -> memref<16x128xf32, #tpu.memory_space<vmem>>
    tpu.enqueue_dma source(%dma_start3A_1093 : memref<16x128xf32, #tpu.memory_space<vmem>>) target(%dma_start3A_1090 : memref<16x128xf32, #tpu.memory_space<vmem_shared>>) target_semaphore(%arg21 : memref<!tpu.dma_semaphore, #tpu.memory_space<semaphore_mem>>)
    %add3A_1094 = arith.constant 432 : i32
    %add3A_1095 = arith.addi %mul3A_770, %add3A_1094 : i32
    %dma_start3A_1096 = arith.constant 0 : i32
    %dma_start3A_1097 = arith.constant 0 : i32
    %dma_start3A_1098 = tpu.memref_slice %arg10[%dma_start3A_1096, %dma_start3A_1097] : memref<128x128xf32, #tpu.memory_space<vmem>> -> memref<16x128xf32, #tpu.memory_space<vmem>>
    %dma_start3A_1099 = arith.constant 0 : i32
    %dma_start3A_1100 = tpu.memref_slice %arg11[%add3A_1095, %dma_start3A_1099] : memref<10000x128xf32, #tpu.memory_space<vmem_shared>> -> memref<16x128xf32, #tpu.memory_space<vmem_shared>>
    %dma_start3A_1101 = arith.constant 0 : i32
    %dma_start3A_1102 = tpu.memref_slice %arg11[%add3A_1095, %dma_start3A_1101] : memref<10000x128xf32, #tpu.memory_space<vmem_shared>> -> memref<16x128xf32, #tpu.memory_space<vmem_shared>>
    %dma_start3A_1103 = arith.constant 0 : i32
    %dma_start3A_1104 = arith.constant 0 : i32
    %dma_start3A_1105 = tpu.memref_slice %arg10[%dma_start3A_1103, %dma_start3A_1104] : memref<128x128xf32, #tpu.memory_space<vmem>> -> memref<16x128xf32, #tpu.memory_space<vmem>>
    tpu.enqueue_dma source(%dma_start3A_1105 : memref<16x128xf32, #tpu.memory_space<vmem>>) target(%dma_start3A_1102 : memref<16x128xf32, #tpu.memory_space<vmem_shared>>) target_semaphore(%arg21 : memref<!tpu.dma_semaphore, #tpu.memory_space<semaphore_mem>>)
    %add3A_1106 = arith.constant 448 : i32
    %add3A_1107 = arith.addi %mul3A_770, %add3A_1106 : i32
    %dma_start3A_1108 = arith.constant 0 : i32
    %dma_start3A_1109 = arith.constant 0 : i32
    %dma_start3A_1110 = tpu.memref_slice %arg10[%dma_start3A_1108, %dma_start3A_1109] : memref<128x128xf32, #tpu.memory_space<vmem>> -> memref<16x128xf32, #tpu.memory_space<vmem>>
    %dma_start3A_1111 = arith.constant 0 : i32
    %dma_start3A_1112 = tpu.memref_slice %arg11[%add3A_1107, %dma_start3A_1111] : memref<10000x128xf32, #tpu.memory_space<vmem_shared>> -> memref<16x128xf32, #tpu.memory_space<vmem_shared>>
    %dma_start3A_1113 = arith.constant 0 : i32
    %dma_start3A_1114 = tpu.memref_slice %arg11[%add3A_1107, %dma_start3A_1113] : memref<10000x128xf32, #tpu.memory_space<vmem_shared>> -> memref<16x128xf32, #tpu.memory_space<vmem_shared>>
    %dma_start3A_1115 = arith.constant 0 : i32
    %dma_start3A_1116 = arith.constant 0 : i32
    %dma_start3A_1117 = tpu.memref_slice %arg10[%dma_start3A_1115, %dma_start3A_1116] : memref<128x128xf32, #tpu.memory_space<vmem>> -> memref<16x128xf32, #tpu.memory_space<vmem>>
    tpu.enqueue_dma source(%dma_start3A_1117 : memref<16x128xf32, #tpu.memory_space<vmem>>) target(%dma_start3A_1114 : memref<16x128xf32, #tpu.memory_space<vmem_shared>>) target_semaphore(%arg21 : memref<!tpu.dma_semaphore, #tpu.memory_space<semaphore_mem>>)
    %add3A_1118 = arith.constant 464 : i32
    %add3A_1119 = arith.addi %mul3A_770, %add3A_1118 : i32
    %dma_start3A_1120 = arith.constant 0 : i32
    %dma_start3A_1121 = arith.constant 0 : i32
    %dma_start3A_1122 = tpu.memref_slice %arg10[%dma_start3A_1120, %dma_start3A_1121] : memref<128x128xf32, #tpu.memory_space<vmem>> -> memref<16x128xf32, #tpu.memory_space<vmem>>
    %dma_start3A_1123 = arith.constant 0 : i32
    %dma_start3A_1124 = tpu.memref_slice %arg11[%add3A_1119, %dma_start3A_1123] : memref<10000x128xf32, #tpu.memory_space<vmem_shared>> -> memref<16x128xf32, #tpu.memory_space<vmem_shared>>
    %dma_start3A_1125 = arith.constant 0 : i32
    %dma_start3A_1126 = tpu.memref_slice %arg11[%add3A_1119, %dma_start3A_1125] : memref<10000x128xf32, #tpu.memory_space<vmem_shared>> -> memref<16x128xf32, #tpu.memory_space<vmem_shared>>
    %dma_start3A_1127 = arith.constant 0 : i32
    %dma_start3A_1128 = arith.constant 0 : i32
    %dma_start3A_1129 = tpu.memref_slice %arg10[%dma_start3A_1127, %dma_start3A_1128] : memref<128x128xf32, #tpu.memory_space<vmem>> -> memref<16x128xf32, #tpu.memory_space<vmem>>
    tpu.enqueue_dma source(%dma_start3A_1129 : memref<16x128xf32, #tpu.memory_space<vmem>>) target(%dma_start3A_1126 : memref<16x128xf32, #tpu.memory_space<vmem_shared>>) target_semaphore(%arg21 : memref<!tpu.dma_semaphore, #tpu.memory_space<semaphore_mem>>)
    %add3A_1130 = arith.constant 480 : i32
    %add3A_1131 = arith.addi %mul3A_770, %add3A_1130 : i32
    %dma_start3A_1132 = arith.constant 0 : i32
    %dma_start3A_1133 = arith.constant 0 : i32
    %dma_start3A_1134 = tpu.memref_slice %arg10[%dma_start3A_1132, %dma_start3A_1133] : memref<128x128xf32, #tpu.memory_space<vmem>> -> memref<16x128xf32, #tpu.memory_space<vmem>>
    %dma_start3A_1135 = arith.constant 0 : i32
    %dma_start3A_1136 = tpu.memref_slice %arg11[%add3A_1131, %dma_start3A_1135] : memref<10000x128xf32, #tpu.memory_space<vmem_shared>> -> memref<16x128xf32, #tpu.memory_space<vmem_shared>>
    %dma_start3A_1137 = arith.constant 0 : i32
    %dma_start3A_1138 = tpu.memref_slice %arg11[%add3A_1131, %dma_start3A_1137] : memref<10000x128xf32, #tpu.memory_space<vmem_shared>> -> memref<16x128xf32, #tpu.memory_space<vmem_shared>>
    %dma_start3A_1139 = arith.constant 0 : i32
    %dma_start3A_1140 = arith.constant 0 : i32
    %dma_start3A_1141 = tpu.memref_slice %arg10[%dma_start3A_1139, %dma_start3A_1140] : memref<128x128xf32, #tpu.memory_space<vmem>> -> memref<16x128xf32, #tpu.memory_space<vmem>>
    tpu.enqueue_dma source(%dma_start3A_1141 : memref<16x128xf32, #tpu.memory_space<vmem>>) target(%dma_start3A_1138 : memref<16x128xf32, #tpu.memory_space<vmem_shared>>) target_semaphore(%arg21 : memref<!tpu.dma_semaphore, #tpu.memory_space<semaphore_mem>>)
    %add3A_1142 = arith.constant 496 : i32
    %add3A_1143 = arith.addi %mul3A_770, %add3A_1142 : i32
    %dma_start3A_1144 = arith.constant 0 : i32
    %dma_start3A_1145 = arith.constant 0 : i32
    %dma_start3A_1146 = tpu.memref_slice %arg10[%dma_start3A_1144, %dma_start3A_1145] : memref<128x128xf32, #tpu.memory_space<vmem>> -> memref<16x128xf32, #tpu.memory_space<vmem>>
    %dma_start3A_1147 = arith.constant 0 : i32
    %dma_start3A_1148 = tpu.memref_slice %arg11[%add3A_1143, %dma_start3A_1147] : memref<10000x128xf32, #tpu.memory_space<vmem_shared>> -> memref<16x128xf32, #tpu.memory_space<vmem_shared>>
    %dma_start3A_1149 = arith.constant 0 : i32
    %dma_start3A_1150 = tpu.memref_slice %arg11[%add3A_1143, %dma_start3A_1149] : memref<10000x128xf32, #tpu.memory_space<vmem_shared>> -> memref<16x128xf32, #tpu.memory_space<vmem_shared>>
    %dma_start3A_1151 = arith.constant 0 : i32
    %dma_start3A_1152 = arith.constant 0 : i32
    %dma_start3A_1153 = tpu.memref_slice %arg10[%dma_start3A_1151, %dma_start3A_1152] : memref<128x128xf32, #tpu.memory_space<vmem>> -> memref<16x128xf32, #tpu.memory_space<vmem>>
    tpu.enqueue_dma source(%dma_start3A_1153 : memref<16x128xf32, #tpu.memory_space<vmem>>) target(%dma_start3A_1150 : memref<16x128xf32, #tpu.memory_space<vmem_shared>>) target_semaphore(%arg21 : memref<!tpu.dma_semaphore, #tpu.memory_space<semaphore_mem>>)
    %add3A_1154 = arith.constant 512 : i32
    %add3A_1155 = arith.addi %mul3A_770, %add3A_1154 : i32
    %dma_start3A_1156 = arith.constant 0 : i32
    %dma_start3A_1157 = arith.constant 0 : i32
    %dma_start3A_1158 = tpu.memref_slice %arg10[%dma_start3A_1156, %dma_start3A_1157] : memref<128x128xf32, #tpu.memory_space<vmem>> -> memref<16x128xf32, #tpu.memory_space<vmem>>
    %dma_start3A_1159 = arith.constant 0 : i32
    %dma_start3A_1160 = tpu.memref_slice %arg11[%add3A_1155, %dma_start3A_1159] : memref<10000x128xf32, #tpu.memory_space<vmem_shared>> -> memref<16x128xf32, #tpu.memory_space<vmem_shared>>
    %dma_start3A_1161 = arith.constant 0 : i32
    %dma_start3A_1162 = tpu.memref_slice %arg11[%add3A_1155, %dma_start3A_1161] : memref<10000x128xf32, #tpu.memory_space<vmem_shared>> -> memref<16x128xf32, #tpu.memory_space<vmem_shared>>
    %dma_start3A_1163 = arith.constant 0 : i32
    %dma_start3A_1164 = arith.constant 0 : i32
    %dma_start3A_1165 = tpu.memref_slice %arg10[%dma_start3A_1163, %dma_start3A_1164] : memref<128x128xf32, #tpu.memory_space<vmem>> -> memref<16x128xf32, #tpu.memory_space<vmem>>
    tpu.enqueue_dma source(%dma_start3A_1165 : memref<16x128xf32, #tpu.memory_space<vmem>>) target(%dma_start3A_1162 : memref<16x128xf32, #tpu.memory_space<vmem_shared>>) target_semaphore(%arg21 : memref<!tpu.dma_semaphore, #tpu.memory_space<semaphore_mem>>)
    %add3A_1166 = arith.constant 528 : i32
    %add3A_1167 = arith.addi %mul3A_770, %add3A_1166 : i32
    %dma_start3A_1168 = arith.constant 0 : i32
    %dma_start3A_1169 = arith.constant 0 : i32
    %dma_start3A_1170 = tpu.memref_slice %arg10[%dma_start3A_1168, %dma_start3A_1169] : memref<128x128xf32, #tpu.memory_space<vmem>> -> memref<16x128xf32, #tpu.memory_space<vmem>>
    %dma_start3A_1171 = arith.constant 0 : i32
    %dma_start3A_1172 = tpu.memref_slice %arg11[%add3A_1167, %dma_start3A_1171] : memref<10000x128xf32, #tpu.memory_space<vmem_shared>> -> memref<16x128xf32, #tpu.memory_space<vmem_shared>>
    %dma_start3A_1173 = arith.constant 0 : i32
    %dma_start3A_1174 = tpu.memref_slice %arg11[%add3A_1167, %dma_start3A_1173] : memref<10000x128xf32, #tpu.memory_space<vmem_shared>> -> memref<16x128xf32, #tpu.memory_space<vmem_shared>>
    %dma_start3A_1175 = arith.constant 0 : i32
    %dma_start3A_1176 = arith.constant 0 : i32
    %dma_start3A_1177 = tpu.memref_slice %arg10[%dma_start3A_1175, %dma_start3A_1176] : memref<128x128xf32, #tpu.memory_space<vmem>> -> memref<16x128xf32, #tpu.memory_space<vmem>>
    tpu.enqueue_dma source(%dma_start3A_1177 : memref<16x128xf32, #tpu.memory_space<vmem>>) target(%dma_start3A_1174 : memref<16x128xf32, #tpu.memory_space<vmem_shared>>) target_semaphore(%arg21 : memref<!tpu.dma_semaphore, #tpu.memory_space<semaphore_mem>>)
    %add3A_1178 = arith.constant 544 : i32
    %add3A_1179 = arith.addi %mul3A_770, %add3A_1178 : i32
    %dma_start3A_1180 = arith.constant 0 : i32
    %dma_start3A_1181 = arith.constant 0 : i32
    %dma_start3A_1182 = tpu.memref_slice %arg10[%dma_start3A_1180, %dma_start3A_1181] : memref<128x128xf32, #tpu.memory_space<vmem>> -> memref<16x128xf32, #tpu.memory_space<vmem>>
    %dma_start3A_1183 = arith.constant 0 : i32
    %dma_start3A_1184 = tpu.memref_slice %arg11[%add3A_1179, %dma_start3A_1183] : memref<10000x128xf32, #tpu.memory_space<vmem_shared>> -> memref<16x128xf32, #tpu.memory_space<vmem_shared>>
    %dma_start3A_1185 = arith.constant 0 : i32
    %dma_start3A_1186 = tpu.memref_slice %arg11[%add3A_1179, %dma_start3A_1185] : memref<10000x128xf32, #tpu.memory_space<vmem_shared>> -> memref<16x128xf32, #tpu.memory_space<vmem_shared>>
    %dma_start3A_1187 = arith.constant 0 : i32
    %dma_start3A_1188 = arith.constant 0 : i32
    %dma_start3A_1189 = tpu.memref_slice %arg10[%dma_start3A_1187, %dma_start3A_1188] : memref<128x128xf32, #tpu.memory_space<vmem>> -> memref<16x128xf32, #tpu.memory_space<vmem>>
    tpu.enqueue_dma source(%dma_start3A_1189 : memref<16x128xf32, #tpu.memory_space<vmem>>) target(%dma_start3A_1186 : memref<16x128xf32, #tpu.memory_space<vmem_shared>>) target_semaphore(%arg21 : memref<!tpu.dma_semaphore, #tpu.memory_space<semaphore_mem>>)
    %add3A_1190 = arith.constant 560 : i32
    %add3A_1191 = arith.addi %mul3A_770, %add3A_1190 : i32
    %dma_start3A_1192 = arith.constant 0 : i32
    %dma_start3A_1193 = arith.constant 0 : i32
    %dma_start3A_1194 = tpu.memref_slice %arg10[%dma_start3A_1192, %dma_start3A_1193] : memref<128x128xf32, #tpu.memory_space<vmem>> -> memref<16x128xf32, #tpu.memory_space<vmem>>
    %dma_start3A_1195 = arith.constant 0 : i32
    %dma_start3A_1196 = tpu.memref_slice %arg11[%add3A_1191, %dma_start3A_1195] : memref<10000x128xf32, #tpu.memory_space<vmem_shared>> -> memref<16x128xf32, #tpu.memory_space<vmem_shared>>
    %dma_start3A_1197 = arith.constant 0 : i32
    %dma_start3A_1198 = tpu.memref_slice %arg11[%add3A_1191, %dma_start3A_1197] : memref<10000x128xf32, #tpu.memory_space<vmem_shared>> -> memref<16x128xf32, #tpu.memory_space<vmem_shared>>
    %dma_start3A_1199 = arith.constant 0 : i32
    %dma_start3A_1200 = arith.constant 0 : i32
    %dma_start3A_1201 = tpu.memref_slice %arg10[%dma_start3A_1199, %dma_start3A_1200] : memref<128x128xf32, #tpu.memory_space<vmem>> -> memref<16x128xf32, #tpu.memory_space<vmem>>
    tpu.enqueue_dma source(%dma_start3A_1201 : memref<16x128xf32, #tpu.memory_space<vmem>>) target(%dma_start3A_1198 : memref<16x128xf32, #tpu.memory_space<vmem_shared>>) target_semaphore(%arg21 : memref<!tpu.dma_semaphore, #tpu.memory_space<semaphore_mem>>)
    %add3A_1202 = arith.constant 576 : i32
    %add3A_1203 = arith.addi %mul3A_770, %add3A_1202 : i32
    %dma_start3A_1204 = arith.constant 0 : i32
    %dma_start3A_1205 = arith.constant 0 : i32
    %dma_start3A_1206 = tpu.memref_slice %arg10[%dma_start3A_1204, %dma_start3A_1205] : memref<128x128xf32, #tpu.memory_space<vmem>> -> memref<16x128xf32, #tpu.memory_space<vmem>>
    %dma_start3A_1207 = arith.constant 0 : i32
    %dma_start3A_1208 = tpu.memref_slice %arg11[%add3A_1203, %dma_start3A_1207] : memref<10000x128xf32, #tpu.memory_space<vmem_shared>> -> memref<16x128xf32, #tpu.memory_space<vmem_shared>>
    %dma_start3A_1209 = arith.constant 0 : i32
    %dma_start3A_1210 = tpu.memref_slice %arg11[%add3A_1203, %dma_start3A_1209] : memref<10000x128xf32, #tpu.memory_space<vmem_shared>> -> memref<16x128xf32, #tpu.memory_space<vmem_shared>>
    %dma_start3A_1211 = arith.constant 0 : i32
    %dma_start3A_1212 = arith.constant 0 : i32
    %dma_start3A_1213 = tpu.memref_slice %arg10[%dma_start3A_1211, %dma_start3A_1212] : memref<128x128xf32, #tpu.memory_space<vmem>> -> memref<16x128xf32, #tpu.memory_space<vmem>>
    tpu.enqueue_dma source(%dma_start3A_1213 : memref<16x128xf32, #tpu.memory_space<vmem>>) target(%dma_start3A_1210 : memref<16x128xf32, #tpu.memory_space<vmem_shared>>) target_semaphore(%arg21 : memref<!tpu.dma_semaphore, #tpu.memory_space<semaphore_mem>>)
    %add3A_1214 = arith.constant 592 : i32
    %add3A_1215 = arith.addi %mul3A_770, %add3A_1214 : i32
    %dma_start3A_1216 = arith.constant 0 : i32
    %dma_start3A_1217 = arith.constant 0 : i32
    %dma_start3A_1218 = tpu.memref_slice %arg10[%dma_start3A_1216, %dma_start3A_1217] : memref<128x128xf32, #tpu.memory_space<vmem>> -> memref<16x128xf32, #tpu.memory_space<vmem>>
    %dma_start3A_1219 = arith.constant 0 : i32
    %dma_start3A_1220 = tpu.memref_slice %arg11[%add3A_1215, %dma_start3A_1219] : memref<10000x128xf32, #tpu.memory_space<vmem_shared>> -> memref<16x128xf32, #tpu.memory_space<vmem_shared>>
    %dma_start3A_1221 = arith.constant 0 : i32
    %dma_start3A_1222 = tpu.memref_slice %arg11[%add3A_1215, %dma_start3A_1221] : memref<10000x128xf32, #tpu.memory_space<vmem_shared>> -> memref<16x128xf32, #tpu.memory_space<vmem_shared>>
    %dma_start3A_1223 = arith.constant 0 : i32
    %dma_start3A_1224 = arith.constant 0 : i32
    %dma_start3A_1225 = tpu.memref_slice %arg10[%dma_start3A_1223, %dma_start3A_1224] : memref<128x128xf32, #tpu.memory_space<vmem>> -> memref<16x128xf32, #tpu.memory_space<vmem>>
    tpu.enqueue_dma source(%dma_start3A_1225 : memref<16x128xf32, #tpu.memory_space<vmem>>) target(%dma_start3A_1222 : memref<16x128xf32, #tpu.memory_space<vmem_shared>>) target_semaphore(%arg21 : memref<!tpu.dma_semaphore, #tpu.memory_space<semaphore_mem>>)
    %add3A_1226 = arith.constant 608 : i32
    %add3A_1227 = arith.addi %mul3A_770, %add3A_1226 : i32
    %dma_start3A_1228 = arith.constant 0 : i32
    %dma_start3A_1229 = arith.constant 0 : i32
    %dma_start3A_1230 = tpu.memref_slice %arg10[%dma_start3A_1228, %dma_start3A_1229] : memref<128x128xf32, #tpu.memory_space<vmem>> -> memref<16x128xf32, #tpu.memory_space<vmem>>
    %dma_start3A_1231 = arith.constant 0 : i32
    %dma_start3A_1232 = tpu.memref_slice %arg11[%add3A_1227, %dma_start3A_1231] : memref<10000x128xf32, #tpu.memory_space<vmem_shared>> -> memref<16x128xf32, #tpu.memory_space<vmem_shared>>
    %dma_start3A_1233 = arith.constant 0 : i32
    %dma_start3A_1234 = tpu.memref_slice %arg11[%add3A_1227, %dma_start3A_1233] : memref<10000x128xf32, #tpu.memory_space<vmem_shared>> -> memref<16x128xf32, #tpu.memory_space<vmem_shared>>
    %dma_start3A_1235 = arith.constant 0 : i32
    %dma_start3A_1236 = arith.constant 0 : i32
    %dma_start3A_1237 = tpu.memref_slice %arg10[%dma_start3A_1235, %dma_start3A_1236] : memref<128x128xf32, #tpu.memory_space<vmem>> -> memref<16x128xf32, #tpu.memory_space<vmem>>
    tpu.enqueue_dma source(%dma_start3A_1237 : memref<16x128xf32, #tpu.memory_space<vmem>>) target(%dma_start3A_1234 : memref<16x128xf32, #tpu.memory_space<vmem_shared>>) target_semaphore(%arg21 : memref<!tpu.dma_semaphore, #tpu.memory_space<semaphore_mem>>)
    %eq3A = arith.constant 0 : i32
    %eq3A_1238 = arith.cmpi eq, %arg1, %eq3A : i32
    %convert_element_type3A = arith.extui %eq3A_1238 : i1 to i32
    %cond3A = arith.constant 0 : i32
    %cond3A_1239 = arith.cmpi ne, %convert_element_type3A, %cond3A : i32
    scf.if %cond3A_1239 {
      %dma_start3A_1859 = arith.constant 0 : i32
      %dma_start3A_1860 = arith.constant 0 : i32
      %dma_start3A_1861 = tpu.memref_slice %arg10[%dma_start3A_1859, %dma_start3A_1860] : memref<128x128xf32, #tpu.memory_space<vmem>> -> memref<16x128xf32, #tpu.memory_space<vmem>>
      %dma_start3A_1862 = arith.constant 9984 : i32
      %dma_start3A_1863 = arith.constant 0 : i32
      %dma_start3A_1864 = tpu.memref_slice %arg11[%dma_start3A_1862, %dma_start3A_1863] : memref<10000x128xf32, #tpu.memory_space<vmem_shared>> -> memref<16x128xf32, #tpu.memory_space<vmem_shared>>
      %dma_start3A_1865 = arith.constant 9984 : i32
      %dma_start3A_1866 = arith.constant 0 : i32
      %dma_start3A_1867 = tpu.memref_slice %arg11[%dma_start3A_1865, %dma_start3A_1866] : memref<10000x128xf32, #tpu.memory_space<vmem_shared>> -> memref<16x128xf32, #tpu.memory_space<vmem_shared>>
      %dma_start3A_1868 = arith.constant 0 : i32
      %dma_start3A_1869 = arith.constant 0 : i32
      %dma_start3A_1870 = tpu.memref_slice %arg10[%dma_start3A_1868, %dma_start3A_1869] : memref<128x128xf32, #tpu.memory_space<vmem>> -> memref<16x128xf32, #tpu.memory_space<vmem>>
      tpu.enqueue_dma source(%dma_start3A_1870 : memref<16x128xf32, #tpu.memory_space<vmem>>) target(%dma_start3A_1867 : memref<16x128xf32, #tpu.memory_space<vmem_shared>>) target_semaphore(%arg21 : memref<!tpu.dma_semaphore, #tpu.memory_space<semaphore_mem>>)
    } else {
    }
    %add3A_1240 = arith.constant 0 : i32
    %add3A_1241 = arith.addi %add3A, %add3A_1240 : i32
    %mul3A_1242 = arith.constant 128 : i32
    %mul3A_1243 = arith.muli %add3A_1241, %mul3A_1242 : i32
    %dma_start3A_1244 = arith.constant 0 : i32
    %dma_start3A_1245 = tpu.memref_slice %arg3[%dma_start3A_1244, %mul3A_1243] : memref<2x320000xi32, #tpu.memory_space<hbm>> -> memref<2x128xi32, #tpu.memory_space<hbm>>
    %dma_start3A_1246 = arith.constant 0 : i32
    %dma_start3A_1247 = tpu.memref_slice %arg3[%dma_start3A_1246, %mul3A_1243] : memref<2x320000xi32, #tpu.memory_space<hbm>> -> memref<2x128xi32, #tpu.memory_space<hbm>>
    tpu.enqueue_dma source(%dma_start3A_1247 : memref<2x128xi32, #tpu.memory_space<hbm>>) target(%arg5 : memref<2x128xi32, #tpu.memory_space<vmem>>) target_semaphore(%arg12 : memref<!tpu.dma_semaphore, #tpu.memory_space<semaphore_mem>>)
    %add3A_1248 = arith.constant 32 : i32
    %add3A_1249 = arith.addi %add3A, %add3A_1248 : i32
    %mul3A_1250 = arith.constant 128 : i32
    %mul3A_1251 = arith.muli %add3A_1249, %mul3A_1250 : i32
    %dma_start3A_1252 = arith.constant 0 : i32
    %dma_start3A_1253 = tpu.memref_slice %arg3[%dma_start3A_1252, %mul3A_1251] : memref<2x320000xi32, #tpu.memory_space<hbm>> -> memref<2x128xi32, #tpu.memory_space<hbm>>
    %dma_start3A_1254 = arith.constant 0 : i32
    %dma_start3A_1255 = tpu.memref_slice %arg3[%dma_start3A_1254, %mul3A_1251] : memref<2x320000xi32, #tpu.memory_space<hbm>> -> memref<2x128xi32, #tpu.memory_space<hbm>>
    tpu.enqueue_dma source(%dma_start3A_1255 : memref<2x128xi32, #tpu.memory_space<hbm>>) target(%arg6 : memref<2x128xi32, #tpu.memory_space<vmem>>) target_semaphore(%arg13 : memref<!tpu.dma_semaphore, #tpu.memory_space<semaphore_mem>>)
    %add3A_1256 = arith.constant 64 : i32
    %add3A_1257 = arith.addi %add3A, %add3A_1256 : i32
    %mul3A_1258 = arith.constant 128 : i32
    %mul3A_1259 = arith.muli %add3A_1257, %mul3A_1258 : i32
    %dma_start3A_1260 = arith.constant 0 : i32
    %dma_start3A_1261 = tpu.memref_slice %arg3[%dma_start3A_1260, %mul3A_1259] : memref<2x320000xi32, #tpu.memory_space<hbm>> -> memref<2x128xi32, #tpu.memory_space<hbm>>
    %dma_start3A_1262 = arith.constant 0 : i32
    %dma_start3A_1263 = tpu.memref_slice %arg3[%dma_start3A_1262, %mul3A_1259] : memref<2x320000xi32, #tpu.memory_space<hbm>> -> memref<2x128xi32, #tpu.memory_space<hbm>>
    tpu.enqueue_dma source(%dma_start3A_1263 : memref<2x128xi32, #tpu.memory_space<hbm>>) target(%arg7 : memref<2x128xi32, #tpu.memory_space<vmem>>) target_semaphore(%arg14 : memref<!tpu.dma_semaphore, #tpu.memory_space<semaphore_mem>>)
    %add3A_1264 = arith.constant 0 : i32
    %add3A_1265 = arith.addi %add3A, %add3A_1264 : i32
    %mul3A_1266 = arith.constant 128 : i32
    %mul3A_1267 = arith.muli %add3A_1265, %mul3A_1266 : i32
    %dma_wait3A = arith.constant 0 : i32
    %dma_wait3A_1268 = tpu.memref_slice %arg3[%dma_wait3A, %mul3A_1267] : memref<2x320000xi32, #tpu.memory_space<hbm>> -> memref<2x128xi32, #tpu.memory_space<hbm>>
    %dma_wait3A_1269 = arith.constant 0 : i32
    %dma_wait3A_1270 = tpu.memref_slice %arg3[%dma_wait3A_1269, %mul3A_1267] : memref<2x320000xi32, #tpu.memory_space<hbm>> -> memref<2x128xi32, #tpu.memory_space<hbm>>
    tpu.wait_dma2 semaphore(%arg12 : memref<!tpu.dma_semaphore, #tpu.memory_space<semaphore_mem>>) src(%dma_wait3A_1270 : memref<2x128xi32, #tpu.memory_space<hbm>>) dst(%arg5 : memref<2x128xi32, #tpu.memory_space<vmem>>)
    %dma_start3A_1271 = arith.constant 0 : i32
    %dma_start3A_1272 = arith.constant 0 : i32
    %dma_start3A_1273 = tpu.memref_slice %arg5[%dma_start3A_1271, %dma_start3A_1272] : memref<2x128xi32, #tpu.memory_space<vmem>> -> memref<1x128xi32, #tpu.memory_space<vmem>>
    %dma_start3A_1274 = tpu.memref_squeeze %dma_start3A_1273 : memref<1x128xi32, #tpu.memory_space<vmem>> -> memref<128xi32, #tpu.memory_space<vmem>>
    %dma_start3A_1275 = arith.constant 0 : i32
    %dma_start3A_1276 = arith.constant 0 : i32
    %dma_start3A_1277 = tpu.memref_slice %arg2[%dma_start3A_1275, %dma_start3A_1276] : memref<10000x128xf32, #tpu.memory_space<hbm>> -> memref<10000x128xf32, #tpu.memory_space<hbm>>
    tpu.enqueue_indirect_dma source(%dma_start3A_1277 : memref<10000x128xf32, #tpu.memory_space<hbm>>) target(%arg8 : memref<128x128xf32, #tpu.memory_space<vmem>>) offsets(%dma_start3A_1274 : memref<128xi32, #tpu.memory_space<vmem>>) semaphore(%arg15 : memref<!tpu.dma_semaphore, #tpu.memory_space<semaphore_mem>>)
    %add3A_1278 = arith.constant 32 : i32
    %add3A_1279 = arith.addi %add3A, %add3A_1278 : i32
    %mul3A_1280 = arith.constant 128 : i32
    %mul3A_1281 = arith.muli %add3A_1279, %mul3A_1280 : i32
    %dma_wait3A_1282 = arith.constant 0 : i32
    %dma_wait3A_1283 = tpu.memref_slice %arg3[%dma_wait3A_1282, %mul3A_1281] : memref<2x320000xi32, #tpu.memory_space<hbm>> -> memref<2x128xi32, #tpu.memory_space<hbm>>
    %dma_wait3A_1284 = arith.constant 0 : i32
    %dma_wait3A_1285 = tpu.memref_slice %arg3[%dma_wait3A_1284, %mul3A_1281] : memref<2x320000xi32, #tpu.memory_space<hbm>> -> memref<2x128xi32, #tpu.memory_space<hbm>>
    tpu.wait_dma2 semaphore(%arg13 : memref<!tpu.dma_semaphore, #tpu.memory_space<semaphore_mem>>) src(%dma_wait3A_1285 : memref<2x128xi32, #tpu.memory_space<hbm>>) dst(%arg6 : memref<2x128xi32, #tpu.memory_space<vmem>>)
    %dma_start3A_1286 = arith.constant 0 : i32
    %dma_start3A_1287 = arith.constant 0 : i32
    %dma_start3A_1288 = tpu.memref_slice %arg6[%dma_start3A_1286, %dma_start3A_1287] : memref<2x128xi32, #tpu.memory_space<vmem>> -> memref<1x128xi32, #tpu.memory_space<vmem>>
    %dma_start3A_1289 = tpu.memref_squeeze %dma_start3A_1288 : memref<1x128xi32, #tpu.memory_space<vmem>> -> memref<128xi32, #tpu.memory_space<vmem>>
    %dma_start3A_1290 = arith.constant 0 : i32
    %dma_start3A_1291 = arith.constant 0 : i32
    %dma_start3A_1292 = tpu.memref_slice %arg2[%dma_start3A_1290, %dma_start3A_1291] : memref<10000x128xf32, #tpu.memory_space<hbm>> -> memref<10000x128xf32, #tpu.memory_space<hbm>>
    tpu.enqueue_indirect_dma source(%dma_start3A_1292 : memref<10000x128xf32, #tpu.memory_space<hbm>>) target(%arg9 : memref<128x128xf32, #tpu.memory_space<vmem>>) offsets(%dma_start3A_1289 : memref<128xi32, #tpu.memory_space<vmem>>) semaphore(%arg16 : memref<!tpu.dma_semaphore, #tpu.memory_space<semaphore_mem>>)
    %add3A_1293 = arith.constant 0 : i32
    %add3A_1294 = arith.addi %mul3A_770, %add3A_1293 : i32
    %dma_wait3A_1295 = arith.constant 0 : i32
    %dma_wait3A_1296 = arith.constant 0 : i32
    %dma_wait3A_1297 = tpu.memref_slice %arg10[%dma_wait3A_1295, %dma_wait3A_1296] : memref<128x128xf32, #tpu.memory_space<vmem>> -> memref<16x128xf32, #tpu.memory_space<vmem>>
    %dma_wait3A_1298 = arith.constant 0 : i32
    %dma_wait3A_1299 = tpu.memref_slice %arg11[%add3A_1294, %dma_wait3A_1298] : memref<10000x128xf32, #tpu.memory_space<vmem_shared>> -> memref<16x128xf32, #tpu.memory_space<vmem_shared>>
    %dma_wait3A_1300 = arith.constant 0 : i32
    %dma_wait3A_1301 = tpu.memref_slice %arg11[%add3A_1294, %dma_wait3A_1300] : memref<10000x128xf32, #tpu.memory_space<vmem_shared>> -> memref<16x128xf32, #tpu.memory_space<vmem_shared>>
    %dma_wait3A_1302 = arith.constant 0 : i32
    %dma_wait3A_1303 = arith.constant 0 : i32
    %dma_wait3A_1304 = tpu.memref_slice %arg10[%dma_wait3A_1302, %dma_wait3A_1303] : memref<128x128xf32, #tpu.memory_space<vmem>> -> memref<16x128xf32, #tpu.memory_space<vmem>>
    tpu.wait_dma2 semaphore(%arg21 : memref<!tpu.dma_semaphore, #tpu.memory_space<semaphore_mem>>) src(%dma_wait3A_1304 : memref<16x128xf32, #tpu.memory_space<vmem>>) dst(%dma_wait3A_1301 : memref<16x128xf32, #tpu.memory_space<vmem_shared>>)
    %add3A_1305 = arith.constant 16 : i32
    %add3A_1306 = arith.addi %mul3A_770, %add3A_1305 : i32
    %dma_wait3A_1307 = arith.constant 0 : i32
    %dma_wait3A_1308 = arith.constant 0 : i32
    %dma_wait3A_1309 = tpu.memref_slice %arg10[%dma_wait3A_1307, %dma_wait3A_1308] : memref<128x128xf32, #tpu.memory_space<vmem>> -> memref<16x128xf32, #tpu.memory_space<vmem>>
    %dma_wait3A_1310 = arith.constant 0 : i32
    %dma_wait3A_1311 = tpu.memref_slice %arg11[%add3A_1306, %dma_wait3A_1310] : memref<10000x128xf32, #tpu.memory_space<vmem_shared>> -> memref<16x128xf32, #tpu.memory_space<vmem_shared>>
    %dma_wait3A_1312 = arith.constant 0 : i32
    %dma_wait3A_1313 = tpu.memref_slice %arg11[%add3A_1306, %dma_wait3A_1312] : memref<10000x128xf32, #tpu.memory_space<vmem_shared>> -> memref<16x128xf32, #tpu.memory_space<vmem_shared>>
    %dma_wait3A_1314 = arith.constant 0 : i32
    %dma_wait3A_1315 = arith.constant 0 : i32
    %dma_wait3A_1316 = tpu.memref_slice %arg10[%dma_wait3A_1314, %dma_wait3A_1315] : memref<128x128xf32, #tpu.memory_space<vmem>> -> memref<16x128xf32, #tpu.memory_space<vmem>>
    tpu.wait_dma2 semaphore(%arg21 : memref<!tpu.dma_semaphore, #tpu.memory_space<semaphore_mem>>) src(%dma_wait3A_1316 : memref<16x128xf32, #tpu.memory_space<vmem>>) dst(%dma_wait3A_1313 : memref<16x128xf32, #tpu.memory_space<vmem_shared>>)
    %add3A_1317 = arith.constant 32 : i32
    %add3A_1318 = arith.addi %mul3A_770, %add3A_1317 : i32
    %dma_wait3A_1319 = arith.constant 0 : i32
    %dma_wait3A_1320 = arith.constant 0 : i32
    %dma_wait3A_1321 = tpu.memref_slice %arg10[%dma_wait3A_1319, %dma_wait3A_1320] : memref<128x128xf32, #tpu.memory_space<vmem>> -> memref<16x128xf32, #tpu.memory_space<vmem>>
    %dma_wait3A_1322 = arith.constant 0 : i32
    %dma_wait3A_1323 = tpu.memref_slice %arg11[%add3A_1318, %dma_wait3A_1322] : memref<10000x128xf32, #tpu.memory_space<vmem_shared>> -> memref<16x128xf32, #tpu.memory_space<vmem_shared>>
    %dma_wait3A_1324 = arith.constant 0 : i32
    %dma_wait3A_1325 = tpu.memref_slice %arg11[%add3A_1318, %dma_wait3A_1324] : memref<10000x128xf32, #tpu.memory_space<vmem_shared>> -> memref<16x128xf32, #tpu.memory_space<vmem_shared>>
    %dma_wait3A_1326 = arith.constant 0 : i32
    %dma_wait3A_1327 = arith.constant 0 : i32
    %dma_wait3A_1328 = tpu.memref_slice %arg10[%dma_wait3A_1326, %dma_wait3A_1327] : memref<128x128xf32, #tpu.memory_space<vmem>> -> memref<16x128xf32, #tpu.memory_space<vmem>>
    tpu.wait_dma2 semaphore(%arg21 : memref<!tpu.dma_semaphore, #tpu.memory_space<semaphore_mem>>) src(%dma_wait3A_1328 : memref<16x128xf32, #tpu.memory_space<vmem>>) dst(%dma_wait3A_1325 : memref<16x128xf32, #tpu.memory_space<vmem_shared>>)
    %add3A_1329 = arith.constant 48 : i32
    %add3A_1330 = arith.addi %mul3A_770, %add3A_1329 : i32
    %dma_wait3A_1331 = arith.constant 0 : i32
    %dma_wait3A_1332 = arith.constant 0 : i32
    %dma_wait3A_1333 = tpu.memref_slice %arg10[%dma_wait3A_1331, %dma_wait3A_1332] : memref<128x128xf32, #tpu.memory_space<vmem>> -> memref<16x128xf32, #tpu.memory_space<vmem>>
    %dma_wait3A_1334 = arith.constant 0 : i32
    %dma_wait3A_1335 = tpu.memref_slice %arg11[%add3A_1330, %dma_wait3A_1334] : memref<10000x128xf32, #tpu.memory_space<vmem_shared>> -> memref<16x128xf32, #tpu.memory_space<vmem_shared>>
    %dma_wait3A_1336 = arith.constant 0 : i32
    %dma_wait3A_1337 = tpu.memref_slice %arg11[%add3A_1330, %dma_wait3A_1336] : memref<10000x128xf32, #tpu.memory_space<vmem_shared>> -> memref<16x128xf32, #tpu.memory_space<vmem_shared>>
    %dma_wait3A_1338 = arith.constant 0 : i32
    %dma_wait3A_1339 = arith.constant 0 : i32
    %dma_wait3A_1340 = tpu.memref_slice %arg10[%dma_wait3A_1338, %dma_wait3A_1339] : memref<128x128xf32, #tpu.memory_space<vmem>> -> memref<16x128xf32, #tpu.memory_space<vmem>>
    tpu.wait_dma2 semaphore(%arg21 : memref<!tpu.dma_semaphore, #tpu.memory_space<semaphore_mem>>) src(%dma_wait3A_1340 : memref<16x128xf32, #tpu.memory_space<vmem>>) dst(%dma_wait3A_1337 : memref<16x128xf32, #tpu.memory_space<vmem_shared>>)
    %add3A_1341 = arith.constant 64 : i32
    %add3A_1342 = arith.addi %mul3A_770, %add3A_1341 : i32
    %dma_wait3A_1343 = arith.constant 0 : i32
    %dma_wait3A_1344 = arith.constant 0 : i32
    %dma_wait3A_1345 = tpu.memref_slice %arg10[%dma_wait3A_1343, %dma_wait3A_1344] : memref<128x128xf32, #tpu.memory_space<vmem>> -> memref<16x128xf32, #tpu.memory_space<vmem>>
    %dma_wait3A_1346 = arith.constant 0 : i32
    %dma_wait3A_1347 = tpu.memref_slice %arg11[%add3A_1342, %dma_wait3A_1346] : memref<10000x128xf32, #tpu.memory_space<vmem_shared>> -> memref<16x128xf32, #tpu.memory_space<vmem_shared>>
    %dma_wait3A_1348 = arith.constant 0 : i32
    %dma_wait3A_1349 = tpu.memref_slice %arg11[%add3A_1342, %dma_wait3A_1348] : memref<10000x128xf32, #tpu.memory_space<vmem_shared>> -> memref<16x128xf32, #tpu.memory_space<vmem_shared>>
    %dma_wait3A_1350 = arith.constant 0 : i32
    %dma_wait3A_1351 = arith.constant 0 : i32
    %dma_wait3A_1352 = tpu.memref_slice %arg10[%dma_wait3A_1350, %dma_wait3A_1351] : memref<128x128xf32, #tpu.memory_space<vmem>> -> memref<16x128xf32, #tpu.memory_space<vmem>>
    tpu.wait_dma2 semaphore(%arg21 : memref<!tpu.dma_semaphore, #tpu.memory_space<semaphore_mem>>) src(%dma_wait3A_1352 : memref<16x128xf32, #tpu.memory_space<vmem>>) dst(%dma_wait3A_1349 : memref<16x128xf32, #tpu.memory_space<vmem_shared>>)
    %add3A_1353 = arith.constant 80 : i32
    %add3A_1354 = arith.addi %mul3A_770, %add3A_1353 : i32
    %dma_wait3A_1355 = arith.constant 0 : i32
    %dma_wait3A_1356 = arith.constant 0 : i32
    %dma_wait3A_1357 = tpu.memref_slice %arg10[%dma_wait3A_1355, %dma_wait3A_1356] : memref<128x128xf32, #tpu.memory_space<vmem>> -> memref<16x128xf32, #tpu.memory_space<vmem>>
    %dma_wait3A_1358 = arith.constant 0 : i32
    %dma_wait3A_1359 = tpu.memref_slice %arg11[%add3A_1354, %dma_wait3A_1358] : memref<10000x128xf32, #tpu.memory_space<vmem_shared>> -> memref<16x128xf32, #tpu.memory_space<vmem_shared>>
    %dma_wait3A_1360 = arith.constant 0 : i32
    %dma_wait3A_1361 = tpu.memref_slice %arg11[%add3A_1354, %dma_wait3A_1360] : memref<10000x128xf32, #tpu.memory_space<vmem_shared>> -> memref<16x128xf32, #tpu.memory_space<vmem_shared>>
    %dma_wait3A_1362 = arith.constant 0 : i32
    %dma_wait3A_1363 = arith.constant 0 : i32
    %dma_wait3A_1364 = tpu.memref_slice %arg10[%dma_wait3A_1362, %dma_wait3A_1363] : memref<128x128xf32, #tpu.memory_space<vmem>> -> memref<16x128xf32, #tpu.memory_space<vmem>>
    tpu.wait_dma2 semaphore(%arg21 : memref<!tpu.dma_semaphore, #tpu.memory_space<semaphore_mem>>) src(%dma_wait3A_1364 : memref<16x128xf32, #tpu.memory_space<vmem>>) dst(%dma_wait3A_1361 : memref<16x128xf32, #tpu.memory_space<vmem_shared>>)
    %add3A_1365 = arith.constant 96 : i32
    %add3A_1366 = arith.addi %mul3A_770, %add3A_1365 : i32
    %dma_wait3A_1367 = arith.constant 0 : i32
    %dma_wait3A_1368 = arith.constant 0 : i32
    %dma_wait3A_1369 = tpu.memref_slice %arg10[%dma_wait3A_1367, %dma_wait3A_1368] : memref<128x128xf32, #tpu.memory_space<vmem>> -> memref<16x128xf32, #tpu.memory_space<vmem>>
    %dma_wait3A_1370 = arith.constant 0 : i32
    %dma_wait3A_1371 = tpu.memref_slice %arg11[%add3A_1366, %dma_wait3A_1370] : memref<10000x128xf32, #tpu.memory_space<vmem_shared>> -> memref<16x128xf32, #tpu.memory_space<vmem_shared>>
    %dma_wait3A_1372 = arith.constant 0 : i32
    %dma_wait3A_1373 = tpu.memref_slice %arg11[%add3A_1366, %dma_wait3A_1372] : memref<10000x128xf32, #tpu.memory_space<vmem_shared>> -> memref<16x128xf32, #tpu.memory_space<vmem_shared>>
    %dma_wait3A_1374 = arith.constant 0 : i32
    %dma_wait3A_1375 = arith.constant 0 : i32
    %dma_wait3A_1376 = tpu.memref_slice %arg10[%dma_wait3A_1374, %dma_wait3A_1375] : memref<128x128xf32, #tpu.memory_space<vmem>> -> memref<16x128xf32, #tpu.memory_space<vmem>>
    tpu.wait_dma2 semaphore(%arg21 : memref<!tpu.dma_semaphore, #tpu.memory_space<semaphore_mem>>) src(%dma_wait3A_1376 : memref<16x128xf32, #tpu.memory_space<vmem>>) dst(%dma_wait3A_1373 : memref<16x128xf32, #tpu.memory_space<vmem_shared>>)
    %add3A_1377 = arith.constant 112 : i32
    %add3A_1378 = arith.addi %mul3A_770, %add3A_1377 : i32
    %dma_wait3A_1379 = arith.constant 0 : i32
    %dma_wait3A_1380 = arith.constant 0 : i32
    %dma_wait3A_1381 = tpu.memref_slice %arg10[%dma_wait3A_1379, %dma_wait3A_1380] : memref<128x128xf32, #tpu.memory_space<vmem>> -> memref<16x128xf32, #tpu.memory_space<vmem>>
    %dma_wait3A_1382 = arith.constant 0 : i32
    %dma_wait3A_1383 = tpu.memref_slice %arg11[%add3A_1378, %dma_wait3A_1382] : memref<10000x128xf32, #tpu.memory_space<vmem_shared>> -> memref<16x128xf32, #tpu.memory_space<vmem_shared>>
    %dma_wait3A_1384 = arith.constant 0 : i32
    %dma_wait3A_1385 = tpu.memref_slice %arg11[%add3A_1378, %dma_wait3A_1384] : memref<10000x128xf32, #tpu.memory_space<vmem_shared>> -> memref<16x128xf32, #tpu.memory_space<vmem_shared>>
    %dma_wait3A_1386 = arith.constant 0 : i32
    %dma_wait3A_1387 = arith.constant 0 : i32
    %dma_wait3A_1388 = tpu.memref_slice %arg10[%dma_wait3A_1386, %dma_wait3A_1387] : memref<128x128xf32, #tpu.memory_space<vmem>> -> memref<16x128xf32, #tpu.memory_space<vmem>>
    tpu.wait_dma2 semaphore(%arg21 : memref<!tpu.dma_semaphore, #tpu.memory_space<semaphore_mem>>) src(%dma_wait3A_1388 : memref<16x128xf32, #tpu.memory_space<vmem>>) dst(%dma_wait3A_1385 : memref<16x128xf32, #tpu.memory_space<vmem_shared>>)
    %add3A_1389 = arith.constant 128 : i32
    %add3A_1390 = arith.addi %mul3A_770, %add3A_1389 : i32
    %dma_wait3A_1391 = arith.constant 0 : i32
    %dma_wait3A_1392 = arith.constant 0 : i32
    %dma_wait3A_1393 = tpu.memref_slice %arg10[%dma_wait3A_1391, %dma_wait3A_1392] : memref<128x128xf32, #tpu.memory_space<vmem>> -> memref<16x128xf32, #tpu.memory_space<vmem>>
    %dma_wait3A_1394 = arith.constant 0 : i32
    %dma_wait3A_1395 = tpu.memref_slice %arg11[%add3A_1390, %dma_wait3A_1394] : memref<10000x128xf32, #tpu.memory_space<vmem_shared>> -> memref<16x128xf32, #tpu.memory_space<vmem_shared>>
    %dma_wait3A_1396 = arith.constant 0 : i32
    %dma_wait3A_1397 = tpu.memref_slice %arg11[%add3A_1390, %dma_wait3A_1396] : memref<10000x128xf32, #tpu.memory_space<vmem_shared>> -> memref<16x128xf32, #tpu.memory_space<vmem_shared>>
    %dma_wait3A_1398 = arith.constant 0 : i32
    %dma_wait3A_1399 = arith.constant 0 : i32
    %dma_wait3A_1400 = tpu.memref_slice %arg10[%dma_wait3A_1398, %dma_wait3A_1399] : memref<128x128xf32, #tpu.memory_space<vmem>> -> memref<16x128xf32, #tpu.memory_space<vmem>>
    tpu.wait_dma2 semaphore(%arg21 : memref<!tpu.dma_semaphore, #tpu.memory_space<semaphore_mem>>) src(%dma_wait3A_1400 : memref<16x128xf32, #tpu.memory_space<vmem>>) dst(%dma_wait3A_1397 : memref<16x128xf32, #tpu.memory_space<vmem_shared>>)
    %add3A_1401 = arith.constant 144 : i32
    %add3A_1402 = arith.addi %mul3A_770, %add3A_1401 : i32
    %dma_wait3A_1403 = arith.constant 0 : i32
    %dma_wait3A_1404 = arith.constant 0 : i32
    %dma_wait3A_1405 = tpu.memref_slice %arg10[%dma_wait3A_1403, %dma_wait3A_1404] : memref<128x128xf32, #tpu.memory_space<vmem>> -> memref<16x128xf32, #tpu.memory_space<vmem>>
    %dma_wait3A_1406 = arith.constant 0 : i32
    %dma_wait3A_1407 = tpu.memref_slice %arg11[%add3A_1402, %dma_wait3A_1406] : memref<10000x128xf32, #tpu.memory_space<vmem_shared>> -> memref<16x128xf32, #tpu.memory_space<vmem_shared>>
    %dma_wait3A_1408 = arith.constant 0 : i32
    %dma_wait3A_1409 = tpu.memref_slice %arg11[%add3A_1402, %dma_wait3A_1408] : memref<10000x128xf32, #tpu.memory_space<vmem_shared>> -> memref<16x128xf32, #tpu.memory_space<vmem_shared>>
    %dma_wait3A_1410 = arith.constant 0 : i32
    %dma_wait3A_1411 = arith.constant 0 : i32
    %dma_wait3A_1412 = tpu.memref_slice %arg10[%dma_wait3A_1410, %dma_wait3A_1411] : memref<128x128xf32, #tpu.memory_space<vmem>> -> memref<16x128xf32, #tpu.memory_space<vmem>>
    tpu.wait_dma2 semaphore(%arg21 : memref<!tpu.dma_semaphore, #tpu.memory_space<semaphore_mem>>) src(%dma_wait3A_1412 : memref<16x128xf32, #tpu.memory_space<vmem>>) dst(%dma_wait3A_1409 : memref<16x128xf32, #tpu.memory_space<vmem_shared>>)
    %add3A_1413 = arith.constant 160 : i32
    %add3A_1414 = arith.addi %mul3A_770, %add3A_1413 : i32
    %dma_wait3A_1415 = arith.constant 0 : i32
    %dma_wait3A_1416 = arith.constant 0 : i32
    %dma_wait3A_1417 = tpu.memref_slice %arg10[%dma_wait3A_1415, %dma_wait3A_1416] : memref<128x128xf32, #tpu.memory_space<vmem>> -> memref<16x128xf32, #tpu.memory_space<vmem>>
    %dma_wait3A_1418 = arith.constant 0 : i32
    %dma_wait3A_1419 = tpu.memref_slice %arg11[%add3A_1414, %dma_wait3A_1418] : memref<10000x128xf32, #tpu.memory_space<vmem_shared>> -> memref<16x128xf32, #tpu.memory_space<vmem_shared>>
    %dma_wait3A_1420 = arith.constant 0 : i32
    %dma_wait3A_1421 = tpu.memref_slice %arg11[%add3A_1414, %dma_wait3A_1420] : memref<10000x128xf32, #tpu.memory_space<vmem_shared>> -> memref<16x128xf32, #tpu.memory_space<vmem_shared>>
    %dma_wait3A_1422 = arith.constant 0 : i32
    %dma_wait3A_1423 = arith.constant 0 : i32
    %dma_wait3A_1424 = tpu.memref_slice %arg10[%dma_wait3A_1422, %dma_wait3A_1423] : memref<128x128xf32, #tpu.memory_space<vmem>> -> memref<16x128xf32, #tpu.memory_space<vmem>>
    tpu.wait_dma2 semaphore(%arg21 : memref<!tpu.dma_semaphore, #tpu.memory_space<semaphore_mem>>) src(%dma_wait3A_1424 : memref<16x128xf32, #tpu.memory_space<vmem>>) dst(%dma_wait3A_1421 : memref<16x128xf32, #tpu.memory_space<vmem_shared>>)
    %add3A_1425 = arith.constant 176 : i32
    %add3A_1426 = arith.addi %mul3A_770, %add3A_1425 : i32
    %dma_wait3A_1427 = arith.constant 0 : i32
    %dma_wait3A_1428 = arith.constant 0 : i32
    %dma_wait3A_1429 = tpu.memref_slice %arg10[%dma_wait3A_1427, %dma_wait3A_1428] : memref<128x128xf32, #tpu.memory_space<vmem>> -> memref<16x128xf32, #tpu.memory_space<vmem>>
    %dma_wait3A_1430 = arith.constant 0 : i32
    %dma_wait3A_1431 = tpu.memref_slice %arg11[%add3A_1426, %dma_wait3A_1430] : memref<10000x128xf32, #tpu.memory_space<vmem_shared>> -> memref<16x128xf32, #tpu.memory_space<vmem_shared>>
    %dma_wait3A_1432 = arith.constant 0 : i32
    %dma_wait3A_1433 = tpu.memref_slice %arg11[%add3A_1426, %dma_wait3A_1432] : memref<10000x128xf32, #tpu.memory_space<vmem_shared>> -> memref<16x128xf32, #tpu.memory_space<vmem_shared>>
    %dma_wait3A_1434 = arith.constant 0 : i32
    %dma_wait3A_1435 = arith.constant 0 : i32
    %dma_wait3A_1436 = tpu.memref_slice %arg10[%dma_wait3A_1434, %dma_wait3A_1435] : memref<128x128xf32, #tpu.memory_space<vmem>> -> memref<16x128xf32, #tpu.memory_space<vmem>>
    tpu.wait_dma2 semaphore(%arg21 : memref<!tpu.dma_semaphore, #tpu.memory_space<semaphore_mem>>) src(%dma_wait3A_1436 : memref<16x128xf32, #tpu.memory_space<vmem>>) dst(%dma_wait3A_1433 : memref<16x128xf32, #tpu.memory_space<vmem_shared>>)
    %add3A_1437 = arith.constant 192 : i32
    %add3A_1438 = arith.addi %mul3A_770, %add3A_1437 : i32
    %dma_wait3A_1439 = arith.constant 0 : i32
    %dma_wait3A_1440 = arith.constant 0 : i32
    %dma_wait3A_1441 = tpu.memref_slice %arg10[%dma_wait3A_1439, %dma_wait3A_1440] : memref<128x128xf32, #tpu.memory_space<vmem>> -> memref<16x128xf32, #tpu.memory_space<vmem>>
    %dma_wait3A_1442 = arith.constant 0 : i32
    %dma_wait3A_1443 = tpu.memref_slice %arg11[%add3A_1438, %dma_wait3A_1442] : memref<10000x128xf32, #tpu.memory_space<vmem_shared>> -> memref<16x128xf32, #tpu.memory_space<vmem_shared>>
    %dma_wait3A_1444 = arith.constant 0 : i32
    %dma_wait3A_1445 = tpu.memref_slice %arg11[%add3A_1438, %dma_wait3A_1444] : memref<10000x128xf32, #tpu.memory_space<vmem_shared>> -> memref<16x128xf32, #tpu.memory_space<vmem_shared>>
    %dma_wait3A_1446 = arith.constant 0 : i32
    %dma_wait3A_1447 = arith.constant 0 : i32
    %dma_wait3A_1448 = tpu.memref_slice %arg10[%dma_wait3A_1446, %dma_wait3A_1447] : memref<128x128xf32, #tpu.memory_space<vmem>> -> memref<16x128xf32, #tpu.memory_space<vmem>>
    tpu.wait_dma2 semaphore(%arg21 : memref<!tpu.dma_semaphore, #tpu.memory_space<semaphore_mem>>) src(%dma_wait3A_1448 : memref<16x128xf32, #tpu.memory_space<vmem>>) dst(%dma_wait3A_1445 : memref<16x128xf32, #tpu.memory_space<vmem_shared>>)
    %add3A_1449 = arith.constant 208 : i32
    %add3A_1450 = arith.addi %mul3A_770, %add3A_1449 : i32
    %dma_wait3A_1451 = arith.constant 0 : i32
    %dma_wait3A_1452 = arith.constant 0 : i32
    %dma_wait3A_1453 = tpu.memref_slice %arg10[%dma_wait3A_1451, %dma_wait3A_1452] : memref<128x128xf32, #tpu.memory_space<vmem>> -> memref<16x128xf32, #tpu.memory_space<vmem>>
    %dma_wait3A_1454 = arith.constant 0 : i32
    %dma_wait3A_1455 = tpu.memref_slice %arg11[%add3A_1450, %dma_wait3A_1454] : memref<10000x128xf32, #tpu.memory_space<vmem_shared>> -> memref<16x128xf32, #tpu.memory_space<vmem_shared>>
    %dma_wait3A_1456 = arith.constant 0 : i32
    %dma_wait3A_1457 = tpu.memref_slice %arg11[%add3A_1450, %dma_wait3A_1456] : memref<10000x128xf32, #tpu.memory_space<vmem_shared>> -> memref<16x128xf32, #tpu.memory_space<vmem_shared>>
    %dma_wait3A_1458 = arith.constant 0 : i32
    %dma_wait3A_1459 = arith.constant 0 : i32
    %dma_wait3A_1460 = tpu.memref_slice %arg10[%dma_wait3A_1458, %dma_wait3A_1459] : memref<128x128xf32, #tpu.memory_space<vmem>> -> memref<16x128xf32, #tpu.memory_space<vmem>>
    tpu.wait_dma2 semaphore(%arg21 : memref<!tpu.dma_semaphore, #tpu.memory_space<semaphore_mem>>) src(%dma_wait3A_1460 : memref<16x128xf32, #tpu.memory_space<vmem>>) dst(%dma_wait3A_1457 : memref<16x128xf32, #tpu.memory_space<vmem_shared>>)
    %add3A_1461 = arith.constant 224 : i32
    %add3A_1462 = arith.addi %mul3A_770, %add3A_1461 : i32
    %dma_wait3A_1463 = arith.constant 0 : i32
    %dma_wait3A_1464 = arith.constant 0 : i32
    %dma_wait3A_1465 = tpu.memref_slice %arg10[%dma_wait3A_1463, %dma_wait3A_1464] : memref<128x128xf32, #tpu.memory_space<vmem>> -> memref<16x128xf32, #tpu.memory_space<vmem>>
    %dma_wait3A_1466 = arith.constant 0 : i32
    %dma_wait3A_1467 = tpu.memref_slice %arg11[%add3A_1462, %dma_wait3A_1466] : memref<10000x128xf32, #tpu.memory_space<vmem_shared>> -> memref<16x128xf32, #tpu.memory_space<vmem_shared>>
    %dma_wait3A_1468 = arith.constant 0 : i32
    %dma_wait3A_1469 = tpu.memref_slice %arg11[%add3A_1462, %dma_wait3A_1468] : memref<10000x128xf32, #tpu.memory_space<vmem_shared>> -> memref<16x128xf32, #tpu.memory_space<vmem_shared>>
    %dma_wait3A_1470 = arith.constant 0 : i32
    %dma_wait3A_1471 = arith.constant 0 : i32
    %dma_wait3A_1472 = tpu.memref_slice %arg10[%dma_wait3A_1470, %dma_wait3A_1471] : memref<128x128xf32, #tpu.memory_space<vmem>> -> memref<16x128xf32, #tpu.memory_space<vmem>>
    tpu.wait_dma2 semaphore(%arg21 : memref<!tpu.dma_semaphore, #tpu.memory_space<semaphore_mem>>) src(%dma_wait3A_1472 : memref<16x128xf32, #tpu.memory_space<vmem>>) dst(%dma_wait3A_1469 : memref<16x128xf32, #tpu.memory_space<vmem_shared>>)
    %add3A_1473 = arith.constant 240 : i32
    %add3A_1474 = arith.addi %mul3A_770, %add3A_1473 : i32
    %dma_wait3A_1475 = arith.constant 0 : i32
    %dma_wait3A_1476 = arith.constant 0 : i32
    %dma_wait3A_1477 = tpu.memref_slice %arg10[%dma_wait3A_1475, %dma_wait3A_1476] : memref<128x128xf32, #tpu.memory_space<vmem>> -> memref<16x128xf32, #tpu.memory_space<vmem>>
    %dma_wait3A_1478 = arith.constant 0 : i32
    %dma_wait3A_1479 = tpu.memref_slice %arg11[%add3A_1474, %dma_wait3A_1478] : memref<10000x128xf32, #tpu.memory_space<vmem_shared>> -> memref<16x128xf32, #tpu.memory_space<vmem_shared>>
    %dma_wait3A_1480 = arith.constant 0 : i32
    %dma_wait3A_1481 = tpu.memref_slice %arg11[%add3A_1474, %dma_wait3A_1480] : memref<10000x128xf32, #tpu.memory_space<vmem_shared>> -> memref<16x128xf32, #tpu.memory_space<vmem_shared>>
    %dma_wait3A_1482 = arith.constant 0 : i32
    %dma_wait3A_1483 = arith.constant 0 : i32
    %dma_wait3A_1484 = tpu.memref_slice %arg10[%dma_wait3A_1482, %dma_wait3A_1483] : memref<128x128xf32, #tpu.memory_space<vmem>> -> memref<16x128xf32, #tpu.memory_space<vmem>>
    tpu.wait_dma2 semaphore(%arg21 : memref<!tpu.dma_semaphore, #tpu.memory_space<semaphore_mem>>) src(%dma_wait3A_1484 : memref<16x128xf32, #tpu.memory_space<vmem>>) dst(%dma_wait3A_1481 : memref<16x128xf32, #tpu.memory_space<vmem_shared>>)
    %add3A_1485 = arith.constant 256 : i32
    %add3A_1486 = arith.addi %mul3A_770, %add3A_1485 : i32
    %dma_wait3A_1487 = arith.constant 0 : i32
    %dma_wait3A_1488 = arith.constant 0 : i32
    %dma_wait3A_1489 = tpu.memref_slice %arg10[%dma_wait3A_1487, %dma_wait3A_1488] : memref<128x128xf32, #tpu.memory_space<vmem>> -> memref<16x128xf32, #tpu.memory_space<vmem>>
    %dma_wait3A_1490 = arith.constant 0 : i32
    %dma_wait3A_1491 = tpu.memref_slice %arg11[%add3A_1486, %dma_wait3A_1490] : memref<10000x128xf32, #tpu.memory_space<vmem_shared>> -> memref<16x128xf32, #tpu.memory_space<vmem_shared>>
    %dma_wait3A_1492 = arith.constant 0 : i32
    %dma_wait3A_1493 = tpu.memref_slice %arg11[%add3A_1486, %dma_wait3A_1492] : memref<10000x128xf32, #tpu.memory_space<vmem_shared>> -> memref<16x128xf32, #tpu.memory_space<vmem_shared>>
    %dma_wait3A_1494 = arith.constant 0 : i32
    %dma_wait3A_1495 = arith.constant 0 : i32
    %dma_wait3A_1496 = tpu.memref_slice %arg10[%dma_wait3A_1494, %dma_wait3A_1495] : memref<128x128xf32, #tpu.memory_space<vmem>> -> memref<16x128xf32, #tpu.memory_space<vmem>>
    tpu.wait_dma2 semaphore(%arg21 : memref<!tpu.dma_semaphore, #tpu.memory_space<semaphore_mem>>) src(%dma_wait3A_1496 : memref<16x128xf32, #tpu.memory_space<vmem>>) dst(%dma_wait3A_1493 : memref<16x128xf32, #tpu.memory_space<vmem_shared>>)
    %add3A_1497 = arith.constant 272 : i32
    %add3A_1498 = arith.addi %mul3A_770, %add3A_1497 : i32
    %dma_wait3A_1499 = arith.constant 0 : i32
    %dma_wait3A_1500 = arith.constant 0 : i32
    %dma_wait3A_1501 = tpu.memref_slice %arg10[%dma_wait3A_1499, %dma_wait3A_1500] : memref<128x128xf32, #tpu.memory_space<vmem>> -> memref<16x128xf32, #tpu.memory_space<vmem>>
    %dma_wait3A_1502 = arith.constant 0 : i32
    %dma_wait3A_1503 = tpu.memref_slice %arg11[%add3A_1498, %dma_wait3A_1502] : memref<10000x128xf32, #tpu.memory_space<vmem_shared>> -> memref<16x128xf32, #tpu.memory_space<vmem_shared>>
    %dma_wait3A_1504 = arith.constant 0 : i32
    %dma_wait3A_1505 = tpu.memref_slice %arg11[%add3A_1498, %dma_wait3A_1504] : memref<10000x128xf32, #tpu.memory_space<vmem_shared>> -> memref<16x128xf32, #tpu.memory_space<vmem_shared>>
    %dma_wait3A_1506 = arith.constant 0 : i32
    %dma_wait3A_1507 = arith.constant 0 : i32
    %dma_wait3A_1508 = tpu.memref_slice %arg10[%dma_wait3A_1506, %dma_wait3A_1507] : memref<128x128xf32, #tpu.memory_space<vmem>> -> memref<16x128xf32, #tpu.memory_space<vmem>>
    tpu.wait_dma2 semaphore(%arg21 : memref<!tpu.dma_semaphore, #tpu.memory_space<semaphore_mem>>) src(%dma_wait3A_1508 : memref<16x128xf32, #tpu.memory_space<vmem>>) dst(%dma_wait3A_1505 : memref<16x128xf32, #tpu.memory_space<vmem_shared>>)
    %add3A_1509 = arith.constant 288 : i32
    %add3A_1510 = arith.addi %mul3A_770, %add3A_1509 : i32
    %dma_wait3A_1511 = arith.constant 0 : i32
    %dma_wait3A_1512 = arith.constant 0 : i32
    %dma_wait3A_1513 = tpu.memref_slice %arg10[%dma_wait3A_1511, %dma_wait3A_1512] : memref<128x128xf32, #tpu.memory_space<vmem>> -> memref<16x128xf32, #tpu.memory_space<vmem>>
    %dma_wait3A_1514 = arith.constant 0 : i32
    %dma_wait3A_1515 = tpu.memref_slice %arg11[%add3A_1510, %dma_wait3A_1514] : memref<10000x128xf32, #tpu.memory_space<vmem_shared>> -> memref<16x128xf32, #tpu.memory_space<vmem_shared>>
    %dma_wait3A_1516 = arith.constant 0 : i32
    %dma_wait3A_1517 = tpu.memref_slice %arg11[%add3A_1510, %dma_wait3A_1516] : memref<10000x128xf32, #tpu.memory_space<vmem_shared>> -> memref<16x128xf32, #tpu.memory_space<vmem_shared>>
    %dma_wait3A_1518 = arith.constant 0 : i32
    %dma_wait3A_1519 = arith.constant 0 : i32
    %dma_wait3A_1520 = tpu.memref_slice %arg10[%dma_wait3A_1518, %dma_wait3A_1519] : memref<128x128xf32, #tpu.memory_space<vmem>> -> memref<16x128xf32, #tpu.memory_space<vmem>>
    tpu.wait_dma2 semaphore(%arg21 : memref<!tpu.dma_semaphore, #tpu.memory_space<semaphore_mem>>) src(%dma_wait3A_1520 : memref<16x128xf32, #tpu.memory_space<vmem>>) dst(%dma_wait3A_1517 : memref<16x128xf32, #tpu.memory_space<vmem_shared>>)
    %add3A_1521 = arith.constant 304 : i32
    %add3A_1522 = arith.addi %mul3A_770, %add3A_1521 : i32
    %dma_wait3A_1523 = arith.constant 0 : i32
    %dma_wait3A_1524 = arith.constant 0 : i32
    %dma_wait3A_1525 = tpu.memref_slice %arg10[%dma_wait3A_1523, %dma_wait3A_1524] : memref<128x128xf32, #tpu.memory_space<vmem>> -> memref<16x128xf32, #tpu.memory_space<vmem>>
    %dma_wait3A_1526 = arith.constant 0 : i32
    %dma_wait3A_1527 = tpu.memref_slice %arg11[%add3A_1522, %dma_wait3A_1526] : memref<10000x128xf32, #tpu.memory_space<vmem_shared>> -> memref<16x128xf32, #tpu.memory_space<vmem_shared>>
    %dma_wait3A_1528 = arith.constant 0 : i32
    %dma_wait3A_1529 = tpu.memref_slice %arg11[%add3A_1522, %dma_wait3A_1528] : memref<10000x128xf32, #tpu.memory_space<vmem_shared>> -> memref<16x128xf32, #tpu.memory_space<vmem_shared>>
    %dma_wait3A_1530 = arith.constant 0 : i32
    %dma_wait3A_1531 = arith.constant 0 : i32
    %dma_wait3A_1532 = tpu.memref_slice %arg10[%dma_wait3A_1530, %dma_wait3A_1531] : memref<128x128xf32, #tpu.memory_space<vmem>> -> memref<16x128xf32, #tpu.memory_space<vmem>>
    tpu.wait_dma2 semaphore(%arg21 : memref<!tpu.dma_semaphore, #tpu.memory_space<semaphore_mem>>) src(%dma_wait3A_1532 : memref<16x128xf32, #tpu.memory_space<vmem>>) dst(%dma_wait3A_1529 : memref<16x128xf32, #tpu.memory_space<vmem_shared>>)
    %add3A_1533 = arith.constant 320 : i32
    %add3A_1534 = arith.addi %mul3A_770, %add3A_1533 : i32
    %dma_wait3A_1535 = arith.constant 0 : i32
    %dma_wait3A_1536 = arith.constant 0 : i32
    %dma_wait3A_1537 = tpu.memref_slice %arg10[%dma_wait3A_1535, %dma_wait3A_1536] : memref<128x128xf32, #tpu.memory_space<vmem>> -> memref<16x128xf32, #tpu.memory_space<vmem>>
    %dma_wait3A_1538 = arith.constant 0 : i32
    %dma_wait3A_1539 = tpu.memref_slice %arg11[%add3A_1534, %dma_wait3A_1538] : memref<10000x128xf32, #tpu.memory_space<vmem_shared>> -> memref<16x128xf32, #tpu.memory_space<vmem_shared>>
    %dma_wait3A_1540 = arith.constant 0 : i32
    %dma_wait3A_1541 = tpu.memref_slice %arg11[%add3A_1534, %dma_wait3A_1540] : memref<10000x128xf32, #tpu.memory_space<vmem_shared>> -> memref<16x128xf32, #tpu.memory_space<vmem_shared>>
    %dma_wait3A_1542 = arith.constant 0 : i32
    %dma_wait3A_1543 = arith.constant 0 : i32
    %dma_wait3A_1544 = tpu.memref_slice %arg10[%dma_wait3A_1542, %dma_wait3A_1543] : memref<128x128xf32, #tpu.memory_space<vmem>> -> memref<16x128xf32, #tpu.memory_space<vmem>>
    tpu.wait_dma2 semaphore(%arg21 : memref<!tpu.dma_semaphore, #tpu.memory_space<semaphore_mem>>) src(%dma_wait3A_1544 : memref<16x128xf32, #tpu.memory_space<vmem>>) dst(%dma_wait3A_1541 : memref<16x128xf32, #tpu.memory_space<vmem_shared>>)
    %add3A_1545 = arith.constant 336 : i32
    %add3A_1546 = arith.addi %mul3A_770, %add3A_1545 : i32
    %dma_wait3A_1547 = arith.constant 0 : i32
    %dma_wait3A_1548 = arith.constant 0 : i32
    %dma_wait3A_1549 = tpu.memref_slice %arg10[%dma_wait3A_1547, %dma_wait3A_1548] : memref<128x128xf32, #tpu.memory_space<vmem>> -> memref<16x128xf32, #tpu.memory_space<vmem>>
    %dma_wait3A_1550 = arith.constant 0 : i32
    %dma_wait3A_1551 = tpu.memref_slice %arg11[%add3A_1546, %dma_wait3A_1550] : memref<10000x128xf32, #tpu.memory_space<vmem_shared>> -> memref<16x128xf32, #tpu.memory_space<vmem_shared>>
    %dma_wait3A_1552 = arith.constant 0 : i32
    %dma_wait3A_1553 = tpu.memref_slice %arg11[%add3A_1546, %dma_wait3A_1552] : memref<10000x128xf32, #tpu.memory_space<vmem_shared>> -> memref<16x128xf32, #tpu.memory_space<vmem_shared>>
    %dma_wait3A_1554 = arith.constant 0 : i32
    %dma_wait3A_1555 = arith.constant 0 : i32
    %dma_wait3A_1556 = tpu.memref_slice %arg10[%dma_wait3A_1554, %dma_wait3A_1555] : memref<128x128xf32, #tpu.memory_space<vmem>> -> memref<16x128xf32, #tpu.memory_space<vmem>>
    tpu.wait_dma2 semaphore(%arg21 : memref<!tpu.dma_semaphore, #tpu.memory_space<semaphore_mem>>) src(%dma_wait3A_1556 : memref<16x128xf32, #tpu.memory_space<vmem>>) dst(%dma_wait3A_1553 : memref<16x128xf32, #tpu.memory_space<vmem_shared>>)
    %add3A_1557 = arith.constant 352 : i32
    %add3A_1558 = arith.addi %mul3A_770, %add3A_1557 : i32
    %dma_wait3A_1559 = arith.constant 0 : i32
    %dma_wait3A_1560 = arith.constant 0 : i32
    %dma_wait3A_1561 = tpu.memref_slice %arg10[%dma_wait3A_1559, %dma_wait3A_1560] : memref<128x128xf32, #tpu.memory_space<vmem>> -> memref<16x128xf32, #tpu.memory_space<vmem>>
    %dma_wait3A_1562 = arith.constant 0 : i32
    %dma_wait3A_1563 = tpu.memref_slice %arg11[%add3A_1558, %dma_wait3A_1562] : memref<10000x128xf32, #tpu.memory_space<vmem_shared>> -> memref<16x128xf32, #tpu.memory_space<vmem_shared>>
    %dma_wait3A_1564 = arith.constant 0 : i32
    %dma_wait3A_1565 = tpu.memref_slice %arg11[%add3A_1558, %dma_wait3A_1564] : memref<10000x128xf32, #tpu.memory_space<vmem_shared>> -> memref<16x128xf32, #tpu.memory_space<vmem_shared>>
    %dma_wait3A_1566 = arith.constant 0 : i32
    %dma_wait3A_1567 = arith.constant 0 : i32
    %dma_wait3A_1568 = tpu.memref_slice %arg10[%dma_wait3A_1566, %dma_wait3A_1567] : memref<128x128xf32, #tpu.memory_space<vmem>> -> memref<16x128xf32, #tpu.memory_space<vmem>>
    tpu.wait_dma2 semaphore(%arg21 : memref<!tpu.dma_semaphore, #tpu.memory_space<semaphore_mem>>) src(%dma_wait3A_1568 : memref<16x128xf32, #tpu.memory_space<vmem>>) dst(%dma_wait3A_1565 : memref<16x128xf32, #tpu.memory_space<vmem_shared>>)
    %add3A_1569 = arith.constant 368 : i32
    %add3A_1570 = arith.addi %mul3A_770, %add3A_1569 : i32
    %dma_wait3A_1571 = arith.constant 0 : i32
    %dma_wait3A_1572 = arith.constant 0 : i32
    %dma_wait3A_1573 = tpu.memref_slice %arg10[%dma_wait3A_1571, %dma_wait3A_1572] : memref<128x128xf32, #tpu.memory_space<vmem>> -> memref<16x128xf32, #tpu.memory_space<vmem>>
    %dma_wait3A_1574 = arith.constant 0 : i32
    %dma_wait3A_1575 = tpu.memref_slice %arg11[%add3A_1570, %dma_wait3A_1574] : memref<10000x128xf32, #tpu.memory_space<vmem_shared>> -> memref<16x128xf32, #tpu.memory_space<vmem_shared>>
    %dma_wait3A_1576 = arith.constant 0 : i32
    %dma_wait3A_1577 = tpu.memref_slice %arg11[%add3A_1570, %dma_wait3A_1576] : memref<10000x128xf32, #tpu.memory_space<vmem_shared>> -> memref<16x128xf32, #tpu.memory_space<vmem_shared>>
    %dma_wait3A_1578 = arith.constant 0 : i32
    %dma_wait3A_1579 = arith.constant 0 : i32
    %dma_wait3A_1580 = tpu.memref_slice %arg10[%dma_wait3A_1578, %dma_wait3A_1579] : memref<128x128xf32, #tpu.memory_space<vmem>> -> memref<16x128xf32, #tpu.memory_space<vmem>>
    tpu.wait_dma2 semaphore(%arg21 : memref<!tpu.dma_semaphore, #tpu.memory_space<semaphore_mem>>) src(%dma_wait3A_1580 : memref<16x128xf32, #tpu.memory_space<vmem>>) dst(%dma_wait3A_1577 : memref<16x128xf32, #tpu.memory_space<vmem_shared>>)
    %add3A_1581 = arith.constant 384 : i32
    %add3A_1582 = arith.addi %mul3A_770, %add3A_1581 : i32
    %dma_wait3A_1583 = arith.constant 0 : i32
    %dma_wait3A_1584 = arith.constant 0 : i32
    %dma_wait3A_1585 = tpu.memref_slice %arg10[%dma_wait3A_1583, %dma_wait3A_1584] : memref<128x128xf32, #tpu.memory_space<vmem>> -> memref<16x128xf32, #tpu.memory_space<vmem>>
    %dma_wait3A_1586 = arith.constant 0 : i32
    %dma_wait3A_1587 = tpu.memref_slice %arg11[%add3A_1582, %dma_wait3A_1586] : memref<10000x128xf32, #tpu.memory_space<vmem_shared>> -> memref<16x128xf32, #tpu.memory_space<vmem_shared>>
    %dma_wait3A_1588 = arith.constant 0 : i32
    %dma_wait3A_1589 = tpu.memref_slice %arg11[%add3A_1582, %dma_wait3A_1588] : memref<10000x128xf32, #tpu.memory_space<vmem_shared>> -> memref<16x128xf32, #tpu.memory_space<vmem_shared>>
    %dma_wait3A_1590 = arith.constant 0 : i32
    %dma_wait3A_1591 = arith.constant 0 : i32
    %dma_wait3A_1592 = tpu.memref_slice %arg10[%dma_wait3A_1590, %dma_wait3A_1591] : memref<128x128xf32, #tpu.memory_space<vmem>> -> memref<16x128xf32, #tpu.memory_space<vmem>>
    tpu.wait_dma2 semaphore(%arg21 : memref<!tpu.dma_semaphore, #tpu.memory_space<semaphore_mem>>) src(%dma_wait3A_1592 : memref<16x128xf32, #tpu.memory_space<vmem>>) dst(%dma_wait3A_1589 : memref<16x128xf32, #tpu.memory_space<vmem_shared>>)
    %add3A_1593 = arith.constant 400 : i32
    %add3A_1594 = arith.addi %mul3A_770, %add3A_1593 : i32
    %dma_wait3A_1595 = arith.constant 0 : i32
    %dma_wait3A_1596 = arith.constant 0 : i32
    %dma_wait3A_1597 = tpu.memref_slice %arg10[%dma_wait3A_1595, %dma_wait3A_1596] : memref<128x128xf32, #tpu.memory_space<vmem>> -> memref<16x128xf32, #tpu.memory_space<vmem>>
    %dma_wait3A_1598 = arith.constant 0 : i32
    %dma_wait3A_1599 = tpu.memref_slice %arg11[%add3A_1594, %dma_wait3A_1598] : memref<10000x128xf32, #tpu.memory_space<vmem_shared>> -> memref<16x128xf32, #tpu.memory_space<vmem_shared>>
    %dma_wait3A_1600 = arith.constant 0 : i32
    %dma_wait3A_1601 = tpu.memref_slice %arg11[%add3A_1594, %dma_wait3A_1600] : memref<10000x128xf32, #tpu.memory_space<vmem_shared>> -> memref<16x128xf32, #tpu.memory_space<vmem_shared>>
    %dma_wait3A_1602 = arith.constant 0 : i32
    %dma_wait3A_1603 = arith.constant 0 : i32
    %dma_wait3A_1604 = tpu.memref_slice %arg10[%dma_wait3A_1602, %dma_wait3A_1603] : memref<128x128xf32, #tpu.memory_space<vmem>> -> memref<16x128xf32, #tpu.memory_space<vmem>>
    tpu.wait_dma2 semaphore(%arg21 : memref<!tpu.dma_semaphore, #tpu.memory_space<semaphore_mem>>) src(%dma_wait3A_1604 : memref<16x128xf32, #tpu.memory_space<vmem>>) dst(%dma_wait3A_1601 : memref<16x128xf32, #tpu.memory_space<vmem_shared>>)
    %add3A_1605 = arith.constant 416 : i32
    %add3A_1606 = arith.addi %mul3A_770, %add3A_1605 : i32
    %dma_wait3A_1607 = arith.constant 0 : i32
    %dma_wait3A_1608 = arith.constant 0 : i32
    %dma_wait3A_1609 = tpu.memref_slice %arg10[%dma_wait3A_1607, %dma_wait3A_1608] : memref<128x128xf32, #tpu.memory_space<vmem>> -> memref<16x128xf32, #tpu.memory_space<vmem>>
    %dma_wait3A_1610 = arith.constant 0 : i32
    %dma_wait3A_1611 = tpu.memref_slice %arg11[%add3A_1606, %dma_wait3A_1610] : memref<10000x128xf32, #tpu.memory_space<vmem_shared>> -> memref<16x128xf32, #tpu.memory_space<vmem_shared>>
    %dma_wait3A_1612 = arith.constant 0 : i32
    %dma_wait3A_1613 = tpu.memref_slice %arg11[%add3A_1606, %dma_wait3A_1612] : memref<10000x128xf32, #tpu.memory_space<vmem_shared>> -> memref<16x128xf32, #tpu.memory_space<vmem_shared>>
    %dma_wait3A_1614 = arith.constant 0 : i32
    %dma_wait3A_1615 = arith.constant 0 : i32
    %dma_wait3A_1616 = tpu.memref_slice %arg10[%dma_wait3A_1614, %dma_wait3A_1615] : memref<128x128xf32, #tpu.memory_space<vmem>> -> memref<16x128xf32, #tpu.memory_space<vmem>>
    tpu.wait_dma2 semaphore(%arg21 : memref<!tpu.dma_semaphore, #tpu.memory_space<semaphore_mem>>) src(%dma_wait3A_1616 : memref<16x128xf32, #tpu.memory_space<vmem>>) dst(%dma_wait3A_1613 : memref<16x128xf32, #tpu.memory_space<vmem_shared>>)
    %add3A_1617 = arith.constant 432 : i32
    %add3A_1618 = arith.addi %mul3A_770, %add3A_1617 : i32
    %dma_wait3A_1619 = arith.constant 0 : i32
    %dma_wait3A_1620 = arith.constant 0 : i32
    %dma_wait3A_1621 = tpu.memref_slice %arg10[%dma_wait3A_1619, %dma_wait3A_1620] : memref<128x128xf32, #tpu.memory_space<vmem>> -> memref<16x128xf32, #tpu.memory_space<vmem>>
    %dma_wait3A_1622 = arith.constant 0 : i32
    %dma_wait3A_1623 = tpu.memref_slice %arg11[%add3A_1618, %dma_wait3A_1622] : memref<10000x128xf32, #tpu.memory_space<vmem_shared>> -> memref<16x128xf32, #tpu.memory_space<vmem_shared>>
    %dma_wait3A_1624 = arith.constant 0 : i32
    %dma_wait3A_1625 = tpu.memref_slice %arg11[%add3A_1618, %dma_wait3A_1624] : memref<10000x128xf32, #tpu.memory_space<vmem_shared>> -> memref<16x128xf32, #tpu.memory_space<vmem_shared>>
    %dma_wait3A_1626 = arith.constant 0 : i32
    %dma_wait3A_1627 = arith.constant 0 : i32
    %dma_wait3A_1628 = tpu.memref_slice %arg10[%dma_wait3A_1626, %dma_wait3A_1627] : memref<128x128xf32, #tpu.memory_space<vmem>> -> memref<16x128xf32, #tpu.memory_space<vmem>>
    tpu.wait_dma2 semaphore(%arg21 : memref<!tpu.dma_semaphore, #tpu.memory_space<semaphore_mem>>) src(%dma_wait3A_1628 : memref<16x128xf32, #tpu.memory_space<vmem>>) dst(%dma_wait3A_1625 : memref<16x128xf32, #tpu.memory_space<vmem_shared>>)
    %add3A_1629 = arith.constant 448 : i32
    %add3A_1630 = arith.addi %mul3A_770, %add3A_1629 : i32
    %dma_wait3A_1631 = arith.constant 0 : i32
    %dma_wait3A_1632 = arith.constant 0 : i32
    %dma_wait3A_1633 = tpu.memref_slice %arg10[%dma_wait3A_1631, %dma_wait3A_1632] : memref<128x128xf32, #tpu.memory_space<vmem>> -> memref<16x128xf32, #tpu.memory_space<vmem>>
    %dma_wait3A_1634 = arith.constant 0 : i32
    %dma_wait3A_1635 = tpu.memref_slice %arg11[%add3A_1630, %dma_wait3A_1634] : memref<10000x128xf32, #tpu.memory_space<vmem_shared>> -> memref<16x128xf32, #tpu.memory_space<vmem_shared>>
    %dma_wait3A_1636 = arith.constant 0 : i32
    %dma_wait3A_1637 = tpu.memref_slice %arg11[%add3A_1630, %dma_wait3A_1636] : memref<10000x128xf32, #tpu.memory_space<vmem_shared>> -> memref<16x128xf32, #tpu.memory_space<vmem_shared>>
    %dma_wait3A_1638 = arith.constant 0 : i32
    %dma_wait3A_1639 = arith.constant 0 : i32
    %dma_wait3A_1640 = tpu.memref_slice %arg10[%dma_wait3A_1638, %dma_wait3A_1639] : memref<128x128xf32, #tpu.memory_space<vmem>> -> memref<16x128xf32, #tpu.memory_space<vmem>>
    tpu.wait_dma2 semaphore(%arg21 : memref<!tpu.dma_semaphore, #tpu.memory_space<semaphore_mem>>) src(%dma_wait3A_1640 : memref<16x128xf32, #tpu.memory_space<vmem>>) dst(%dma_wait3A_1637 : memref<16x128xf32, #tpu.memory_space<vmem_shared>>)
    %add3A_1641 = arith.constant 464 : i32
    %add3A_1642 = arith.addi %mul3A_770, %add3A_1641 : i32
    %dma_wait3A_1643 = arith.constant 0 : i32
    %dma_wait3A_1644 = arith.constant 0 : i32
    %dma_wait3A_1645 = tpu.memref_slice %arg10[%dma_wait3A_1643, %dma_wait3A_1644] : memref<128x128xf32, #tpu.memory_space<vmem>> -> memref<16x128xf32, #tpu.memory_space<vmem>>
    %dma_wait3A_1646 = arith.constant 0 : i32
    %dma_wait3A_1647 = tpu.memref_slice %arg11[%add3A_1642, %dma_wait3A_1646] : memref<10000x128xf32, #tpu.memory_space<vmem_shared>> -> memref<16x128xf32, #tpu.memory_space<vmem_shared>>
    %dma_wait3A_1648 = arith.constant 0 : i32
    %dma_wait3A_1649 = tpu.memref_slice %arg11[%add3A_1642, %dma_wait3A_1648] : memref<10000x128xf32, #tpu.memory_space<vmem_shared>> -> memref<16x128xf32, #tpu.memory_space<vmem_shared>>
    %dma_wait3A_1650 = arith.constant 0 : i32
    %dma_wait3A_1651 = arith.constant 0 : i32
    %dma_wait3A_1652 = tpu.memref_slice %arg10[%dma_wait3A_1650, %dma_wait3A_1651] : memref<128x128xf32, #tpu.memory_space<vmem>> -> memref<16x128xf32, #tpu.memory_space<vmem>>
    tpu.wait_dma2 semaphore(%arg21 : memref<!tpu.dma_semaphore, #tpu.memory_space<semaphore_mem>>) src(%dma_wait3A_1652 : memref<16x128xf32, #tpu.memory_space<vmem>>) dst(%dma_wait3A_1649 : memref<16x128xf32, #tpu.memory_space<vmem_shared>>)
    %add3A_1653 = arith.constant 480 : i32
    %add3A_1654 = arith.addi %mul3A_770, %add3A_1653 : i32
    %dma_wait3A_1655 = arith.constant 0 : i32
    %dma_wait3A_1656 = arith.constant 0 : i32
    %dma_wait3A_1657 = tpu.memref_slice %arg10[%dma_wait3A_1655, %dma_wait3A_1656] : memref<128x128xf32, #tpu.memory_space<vmem>> -> memref<16x128xf32, #tpu.memory_space<vmem>>
    %dma_wait3A_1658 = arith.constant 0 : i32
    %dma_wait3A_1659 = tpu.memref_slice %arg11[%add3A_1654, %dma_wait3A_1658] : memref<10000x128xf32, #tpu.memory_space<vmem_shared>> -> memref<16x128xf32, #tpu.memory_space<vmem_shared>>
    %dma_wait3A_1660 = arith.constant 0 : i32
    %dma_wait3A_1661 = tpu.memref_slice %arg11[%add3A_1654, %dma_wait3A_1660] : memref<10000x128xf32, #tpu.memory_space<vmem_shared>> -> memref<16x128xf32, #tpu.memory_space<vmem_shared>>
    %dma_wait3A_1662 = arith.constant 0 : i32
    %dma_wait3A_1663 = arith.constant 0 : i32
    %dma_wait3A_1664 = tpu.memref_slice %arg10[%dma_wait3A_1662, %dma_wait3A_1663] : memref<128x128xf32, #tpu.memory_space<vmem>> -> memref<16x128xf32, #tpu.memory_space<vmem>>
    tpu.wait_dma2 semaphore(%arg21 : memref<!tpu.dma_semaphore, #tpu.memory_space<semaphore_mem>>) src(%dma_wait3A_1664 : memref<16x128xf32, #tpu.memory_space<vmem>>) dst(%dma_wait3A_1661 : memref<16x128xf32, #tpu.memory_space<vmem_shared>>)
    %add3A_1665 = arith.constant 496 : i32
    %add3A_1666 = arith.addi %mul3A_770, %add3A_1665 : i32
    %dma_wait3A_1667 = arith.constant 0 : i32
    %dma_wait3A_1668 = arith.constant 0 : i32
    %dma_wait3A_1669 = tpu.memref_slice %arg10[%dma_wait3A_1667, %dma_wait3A_1668] : memref<128x128xf32, #tpu.memory_space<vmem>> -> memref<16x128xf32, #tpu.memory_space<vmem>>
    %dma_wait3A_1670 = arith.constant 0 : i32
    %dma_wait3A_1671 = tpu.memref_slice %arg11[%add3A_1666, %dma_wait3A_1670] : memref<10000x128xf32, #tpu.memory_space<vmem_shared>> -> memref<16x128xf32, #tpu.memory_space<vmem_shared>>
    %dma_wait3A_1672 = arith.constant 0 : i32
    %dma_wait3A_1673 = tpu.memref_slice %arg11[%add3A_1666, %dma_wait3A_1672] : memref<10000x128xf32, #tpu.memory_space<vmem_shared>> -> memref<16x128xf32, #tpu.memory_space<vmem_shared>>
    %dma_wait3A_1674 = arith.constant 0 : i32
    %dma_wait3A_1675 = arith.constant 0 : i32
    %dma_wait3A_1676 = tpu.memref_slice %arg10[%dma_wait3A_1674, %dma_wait3A_1675] : memref<128x128xf32, #tpu.memory_space<vmem>> -> memref<16x128xf32, #tpu.memory_space<vmem>>
    tpu.wait_dma2 semaphore(%arg21 : memref<!tpu.dma_semaphore, #tpu.memory_space<semaphore_mem>>) src(%dma_wait3A_1676 : memref<16x128xf32, #tpu.memory_space<vmem>>) dst(%dma_wait3A_1673 : memref<16x128xf32, #tpu.memory_space<vmem_shared>>)
    %add3A_1677 = arith.constant 512 : i32
    %add3A_1678 = arith.addi %mul3A_770, %add3A_1677 : i32
    %dma_wait3A_1679 = arith.constant 0 : i32
    %dma_wait3A_1680 = arith.constant 0 : i32
    %dma_wait3A_1681 = tpu.memref_slice %arg10[%dma_wait3A_1679, %dma_wait3A_1680] : memref<128x128xf32, #tpu.memory_space<vmem>> -> memref<16x128xf32, #tpu.memory_space<vmem>>
    %dma_wait3A_1682 = arith.constant 0 : i32
    %dma_wait3A_1683 = tpu.memref_slice %arg11[%add3A_1678, %dma_wait3A_1682] : memref<10000x128xf32, #tpu.memory_space<vmem_shared>> -> memref<16x128xf32, #tpu.memory_space<vmem_shared>>
    %dma_wait3A_1684 = arith.constant 0 : i32
    %dma_wait3A_1685 = tpu.memref_slice %arg11[%add3A_1678, %dma_wait3A_1684] : memref<10000x128xf32, #tpu.memory_space<vmem_shared>> -> memref<16x128xf32, #tpu.memory_space<vmem_shared>>
    %dma_wait3A_1686 = arith.constant 0 : i32
    %dma_wait3A_1687 = arith.constant 0 : i32
    %dma_wait3A_1688 = tpu.memref_slice %arg10[%dma_wait3A_1686, %dma_wait3A_1687] : memref<128x128xf32, #tpu.memory_space<vmem>> -> memref<16x128xf32, #tpu.memory_space<vmem>>
    tpu.wait_dma2 semaphore(%arg21 : memref<!tpu.dma_semaphore, #tpu.memory_space<semaphore_mem>>) src(%dma_wait3A_1688 : memref<16x128xf32, #tpu.memory_space<vmem>>) dst(%dma_wait3A_1685 : memref<16x128xf32, #tpu.memory_space<vmem_shared>>)
    %add3A_1689 = arith.constant 528 : i32
    %add3A_1690 = arith.addi %mul3A_770, %add3A_1689 : i32
    %dma_wait3A_1691 = arith.constant 0 : i32
    %dma_wait3A_1692 = arith.constant 0 : i32
    %dma_wait3A_1693 = tpu.memref_slice %arg10[%dma_wait3A_1691, %dma_wait3A_1692] : memref<128x128xf32, #tpu.memory_space<vmem>> -> memref<16x128xf32, #tpu.memory_space<vmem>>
    %dma_wait3A_1694 = arith.constant 0 : i32
    %dma_wait3A_1695 = tpu.memref_slice %arg11[%add3A_1690, %dma_wait3A_1694] : memref<10000x128xf32, #tpu.memory_space<vmem_shared>> -> memref<16x128xf32, #tpu.memory_space<vmem_shared>>
    %dma_wait3A_1696 = arith.constant 0 : i32
    %dma_wait3A_1697 = tpu.memref_slice %arg11[%add3A_1690, %dma_wait3A_1696] : memref<10000x128xf32, #tpu.memory_space<vmem_shared>> -> memref<16x128xf32, #tpu.memory_space<vmem_shared>>
    %dma_wait3A_1698 = arith.constant 0 : i32
    %dma_wait3A_1699 = arith.constant 0 : i32
    %dma_wait3A_1700 = tpu.memref_slice %arg10[%dma_wait3A_1698, %dma_wait3A_1699] : memref<128x128xf32, #tpu.memory_space<vmem>> -> memref<16x128xf32, #tpu.memory_space<vmem>>
    tpu.wait_dma2 semaphore(%arg21 : memref<!tpu.dma_semaphore, #tpu.memory_space<semaphore_mem>>) src(%dma_wait3A_1700 : memref<16x128xf32, #tpu.memory_space<vmem>>) dst(%dma_wait3A_1697 : memref<16x128xf32, #tpu.memory_space<vmem_shared>>)
    %add3A_1701 = arith.constant 544 : i32
    %add3A_1702 = arith.addi %mul3A_770, %add3A_1701 : i32
    %dma_wait3A_1703 = arith.constant 0 : i32
    %dma_wait3A_1704 = arith.constant 0 : i32
    %dma_wait3A_1705 = tpu.memref_slice %arg10[%dma_wait3A_1703, %dma_wait3A_1704] : memref<128x128xf32, #tpu.memory_space<vmem>> -> memref<16x128xf32, #tpu.memory_space<vmem>>
    %dma_wait3A_1706 = arith.constant 0 : i32
    %dma_wait3A_1707 = tpu.memref_slice %arg11[%add3A_1702, %dma_wait3A_1706] : memref<10000x128xf32, #tpu.memory_space<vmem_shared>> -> memref<16x128xf32, #tpu.memory_space<vmem_shared>>
    %dma_wait3A_1708 = arith.constant 0 : i32
    %dma_wait3A_1709 = tpu.memref_slice %arg11[%add3A_1702, %dma_wait3A_1708] : memref<10000x128xf32, #tpu.memory_space<vmem_shared>> -> memref<16x128xf32, #tpu.memory_space<vmem_shared>>
    %dma_wait3A_1710 = arith.constant 0 : i32
    %dma_wait3A_1711 = arith.constant 0 : i32
    %dma_wait3A_1712 = tpu.memref_slice %arg10[%dma_wait3A_1710, %dma_wait3A_1711] : memref<128x128xf32, #tpu.memory_space<vmem>> -> memref<16x128xf32, #tpu.memory_space<vmem>>
    tpu.wait_dma2 semaphore(%arg21 : memref<!tpu.dma_semaphore, #tpu.memory_space<semaphore_mem>>) src(%dma_wait3A_1712 : memref<16x128xf32, #tpu.memory_space<vmem>>) dst(%dma_wait3A_1709 : memref<16x128xf32, #tpu.memory_space<vmem_shared>>)
    %add3A_1713 = arith.constant 560 : i32
    %add3A_1714 = arith.addi %mul3A_770, %add3A_1713 : i32
    %dma_wait3A_1715 = arith.constant 0 : i32
    %dma_wait3A_1716 = arith.constant 0 : i32
    %dma_wait3A_1717 = tpu.memref_slice %arg10[%dma_wait3A_1715, %dma_wait3A_1716] : memref<128x128xf32, #tpu.memory_space<vmem>> -> memref<16x128xf32, #tpu.memory_space<vmem>>
    %dma_wait3A_1718 = arith.constant 0 : i32
    %dma_wait3A_1719 = tpu.memref_slice %arg11[%add3A_1714, %dma_wait3A_1718] : memref<10000x128xf32, #tpu.memory_space<vmem_shared>> -> memref<16x128xf32, #tpu.memory_space<vmem_shared>>
    %dma_wait3A_1720 = arith.constant 0 : i32
    %dma_wait3A_1721 = tpu.memref_slice %arg11[%add3A_1714, %dma_wait3A_1720] : memref<10000x128xf32, #tpu.memory_space<vmem_shared>> -> memref<16x128xf32, #tpu.memory_space<vmem_shared>>
    %dma_wait3A_1722 = arith.constant 0 : i32
    %dma_wait3A_1723 = arith.constant 0 : i32
    %dma_wait3A_1724 = tpu.memref_slice %arg10[%dma_wait3A_1722, %dma_wait3A_1723] : memref<128x128xf32, #tpu.memory_space<vmem>> -> memref<16x128xf32, #tpu.memory_space<vmem>>
    tpu.wait_dma2 semaphore(%arg21 : memref<!tpu.dma_semaphore, #tpu.memory_space<semaphore_mem>>) src(%dma_wait3A_1724 : memref<16x128xf32, #tpu.memory_space<vmem>>) dst(%dma_wait3A_1721 : memref<16x128xf32, #tpu.memory_space<vmem_shared>>)
    %add3A_1725 = arith.constant 576 : i32
    %add3A_1726 = arith.addi %mul3A_770, %add3A_1725 : i32
    %dma_wait3A_1727 = arith.constant 0 : i32
    %dma_wait3A_1728 = arith.constant 0 : i32
    %dma_wait3A_1729 = tpu.memref_slice %arg10[%dma_wait3A_1727, %dma_wait3A_1728] : memref<128x128xf32, #tpu.memory_space<vmem>> -> memref<16x128xf32, #tpu.memory_space<vmem>>
    %dma_wait3A_1730 = arith.constant 0 : i32
    %dma_wait3A_1731 = tpu.memref_slice %arg11[%add3A_1726, %dma_wait3A_1730] : memref<10000x128xf32, #tpu.memory_space<vmem_shared>> -> memref<16x128xf32, #tpu.memory_space<vmem_shared>>
    %dma_wait3A_1732 = arith.constant 0 : i32
    %dma_wait3A_1733 = tpu.memref_slice %arg11[%add3A_1726, %dma_wait3A_1732] : memref<10000x128xf32, #tpu.memory_space<vmem_shared>> -> memref<16x128xf32, #tpu.memory_space<vmem_shared>>
    %dma_wait3A_1734 = arith.constant 0 : i32
    %dma_wait3A_1735 = arith.constant 0 : i32
    %dma_wait3A_1736 = tpu.memref_slice %arg10[%dma_wait3A_1734, %dma_wait3A_1735] : memref<128x128xf32, #tpu.memory_space<vmem>> -> memref<16x128xf32, #tpu.memory_space<vmem>>
    tpu.wait_dma2 semaphore(%arg21 : memref<!tpu.dma_semaphore, #tpu.memory_space<semaphore_mem>>) src(%dma_wait3A_1736 : memref<16x128xf32, #tpu.memory_space<vmem>>) dst(%dma_wait3A_1733 : memref<16x128xf32, #tpu.memory_space<vmem_shared>>)
    %add3A_1737 = arith.constant 592 : i32
    %add3A_1738 = arith.addi %mul3A_770, %add3A_1737 : i32
    %dma_wait3A_1739 = arith.constant 0 : i32
    %dma_wait3A_1740 = arith.constant 0 : i32
    %dma_wait3A_1741 = tpu.memref_slice %arg10[%dma_wait3A_1739, %dma_wait3A_1740] : memref<128x128xf32, #tpu.memory_space<vmem>> -> memref<16x128xf32, #tpu.memory_space<vmem>>
    %dma_wait3A_1742 = arith.constant 0 : i32
    %dma_wait3A_1743 = tpu.memref_slice %arg11[%add3A_1738, %dma_wait3A_1742] : memref<10000x128xf32, #tpu.memory_space<vmem_shared>> -> memref<16x128xf32, #tpu.memory_space<vmem_shared>>
    %dma_wait3A_1744 = arith.constant 0 : i32
    %dma_wait3A_1745 = tpu.memref_slice %arg11[%add3A_1738, %dma_wait3A_1744] : memref<10000x128xf32, #tpu.memory_space<vmem_shared>> -> memref<16x128xf32, #tpu.memory_space<vmem_shared>>
    %dma_wait3A_1746 = arith.constant 0 : i32
    %dma_wait3A_1747 = arith.constant 0 : i32
    %dma_wait3A_1748 = tpu.memref_slice %arg10[%dma_wait3A_1746, %dma_wait3A_1747] : memref<128x128xf32, #tpu.memory_space<vmem>> -> memref<16x128xf32, #tpu.memory_space<vmem>>
    tpu.wait_dma2 semaphore(%arg21 : memref<!tpu.dma_semaphore, #tpu.memory_space<semaphore_mem>>) src(%dma_wait3A_1748 : memref<16x128xf32, #tpu.memory_space<vmem>>) dst(%dma_wait3A_1745 : memref<16x128xf32, #tpu.memory_space<vmem_shared>>)
    %add3A_1749 = arith.constant 608 : i32
    %add3A_1750 = arith.addi %mul3A_770, %add3A_1749 : i32
    %dma_wait3A_1751 = arith.constant 0 : i32
    %dma_wait3A_1752 = arith.constant 0 : i32
    %dma_wait3A_1753 = tpu.memref_slice %arg10[%dma_wait3A_1751, %dma_wait3A_1752] : memref<128x128xf32, #tpu.memory_space<vmem>> -> memref<16x128xf32, #tpu.memory_space<vmem>>
    %dma_wait3A_1754 = arith.constant 0 : i32
    %dma_wait3A_1755 = tpu.memref_slice %arg11[%add3A_1750, %dma_wait3A_1754] : memref<10000x128xf32, #tpu.memory_space<vmem_shared>> -> memref<16x128xf32, #tpu.memory_space<vmem_shared>>
    %dma_wait3A_1756 = arith.constant 0 : i32
    %dma_wait3A_1757 = tpu.memref_slice %arg11[%add3A_1750, %dma_wait3A_1756] : memref<10000x128xf32, #tpu.memory_space<vmem_shared>> -> memref<16x128xf32, #tpu.memory_space<vmem_shared>>
    %dma_wait3A_1758 = arith.constant 0 : i32
    %dma_wait3A_1759 = arith.constant 0 : i32
    %dma_wait3A_1760 = tpu.memref_slice %arg10[%dma_wait3A_1758, %dma_wait3A_1759] : memref<128x128xf32, #tpu.memory_space<vmem>> -> memref<16x128xf32, #tpu.memory_space<vmem>>
    tpu.wait_dma2 semaphore(%arg21 : memref<!tpu.dma_semaphore, #tpu.memory_space<semaphore_mem>>) src(%dma_wait3A_1760 : memref<16x128xf32, #tpu.memory_space<vmem>>) dst(%dma_wait3A_1757 : memref<16x128xf32, #tpu.memory_space<vmem_shared>>)
    %eq3A_1761 = arith.constant 0 : i32
    %eq3A_1762 = arith.cmpi eq, %arg1, %eq3A_1761 : i32
    %convert_element_type3A_1763 = arith.extui %eq3A_1762 : i1 to i32
    %cond3A_1764 = arith.constant 0 : i32
    %cond3A_1765 = arith.cmpi ne, %convert_element_type3A_1763, %cond3A_1764 : i32
    scf.if %cond3A_1765 {
      %dma_wait3A_1859 = arith.constant 0 : i32
      %dma_wait3A_1860 = arith.constant 0 : i32
      %dma_wait3A_1861 = tpu.memref_slice %arg10[%dma_wait3A_1859, %dma_wait3A_1860] : memref<128x128xf32, #tpu.memory_space<vmem>> -> memref<16x128xf32, #tpu.memory_space<vmem>>
      %dma_wait3A_1862 = arith.constant 9984 : i32
      %dma_wait3A_1863 = arith.constant 0 : i32
      %dma_wait3A_1864 = tpu.memref_slice %arg11[%dma_wait3A_1862, %dma_wait3A_1863] : memref<10000x128xf32, #tpu.memory_space<vmem_shared>> -> memref<16x128xf32, #tpu.memory_space<vmem_shared>>
      %dma_wait3A_1865 = arith.constant 9984 : i32
      %dma_wait3A_1866 = arith.constant 0 : i32
      %dma_wait3A_1867 = tpu.memref_slice %arg11[%dma_wait3A_1865, %dma_wait3A_1866] : memref<10000x128xf32, #tpu.memory_space<vmem_shared>> -> memref<16x128xf32, #tpu.memory_space<vmem_shared>>
      %dma_wait3A_1868 = arith.constant 0 : i32
      %dma_wait3A_1869 = arith.constant 0 : i32
      %dma_wait3A_1870 = tpu.memref_slice %arg10[%dma_wait3A_1868, %dma_wait3A_1869] : memref<128x128xf32, #tpu.memory_space<vmem>> -> memref<16x128xf32, #tpu.memory_space<vmem>>
      tpu.wait_dma2 semaphore(%arg21 : memref<!tpu.dma_semaphore, #tpu.memory_space<semaphore_mem>>) src(%dma_wait3A_1870 : memref<16x128xf32, #tpu.memory_space<vmem>>) dst(%dma_wait3A_1867 : memref<16x128xf32, #tpu.memory_space<vmem_shared>>)
    } else {
    }
    %barrier3A = arith.constant 0 : index
    tpu.barrier barrier_id(%barrier3A)
    %dma_wait3A_1766 = arith.constant 0 : i32
    %dma_wait3A_1767 = arith.constant 0 : i32
    %dma_wait3A_1768 = tpu.memref_slice %arg5[%dma_wait3A_1766, %dma_wait3A_1767] : memref<2x128xi32, #tpu.memory_space<vmem>> -> memref<1x128xi32, #tpu.memory_space<vmem>>
    %dma_wait3A_1769 = tpu.memref_squeeze %dma_wait3A_1768 : memref<1x128xi32, #tpu.memory_space<vmem>> -> memref<128xi32, #tpu.memory_space<vmem>>
    %dma_wait3A_1770 = arith.constant 0 : i32
    %dma_wait3A_1771 = arith.constant 0 : i32
    %dma_wait3A_1772 = tpu.memref_slice %arg2[%dma_wait3A_1770, %dma_wait3A_1771] : memref<10000x128xf32, #tpu.memory_space<hbm>> -> memref<10000x128xf32, #tpu.memory_space<hbm>>
    tpu.wait_indirect_dma semaphore(%arg15 : memref<!tpu.dma_semaphore, #tpu.memory_space<semaphore_mem>>) src(%dma_wait3A_1772 : memref<10000x128xf32, #tpu.memory_space<hbm>>) dst(%arg8 : memref<128x128xf32, #tpu.memory_space<vmem>>)
    %dma_start3A_1773 = arith.constant 1 : i32
    %dma_start3A_1774 = arith.constant 0 : i32
    %dma_start3A_1775 = tpu.memref_slice %arg5[%dma_start3A_1773, %dma_start3A_1774] : memref<2x128xi32, #tpu.memory_space<vmem>> -> memref<1x128xi32, #tpu.memory_space<vmem>>
    %dma_start3A_1776 = tpu.memref_squeeze %dma_start3A_1775 : memref<1x128xi32, #tpu.memory_space<vmem>> -> memref<128xi32, #tpu.memory_space<vmem>>
    %dma_start3A_1777 = arith.constant 0 : i32
    %dma_start3A_1778 = arith.constant 0 : i32
    %dma_start3A_1779 = tpu.memref_slice %arg11[%dma_start3A_1777, %dma_start3A_1778] : memref<10000x128xf32, #tpu.memory_space<vmem_shared>> -> memref<10000x128xf32, #tpu.memory_space<vmem_shared>>
    tpu.enqueue_indirect_dma source(%arg8 : memref<128x128xf32, #tpu.memory_space<vmem>>) target(%dma_start3A_1779 : memref<10000x128xf32, #tpu.memory_space<vmem_shared>>) offsets(%dma_start3A_1776 : memref<128xi32, #tpu.memory_space<vmem>>) semaphore(%arg18 : memref<!tpu.dma_semaphore, #tpu.memory_space<semaphore_mem>>) {add = true}
    %scan3A = arith.constant 0 : i32
    %scan3A_1780 = arith.constant 1 : i32
    %scan3A_1781 = arith.constant 25 : i32
    %scan3A_1782 = arith.addi %scan3A_1780, %scan3A_1781 : i32
    %scan3A_1783 = arith.constant 1 : i32
    scf.for %scan3A_1859 = %scan3A_1780 to %scan3A_1782 step %scan3A_1783  : i32 {
      %mul3A_1860 = arith.constant 3 : i32
      %mul3A_1861 = arith.muli %scan3A_1859, %mul3A_1860 : i32
      %add3A_1862 = arith.constant 0 : i32
      %add3A_1863 = arith.addi %mul3A_1861, %add3A_1862 : i32
      %ge3A = arith.constant 3 : i32
      %ge3A_1864 = arith.cmpi sge, %add3A_1863, %ge3A : i32
      %convert_element_type3A_1865 = arith.extui %ge3A_1864 : i1 to i32
      %cond3A_1866 = arith.constant 0 : i32
      %cond3A_1867 = arith.cmpi ne, %convert_element_type3A_1865, %cond3A_1866 : i32
      scf.if %cond3A_1867 {
        %dma_wait3A_1939 = arith.constant 1 : i32
        %dma_wait3A_1940 = arith.constant 0 : i32
        %dma_wait3A_1941 = tpu.memref_slice %arg5[%dma_wait3A_1939, %dma_wait3A_1940] : memref<2x128xi32, #tpu.memory_space<vmem>> -> memref<1x128xi32, #tpu.memory_space<vmem>>
        %dma_wait3A_1942 = tpu.memref_squeeze %dma_wait3A_1941 : memref<1x128xi32, #tpu.memory_space<vmem>> -> memref<128xi32, #tpu.memory_space<vmem>>
        %dma_wait3A_1943 = arith.constant 0 : i32
        %dma_wait3A_1944 = arith.constant 0 : i32
        %dma_wait3A_1945 = tpu.memref_slice %arg11[%dma_wait3A_1943, %dma_wait3A_1944] : memref<10000x128xf32, #tpu.memory_space<vmem_shared>> -> memref<10000x128xf32, #tpu.memory_space<vmem_shared>>
        tpu.wait_indirect_dma semaphore(%arg18 : memref<!tpu.dma_semaphore, #tpu.memory_space<semaphore_mem>>) src(%arg8 : memref<128x128xf32, #tpu.memory_space<vmem>>) dst(%dma_wait3A_1945 : memref<10000x128xf32, #tpu.memory_space<vmem_shared>>)
      } else {
      }
      %mul3A_1868 = arith.constant 32 : i32
      %mul3A_1869 = arith.muli %mul3A_1868, %add3A_1863 : i32
      %add3A_1870 = arith.addi %add3A, %mul3A_1869 : i32
      %mul3A_1871 = arith.constant 128 : i32
      %mul3A_1872 = arith.muli %add3A_1870, %mul3A_1871 : i32
      %dma_start3A_1873 = arith.constant 0 : i32
      %dma_start3A_1874 = tpu.memref_slice %arg3[%dma_start3A_1873, %mul3A_1872] : memref<2x320000xi32, #tpu.memory_space<hbm>> -> memref<2x128xi32, #tpu.memory_space<hbm>>
      %dma_start3A_1875 = arith.constant 0 : i32
      %dma_start3A_1876 = tpu.memref_slice %arg3[%dma_start3A_1875, %mul3A_1872] : memref<2x320000xi32, #tpu.memory_space<hbm>> -> memref<2x128xi32, #tpu.memory_space<hbm>>
      tpu.enqueue_dma source(%dma_start3A_1876 : memref<2x128xi32, #tpu.memory_space<hbm>>) target(%arg5 : memref<2x128xi32, #tpu.memory_space<vmem>>) target_semaphore(%arg12 : memref<!tpu.dma_semaphore, #tpu.memory_space<semaphore_mem>>)
      %ge3A_1877 = arith.constant 1 : i32
      %ge3A_1878 = arith.cmpi sge, %add3A_1863, %ge3A_1877 : i32
      %convert_element_type3A_1879 = arith.extui %ge3A_1878 : i1 to i32
      %cond3A_1880 = arith.constant 0 : i32
      %cond3A_1881 = arith.cmpi ne, %convert_element_type3A_1879, %cond3A_1880 : i32
      scf.if %cond3A_1881 {
        %sub3A = arith.constant 1 : i32
        %sub3A_1939 = arith.subi %add3A_1863, %sub3A : i32
        %mul3A_1940 = arith.constant 32 : i32
        %mul3A_1941 = arith.muli %mul3A_1940, %sub3A_1939 : i32
        %add3A_1942 = arith.addi %add3A, %mul3A_1941 : i32
        %mul3A_1943 = arith.constant 128 : i32
        %mul3A_1944 = arith.muli %add3A_1942, %mul3A_1943 : i32
        %dma_wait3A_1945 = arith.constant 0 : i32
        %dma_wait3A_1946 = tpu.memref_slice %arg3[%dma_wait3A_1945, %mul3A_1944] : memref<2x320000xi32, #tpu.memory_space<hbm>> -> memref<2x128xi32, #tpu.memory_space<hbm>>
        %dma_wait3A_1947 = arith.constant 0 : i32
        %dma_wait3A_1948 = tpu.memref_slice %arg3[%dma_wait3A_1947, %mul3A_1944] : memref<2x320000xi32, #tpu.memory_space<hbm>> -> memref<2x128xi32, #tpu.memory_space<hbm>>
        tpu.wait_dma2 semaphore(%arg14 : memref<!tpu.dma_semaphore, #tpu.memory_space<semaphore_mem>>) src(%dma_wait3A_1948 : memref<2x128xi32, #tpu.memory_space<hbm>>) dst(%arg7 : memref<2x128xi32, #tpu.memory_space<vmem>>)
        %dma_start3A_1949 = arith.constant 0 : i32
        %dma_start3A_1950 = arith.constant 0 : i32
        %dma_start3A_1951 = tpu.memref_slice %arg7[%dma_start3A_1949, %dma_start3A_1950] : memref<2x128xi32, #tpu.memory_space<vmem>> -> memref<1x128xi32, #tpu.memory_space<vmem>>
        %dma_start3A_1952 = tpu.memref_squeeze %dma_start3A_1951 : memref<1x128xi32, #tpu.memory_space<vmem>> -> memref<128xi32, #tpu.memory_space<vmem>>
        %dma_start3A_1953 = arith.constant 0 : i32
        %dma_start3A_1954 = arith.constant 0 : i32
        %dma_start3A_1955 = tpu.memref_slice %arg2[%dma_start3A_1953, %dma_start3A_1954] : memref<10000x128xf32, #tpu.memory_space<hbm>> -> memref<10000x128xf32, #tpu.memory_space<hbm>>
        tpu.enqueue_indirect_dma source(%dma_start3A_1955 : memref<10000x128xf32, #tpu.memory_space<hbm>>) target(%arg10 : memref<128x128xf32, #tpu.memory_space<vmem>>) offsets(%dma_start3A_1952 : memref<128xi32, #tpu.memory_space<vmem>>) semaphore(%arg17 : memref<!tpu.dma_semaphore, #tpu.memory_space<semaphore_mem>>)
      } else {
      }
      %ge3A_1882 = arith.constant 2 : i32
      %ge3A_1883 = arith.cmpi sge, %add3A_1863, %ge3A_1882 : i32
      %convert_element_type3A_1884 = arith.extui %ge3A_1883 : i1 to i32
      %cond3A_1885 = arith.constant 0 : i32
      %cond3A_1886 = arith.cmpi ne, %convert_element_type3A_1884, %cond3A_1885 : i32
      scf.if %cond3A_1886 {
        %dma_wait3A_1939 = arith.constant 0 : i32
        %dma_wait3A_1940 = arith.constant 0 : i32
        %dma_wait3A_1941 = tpu.memref_slice %arg6[%dma_wait3A_1939, %dma_wait3A_1940] : memref<2x128xi32, #tpu.memory_space<vmem>> -> memref<1x128xi32, #tpu.memory_space<vmem>>
        %dma_wait3A_1942 = tpu.memref_squeeze %dma_wait3A_1941 : memref<1x128xi32, #tpu.memory_space<vmem>> -> memref<128xi32, #tpu.memory_space<vmem>>
        %dma_wait3A_1943 = arith.constant 0 : i32
        %dma_wait3A_1944 = arith.constant 0 : i32
        %dma_wait3A_1945 = tpu.memref_slice %arg2[%dma_wait3A_1943, %dma_wait3A_1944] : memref<10000x128xf32, #tpu.memory_space<hbm>> -> memref<10000x128xf32, #tpu.memory_space<hbm>>
        tpu.wait_indirect_dma semaphore(%arg16 : memref<!tpu.dma_semaphore, #tpu.memory_space<semaphore_mem>>) src(%dma_wait3A_1945 : memref<10000x128xf32, #tpu.memory_space<hbm>>) dst(%arg9 : memref<128x128xf32, #tpu.memory_space<vmem>>)
        %dma_start3A_1946 = arith.constant 1 : i32
        %dma_start3A_1947 = arith.constant 0 : i32
        %dma_start3A_1948 = tpu.memref_slice %arg6[%dma_start3A_1946, %dma_start3A_1947] : memref<2x128xi32, #tpu.memory_space<vmem>> -> memref<1x128xi32, #tpu.memory_space<vmem>>
        %dma_start3A_1949 = tpu.memref_squeeze %dma_start3A_1948 : memref<1x128xi32, #tpu.memory_space<vmem>> -> memref<128xi32, #tpu.memory_space<vmem>>
        %dma_start3A_1950 = arith.constant 0 : i32
        %dma_start3A_1951 = arith.constant 0 : i32
        %dma_start3A_1952 = tpu.memref_slice %arg11[%dma_start3A_1950, %dma_start3A_1951] : memref<10000x128xf32, #tpu.memory_space<vmem_shared>> -> memref<10000x128xf32, #tpu.memory_space<vmem_shared>>
        tpu.enqueue_indirect_dma source(%arg9 : memref<128x128xf32, #tpu.memory_space<vmem>>) target(%dma_start3A_1952 : memref<10000x128xf32, #tpu.memory_space<vmem_shared>>) offsets(%dma_start3A_1949 : memref<128xi32, #tpu.memory_space<vmem>>) semaphore(%arg19 : memref<!tpu.dma_semaphore, #tpu.memory_space<semaphore_mem>>) {add = true}
      } else {
      }
      %add3A_1887 = arith.constant 1 : i32
      %add3A_1888 = arith.addi %mul3A_1861, %add3A_1887 : i32
      %ge3A_1889 = arith.constant 3 : i32
      %ge3A_1890 = arith.cmpi sge, %add3A_1888, %ge3A_1889 : i32
      %convert_element_type3A_1891 = arith.extui %ge3A_1890 : i1 to i32
      %cond3A_1892 = arith.constant 0 : i32
      %cond3A_1893 = arith.cmpi ne, %convert_element_type3A_1891, %cond3A_1892 : i32
      scf.if %cond3A_1893 {
        %dma_wait3A_1939 = arith.constant 1 : i32
        %dma_wait3A_1940 = arith.constant 0 : i32
        %dma_wait3A_1941 = tpu.memref_slice %arg6[%dma_wait3A_1939, %dma_wait3A_1940] : memref<2x128xi32, #tpu.memory_space<vmem>> -> memref<1x128xi32, #tpu.memory_space<vmem>>
        %dma_wait3A_1942 = tpu.memref_squeeze %dma_wait3A_1941 : memref<1x128xi32, #tpu.memory_space<vmem>> -> memref<128xi32, #tpu.memory_space<vmem>>
        %dma_wait3A_1943 = arith.constant 0 : i32
        %dma_wait3A_1944 = arith.constant 0 : i32
        %dma_wait3A_1945 = tpu.memref_slice %arg11[%dma_wait3A_1943, %dma_wait3A_1944] : memref<10000x128xf32, #tpu.memory_space<vmem_shared>> -> memref<10000x128xf32, #tpu.memory_space<vmem_shared>>
        tpu.wait_indirect_dma semaphore(%arg19 : memref<!tpu.dma_semaphore, #tpu.memory_space<semaphore_mem>>) src(%arg9 : memref<128x128xf32, #tpu.memory_space<vmem>>) dst(%dma_wait3A_1945 : memref<10000x128xf32, #tpu.memory_space<vmem_shared>>)
      } else {
      }
      %mul3A_1894 = arith.constant 32 : i32
      %mul3A_1895 = arith.muli %mul3A_1894, %add3A_1888 : i32
      %add3A_1896 = arith.addi %add3A, %mul3A_1895 : i32
      %mul3A_1897 = arith.constant 128 : i32
      %mul3A_1898 = arith.muli %add3A_1896, %mul3A_1897 : i32
      %dma_start3A_1899 = arith.constant 0 : i32
      %dma_start3A_1900 = tpu.memref_slice %arg3[%dma_start3A_1899, %mul3A_1898] : memref<2x320000xi32, #tpu.memory_space<hbm>> -> memref<2x128xi32, #tpu.memory_space<hbm>>
      %dma_start3A_1901 = arith.constant 0 : i32
      %dma_start3A_1902 = tpu.memref_slice %arg3[%dma_start3A_1901, %mul3A_1898] : memref<2x320000xi32, #tpu.memory_space<hbm>> -> memref<2x128xi32, #tpu.memory_space<hbm>>
      tpu.enqueue_dma source(%dma_start3A_1902 : memref<2x128xi32, #tpu.memory_space<hbm>>) target(%arg6 : memref<2x128xi32, #tpu.memory_space<vmem>>) target_semaphore(%arg13 : memref<!tpu.dma_semaphore, #tpu.memory_space<semaphore_mem>>)
      %ge3A_1903 = arith.constant 1 : i32
      %ge3A_1904 = arith.cmpi sge, %add3A_1888, %ge3A_1903 : i32
      %convert_element_type3A_1905 = arith.extui %ge3A_1904 : i1 to i32
      %cond3A_1906 = arith.constant 0 : i32
      %cond3A_1907 = arith.cmpi ne, %convert_element_type3A_1905, %cond3A_1906 : i32
      scf.if %cond3A_1907 {
        %sub3A = arith.constant 1 : i32
        %sub3A_1939 = arith.subi %add3A_1888, %sub3A : i32
        %mul3A_1940 = arith.constant 32 : i32
        %mul3A_1941 = arith.muli %mul3A_1940, %sub3A_1939 : i32
        %add3A_1942 = arith.addi %add3A, %mul3A_1941 : i32
        %mul3A_1943 = arith.constant 128 : i32
        %mul3A_1944 = arith.muli %add3A_1942, %mul3A_1943 : i32
        %dma_wait3A_1945 = arith.constant 0 : i32
        %dma_wait3A_1946 = tpu.memref_slice %arg3[%dma_wait3A_1945, %mul3A_1944] : memref<2x320000xi32, #tpu.memory_space<hbm>> -> memref<2x128xi32, #tpu.memory_space<hbm>>
        %dma_wait3A_1947 = arith.constant 0 : i32
        %dma_wait3A_1948 = tpu.memref_slice %arg3[%dma_wait3A_1947, %mul3A_1944] : memref<2x320000xi32, #tpu.memory_space<hbm>> -> memref<2x128xi32, #tpu.memory_space<hbm>>
        tpu.wait_dma2 semaphore(%arg12 : memref<!tpu.dma_semaphore, #tpu.memory_space<semaphore_mem>>) src(%dma_wait3A_1948 : memref<2x128xi32, #tpu.memory_space<hbm>>) dst(%arg5 : memref<2x128xi32, #tpu.memory_space<vmem>>)
        %dma_start3A_1949 = arith.constant 0 : i32
        %dma_start3A_1950 = arith.constant 0 : i32
        %dma_start3A_1951 = tpu.memref_slice %arg5[%dma_start3A_1949, %dma_start3A_1950] : memref<2x128xi32, #tpu.memory_space<vmem>> -> memref<1x128xi32, #tpu.memory_space<vmem>>
        %dma_start3A_1952 = tpu.memref_squeeze %dma_start3A_1951 : memref<1x128xi32, #tpu.memory_space<vmem>> -> memref<128xi32, #tpu.memory_space<vmem>>
        %dma_start3A_1953 = arith.constant 0 : i32
        %dma_start3A_1954 = arith.constant 0 : i32
        %dma_start3A_1955 = tpu.memref_slice %arg2[%dma_start3A_1953, %dma_start3A_1954] : memref<10000x128xf32, #tpu.memory_space<hbm>> -> memref<10000x128xf32, #tpu.memory_space<hbm>>
        tpu.enqueue_indirect_dma source(%dma_start3A_1955 : memref<10000x128xf32, #tpu.memory_space<hbm>>) target(%arg8 : memref<128x128xf32, #tpu.memory_space<vmem>>) offsets(%dma_start3A_1952 : memref<128xi32, #tpu.memory_space<vmem>>) semaphore(%arg15 : memref<!tpu.dma_semaphore, #tpu.memory_space<semaphore_mem>>)
      } else {
      }
      %ge3A_1908 = arith.constant 2 : i32
      %ge3A_1909 = arith.cmpi sge, %add3A_1888, %ge3A_1908 : i32
      %convert_element_type3A_1910 = arith.extui %ge3A_1909 : i1 to i32
      %cond3A_1911 = arith.constant 0 : i32
      %cond3A_1912 = arith.cmpi ne, %convert_element_type3A_1910, %cond3A_1911 : i32
      scf.if %cond3A_1912 {
        %dma_wait3A_1939 = arith.constant 0 : i32
        %dma_wait3A_1940 = arith.constant 0 : i32
        %dma_wait3A_1941 = tpu.memref_slice %arg7[%dma_wait3A_1939, %dma_wait3A_1940] : memref<2x128xi32, #tpu.memory_space<vmem>> -> memref<1x128xi32, #tpu.memory_space<vmem>>
        %dma_wait3A_1942 = tpu.memref_squeeze %dma_wait3A_1941 : memref<1x128xi32, #tpu.memory_space<vmem>> -> memref<128xi32, #tpu.memory_space<vmem>>
        %dma_wait3A_1943 = arith.constant 0 : i32
        %dma_wait3A_1944 = arith.constant 0 : i32
        %dma_wait3A_1945 = tpu.memref_slice %arg2[%dma_wait3A_1943, %dma_wait3A_1944] : memref<10000x128xf32, #tpu.memory_space<hbm>> -> memref<10000x128xf32, #tpu.memory_space<hbm>>
        tpu.wait_indirect_dma semaphore(%arg17 : memref<!tpu.dma_semaphore, #tpu.memory_space<semaphore_mem>>) src(%dma_wait3A_1945 : memref<10000x128xf32, #tpu.memory_space<hbm>>) dst(%arg10 : memref<128x128xf32, #tpu.memory_space<vmem>>)
        %dma_start3A_1946 = arith.constant 1 : i32
        %dma_start3A_1947 = arith.constant 0 : i32
        %dma_start3A_1948 = tpu.memref_slice %arg7[%dma_start3A_1946, %dma_start3A_1947] : memref<2x128xi32, #tpu.memory_space<vmem>> -> memref<1x128xi32, #tpu.memory_space<vmem>>
        %dma_start3A_1949 = tpu.memref_squeeze %dma_start3A_1948 : memref<1x128xi32, #tpu.memory_space<vmem>> -> memref<128xi32, #tpu.memory_space<vmem>>
        %dma_start3A_1950 = arith.constant 0 : i32
        %dma_start3A_1951 = arith.constant 0 : i32
        %dma_start3A_1952 = tpu.memref_slice %arg11[%dma_start3A_1950, %dma_start3A_1951] : memref<10000x128xf32, #tpu.memory_space<vmem_shared>> -> memref<10000x128xf32, #tpu.memory_space<vmem_shared>>
        tpu.enqueue_indirect_dma source(%arg10 : memref<128x128xf32, #tpu.memory_space<vmem>>) target(%dma_start3A_1952 : memref<10000x128xf32, #tpu.memory_space<vmem_shared>>) offsets(%dma_start3A_1949 : memref<128xi32, #tpu.memory_space<vmem>>) semaphore(%arg20 : memref<!tpu.dma_semaphore, #tpu.memory_space<semaphore_mem>>) {add = true}
      } else {
      }
      %add3A_1913 = arith.constant 2 : i32
      %add3A_1914 = arith.addi %mul3A_1861, %add3A_1913 : i32
      %ge3A_1915 = arith.constant 3 : i32
      %ge3A_1916 = arith.cmpi sge, %add3A_1914, %ge3A_1915 : i32
      %convert_element_type3A_1917 = arith.extui %ge3A_1916 : i1 to i32
      %cond3A_1918 = arith.constant 0 : i32
      %cond3A_1919 = arith.cmpi ne, %convert_element_type3A_1917, %cond3A_1918 : i32
      scf.if %cond3A_1919 {
        %dma_wait3A_1939 = arith.constant 1 : i32
        %dma_wait3A_1940 = arith.constant 0 : i32
        %dma_wait3A_1941 = tpu.memref_slice %arg7[%dma_wait3A_1939, %dma_wait3A_1940] : memref<2x128xi32, #tpu.memory_space<vmem>> -> memref<1x128xi32, #tpu.memory_space<vmem>>
        %dma_wait3A_1942 = tpu.memref_squeeze %dma_wait3A_1941 : memref<1x128xi32, #tpu.memory_space<vmem>> -> memref<128xi32, #tpu.memory_space<vmem>>
        %dma_wait3A_1943 = arith.constant 0 : i32
        %dma_wait3A_1944 = arith.constant 0 : i32
        %dma_wait3A_1945 = tpu.memref_slice %arg11[%dma_wait3A_1943, %dma_wait3A_1944] : memref<10000x128xf32, #tpu.memory_space<vmem_shared>> -> memref<10000x128xf32, #tpu.memory_space<vmem_shared>>
        tpu.wait_indirect_dma semaphore(%arg20 : memref<!tpu.dma_semaphore, #tpu.memory_space<semaphore_mem>>) src(%arg10 : memref<128x128xf32, #tpu.memory_space<vmem>>) dst(%dma_wait3A_1945 : memref<10000x128xf32, #tpu.memory_space<vmem_shared>>)
      } else {
      }
      %mul3A_1920 = arith.constant 32 : i32
      %mul3A_1921 = arith.muli %mul3A_1920, %add3A_1914 : i32
      %add3A_1922 = arith.addi %add3A, %mul3A_1921 : i32
      %mul3A_1923 = arith.constant 128 : i32
      %mul3A_1924 = arith.muli %add3A_1922, %mul3A_1923 : i32
      %dma_start3A_1925 = arith.constant 0 : i32
      %dma_start3A_1926 = tpu.memref_slice %arg3[%dma_start3A_1925, %mul3A_1924] : memref<2x320000xi32, #tpu.memory_space<hbm>> -> memref<2x128xi32, #tpu.memory_space<hbm>>
      %dma_start3A_1927 = arith.constant 0 : i32
      %dma_start3A_1928 = tpu.memref_slice %arg3[%dma_start3A_1927, %mul3A_1924] : memref<2x320000xi32, #tpu.memory_space<hbm>> -> memref<2x128xi32, #tpu.memory_space<hbm>>
      tpu.enqueue_dma source(%dma_start3A_1928 : memref<2x128xi32, #tpu.memory_space<hbm>>) target(%arg7 : memref<2x128xi32, #tpu.memory_space<vmem>>) target_semaphore(%arg14 : memref<!tpu.dma_semaphore, #tpu.memory_space<semaphore_mem>>)
      %ge3A_1929 = arith.constant 1 : i32
      %ge3A_1930 = arith.cmpi sge, %add3A_1914, %ge3A_1929 : i32
      %convert_element_type3A_1931 = arith.extui %ge3A_1930 : i1 to i32
      %cond3A_1932 = arith.constant 0 : i32
      %cond3A_1933 = arith.cmpi ne, %convert_element_type3A_1931, %cond3A_1932 : i32
      scf.if %cond3A_1933 {
        %sub3A = arith.constant 1 : i32
        %sub3A_1939 = arith.subi %add3A_1914, %sub3A : i32
        %mul3A_1940 = arith.constant 32 : i32
        %mul3A_1941 = arith.muli %mul3A_1940, %sub3A_1939 : i32
        %add3A_1942 = arith.addi %add3A, %mul3A_1941 : i32
        %mul3A_1943 = arith.constant 128 : i32
        %mul3A_1944 = arith.muli %add3A_1942, %mul3A_1943 : i32
        %dma_wait3A_1945 = arith.constant 0 : i32
        %dma_wait3A_1946 = tpu.memref_slice %arg3[%dma_wait3A_1945, %mul3A_1944] : memref<2x320000xi32, #tpu.memory_space<hbm>> -> memref<2x128xi32, #tpu.memory_space<hbm>>
        %dma_wait3A_1947 = arith.constant 0 : i32
        %dma_wait3A_1948 = tpu.memref_slice %arg3[%dma_wait3A_1947, %mul3A_1944] : memref<2x320000xi32, #tpu.memory_space<hbm>> -> memref<2x128xi32, #tpu.memory_space<hbm>>
        tpu.wait_dma2 semaphore(%arg13 : memref<!tpu.dma_semaphore, #tpu.memory_space<semaphore_mem>>) src(%dma_wait3A_1948 : memref<2x128xi32, #tpu.memory_space<hbm>>) dst(%arg6 : memref<2x128xi32, #tpu.memory_space<vmem>>)
        %dma_start3A_1949 = arith.constant 0 : i32
        %dma_start3A_1950 = arith.constant 0 : i32
        %dma_start3A_1951 = tpu.memref_slice %arg6[%dma_start3A_1949, %dma_start3A_1950] : memref<2x128xi32, #tpu.memory_space<vmem>> -> memref<1x128xi32, #tpu.memory_space<vmem>>
        %dma_start3A_1952 = tpu.memref_squeeze %dma_start3A_1951 : memref<1x128xi32, #tpu.memory_space<vmem>> -> memref<128xi32, #tpu.memory_space<vmem>>
        %dma_start3A_1953 = arith.constant 0 : i32
        %dma_start3A_1954 = arith.constant 0 : i32
        %dma_start3A_1955 = tpu.memref_slice %arg2[%dma_start3A_1953, %dma_start3A_1954] : memref<10000x128xf32, #tpu.memory_space<hbm>> -> memref<10000x128xf32, #tpu.memory_space<hbm>>
        tpu.enqueue_indirect_dma source(%dma_start3A_1955 : memref<10000x128xf32, #tpu.memory_space<hbm>>) target(%arg9 : memref<128x128xf32, #tpu.memory_space<vmem>>) offsets(%dma_start3A_1952 : memref<128xi32, #tpu.memory_space<vmem>>) semaphore(%arg16 : memref<!tpu.dma_semaphore, #tpu.memory_space<semaphore_mem>>)
      } else {
      }
      %ge3A_1934 = arith.constant 2 : i32
      %ge3A_1935 = arith.cmpi sge, %add3A_1914, %ge3A_1934 : i32
      %convert_element_type3A_1936 = arith.extui %ge3A_1935 : i1 to i32
      %cond3A_1937 = arith.constant 0 : i32
      %cond3A_1938 = arith.cmpi ne, %convert_element_type3A_1936, %cond3A_1937 : i32
      scf.if %cond3A_1938 {
        %dma_wait3A_1939 = arith.constant 0 : i32
        %dma_wait3A_1940 = arith.constant 0 : i32
        %dma_wait3A_1941 = tpu.memref_slice %arg5[%dma_wait3A_1939, %dma_wait3A_1940] : memref<2x128xi32, #tpu.memory_space<vmem>> -> memref<1x128xi32, #tpu.memory_space<vmem>>
        %dma_wait3A_1942 = tpu.memref_squeeze %dma_wait3A_1941 : memref<1x128xi32, #tpu.memory_space<vmem>> -> memref<128xi32, #tpu.memory_space<vmem>>
        %dma_wait3A_1943 = arith.constant 0 : i32
        %dma_wait3A_1944 = arith.constant 0 : i32
        %dma_wait3A_1945 = tpu.memref_slice %arg2[%dma_wait3A_1943, %dma_wait3A_1944] : memref<10000x128xf32, #tpu.memory_space<hbm>> -> memref<10000x128xf32, #tpu.memory_space<hbm>>
        tpu.wait_indirect_dma semaphore(%arg15 : memref<!tpu.dma_semaphore, #tpu.memory_space<semaphore_mem>>) src(%dma_wait3A_1945 : memref<10000x128xf32, #tpu.memory_space<hbm>>) dst(%arg8 : memref<128x128xf32, #tpu.memory_space<vmem>>)
        %dma_start3A_1946 = arith.constant 1 : i32
        %dma_start3A_1947 = arith.constant 0 : i32
        %dma_start3A_1948 = tpu.memref_slice %arg5[%dma_start3A_1946, %dma_start3A_1947] : memref<2x128xi32, #tpu.memory_space<vmem>> -> memref<1x128xi32, #tpu.memory_space<vmem>>
        %dma_start3A_1949 = tpu.memref_squeeze %dma_start3A_1948 : memref<1x128xi32, #tpu.memory_space<vmem>> -> memref<128xi32, #tpu.memory_space<vmem>>
        %dma_start3A_1950 = arith.constant 0 : i32
        %dma_start3A_1951 = arith.constant 0 : i32
        %dma_start3A_1952 = tpu.memref_slice %arg11[%dma_start3A_1950, %dma_start3A_1951] : memref<10000x128xf32, #tpu.memory_space<vmem_shared>> -> memref<10000x128xf32, #tpu.memory_space<vmem_shared>>
        tpu.enqueue_indirect_dma source(%arg8 : memref<128x128xf32, #tpu.memory_space<vmem>>) target(%dma_start3A_1952 : memref<10000x128xf32, #tpu.memory_space<vmem_shared>>) offsets(%dma_start3A_1949 : memref<128xi32, #tpu.memory_space<vmem>>) semaphore(%arg18 : memref<!tpu.dma_semaphore, #tpu.memory_space<semaphore_mem>>) {add = true}
      } else {
      }
    }
    %scan3A_1784 = arith.constant 25 : i32
    %add3A_1785 = arith.constant 2464 : i32
    %add3A_1786 = arith.addi %add3A, %add3A_1785 : i32
    %mul3A_1787 = arith.constant 128 : i32
    %mul3A_1788 = arith.muli %add3A_1786, %mul3A_1787 : i32
    %dma_wait3A_1789 = arith.constant 0 : i32
    %dma_wait3A_1790 = tpu.memref_slice %arg3[%dma_wait3A_1789, %mul3A_1788] : memref<2x320000xi32, #tpu.memory_space<hbm>> -> memref<2x128xi32, #tpu.memory_space<hbm>>
    %dma_wait3A_1791 = arith.constant 0 : i32
    %dma_wait3A_1792 = tpu.memref_slice %arg3[%dma_wait3A_1791, %mul3A_1788] : memref<2x320000xi32, #tpu.memory_space<hbm>> -> memref<2x128xi32, #tpu.memory_space<hbm>>
    tpu.wait_dma2 semaphore(%arg14 : memref<!tpu.dma_semaphore, #tpu.memory_space<semaphore_mem>>) src(%dma_wait3A_1792 : memref<2x128xi32, #tpu.memory_space<hbm>>) dst(%arg7 : memref<2x128xi32, #tpu.memory_space<vmem>>)
    %dma_start3A_1793 = arith.constant 0 : i32
    %dma_start3A_1794 = arith.constant 0 : i32
    %dma_start3A_1795 = tpu.memref_slice %arg7[%dma_start3A_1793, %dma_start3A_1794] : memref<2x128xi32, #tpu.memory_space<vmem>> -> memref<1x128xi32, #tpu.memory_space<vmem>>
    %dma_start3A_1796 = tpu.memref_squeeze %dma_start3A_1795 : memref<1x128xi32, #tpu.memory_space<vmem>> -> memref<128xi32, #tpu.memory_space<vmem>>
    %dma_start3A_1797 = arith.constant 0 : i32
    %dma_start3A_1798 = arith.constant 0 : i32
    %dma_start3A_1799 = tpu.memref_slice %arg2[%dma_start3A_1797, %dma_start3A_1798] : memref<10000x128xf32, #tpu.memory_space<hbm>> -> memref<10000x128xf32, #tpu.memory_space<hbm>>
    tpu.enqueue_indirect_dma source(%dma_start3A_1799 : memref<10000x128xf32, #tpu.memory_space<hbm>>) target(%arg10 : memref<128x128xf32, #tpu.memory_space<vmem>>) offsets(%dma_start3A_1796 : memref<128xi32, #tpu.memory_space<vmem>>) semaphore(%arg17 : memref<!tpu.dma_semaphore, #tpu.memory_space<semaphore_mem>>)
    %dma_wait3A_1800 = arith.constant 0 : i32
    %dma_wait3A_1801 = arith.constant 0 : i32
    %dma_wait3A_1802 = tpu.memref_slice %arg6[%dma_wait3A_1800, %dma_wait3A_1801] : memref<2x128xi32, #tpu.memory_space<vmem>> -> memref<1x128xi32, #tpu.memory_space<vmem>>
    %dma_wait3A_1803 = tpu.memref_squeeze %dma_wait3A_1802 : memref<1x128xi32, #tpu.memory_space<vmem>> -> memref<128xi32, #tpu.memory_space<vmem>>
    %dma_wait3A_1804 = arith.constant 0 : i32
    %dma_wait3A_1805 = arith.constant 0 : i32
    %dma_wait3A_1806 = tpu.memref_slice %arg2[%dma_wait3A_1804, %dma_wait3A_1805] : memref<10000x128xf32, #tpu.memory_space<hbm>> -> memref<10000x128xf32, #tpu.memory_space<hbm>>
    tpu.wait_indirect_dma semaphore(%arg16 : memref<!tpu.dma_semaphore, #tpu.memory_space<semaphore_mem>>) src(%dma_wait3A_1806 : memref<10000x128xf32, #tpu.memory_space<hbm>>) dst(%arg9 : memref<128x128xf32, #tpu.memory_space<vmem>>)
    %dma_start3A_1807 = arith.constant 1 : i32
    %dma_start3A_1808 = arith.constant 0 : i32
    %dma_start3A_1809 = tpu.memref_slice %arg6[%dma_start3A_1807, %dma_start3A_1808] : memref<2x128xi32, #tpu.memory_space<vmem>> -> memref<1x128xi32, #tpu.memory_space<vmem>>
    %dma_start3A_1810 = tpu.memref_squeeze %dma_start3A_1809 : memref<1x128xi32, #tpu.memory_space<vmem>> -> memref<128xi32, #tpu.memory_space<vmem>>
    %dma_start3A_1811 = arith.constant 0 : i32
    %dma_start3A_1812 = arith.constant 0 : i32
    %dma_start3A_1813 = tpu.memref_slice %arg11[%dma_start3A_1811, %dma_start3A_1812] : memref<10000x128xf32, #tpu.memory_space<vmem_shared>> -> memref<10000x128xf32, #tpu.memory_space<vmem_shared>>
    tpu.enqueue_indirect_dma source(%arg9 : memref<128x128xf32, #tpu.memory_space<vmem>>) target(%dma_start3A_1813 : memref<10000x128xf32, #tpu.memory_space<vmem_shared>>) offsets(%dma_start3A_1810 : memref<128xi32, #tpu.memory_space<vmem>>) semaphore(%arg19 : memref<!tpu.dma_semaphore, #tpu.memory_space<semaphore_mem>>) {add = true}
    %dma_wait3A_1814 = arith.constant 0 : i32
    %dma_wait3A_1815 = arith.constant 0 : i32
    %dma_wait3A_1816 = tpu.memref_slice %arg7[%dma_wait3A_1814, %dma_wait3A_1815] : memref<2x128xi32, #tpu.memory_space<vmem>> -> memref<1x128xi32, #tpu.memory_space<vmem>>
    %dma_wait3A_1817 = tpu.memref_squeeze %dma_wait3A_1816 : memref<1x128xi32, #tpu.memory_space<vmem>> -> memref<128xi32, #tpu.memory_space<vmem>>
    %dma_wait3A_1818 = arith.constant 0 : i32
    %dma_wait3A_1819 = arith.constant 0 : i32
    %dma_wait3A_1820 = tpu.memref_slice %arg2[%dma_wait3A_1818, %dma_wait3A_1819] : memref<10000x128xf32, #tpu.memory_space<hbm>> -> memref<10000x128xf32, #tpu.memory_space<hbm>>
    tpu.wait_indirect_dma semaphore(%arg17 : memref<!tpu.dma_semaphore, #tpu.memory_space<semaphore_mem>>) src(%dma_wait3A_1820 : memref<10000x128xf32, #tpu.memory_space<hbm>>) dst(%arg10 : memref<128x128xf32, #tpu.memory_space<vmem>>)
    %dma_start3A_1821 = arith.constant 1 : i32
    %dma_start3A_1822 = arith.constant 0 : i32
    %dma_start3A_1823 = tpu.memref_slice %arg7[%dma_start3A_1821, %dma_start3A_1822] : memref<2x128xi32, #tpu.memory_space<vmem>> -> memref<1x128xi32, #tpu.memory_space<vmem>>
    %dma_start3A_1824 = tpu.memref_squeeze %dma_start3A_1823 : memref<1x128xi32, #tpu.memory_space<vmem>> -> memref<128xi32, #tpu.memory_space<vmem>>
    %dma_start3A_1825 = arith.constant 0 : i32
    %dma_start3A_1826 = arith.constant 0 : i32
    %dma_start3A_1827 = tpu.memref_slice %arg11[%dma_start3A_1825, %dma_start3A_1826] : memref<10000x128xf32, #tpu.memory_space<vmem_shared>> -> memref<10000x128xf32, #tpu.memory_space<vmem_shared>>
    tpu.enqueue_indirect_dma source(%arg10 : memref<128x128xf32, #tpu.memory_space<vmem>>) target(%dma_start3A_1827 : memref<10000x128xf32, #tpu.memory_space<vmem_shared>>) offsets(%dma_start3A_1824 : memref<128xi32, #tpu.memory_space<vmem>>) semaphore(%arg20 : memref<!tpu.dma_semaphore, #tpu.memory_space<semaphore_mem>>) {add = true}
    %dma_wait3A_1828 = arith.constant 1 : i32
    %dma_wait3A_1829 = arith.constant 0 : i32
    %dma_wait3A_1830 = tpu.memref_slice %arg7[%dma_wait3A_1828, %dma_wait3A_1829] : memref<2x128xi32, #tpu.memory_space<vmem>> -> memref<1x128xi32, #tpu.memory_space<vmem>>
    %dma_wait3A_1831 = tpu.memref_squeeze %dma_wait3A_1830 : memref<1x128xi32, #tpu.memory_space<vmem>> -> memref<128xi32, #tpu.memory_space<vmem>>
    %dma_wait3A_1832 = arith.constant 0 : i32
    %dma_wait3A_1833 = arith.constant 0 : i32
    %dma_wait3A_1834 = tpu.memref_slice %arg11[%dma_wait3A_1832, %dma_wait3A_1833] : memref<10000x128xf32, #tpu.memory_space<vmem_shared>> -> memref<10000x128xf32, #tpu.memory_space<vmem_shared>>
    tpu.wait_indirect_dma semaphore(%arg20 : memref<!tpu.dma_semaphore, #tpu.memory_space<semaphore_mem>>) src(%arg10 : memref<128x128xf32, #tpu.memory_space<vmem>>) dst(%dma_wait3A_1834 : memref<10000x128xf32, #tpu.memory_space<vmem_shared>>)
    %dma_wait3A_1835 = arith.constant 1 : i32
    %dma_wait3A_1836 = arith.constant 0 : i32
    %dma_wait3A_1837 = tpu.memref_slice %arg6[%dma_wait3A_1835, %dma_wait3A_1836] : memref<2x128xi32, #tpu.memory_space<vmem>> -> memref<1x128xi32, #tpu.memory_space<vmem>>
    %dma_wait3A_1838 = tpu.memref_squeeze %dma_wait3A_1837 : memref<1x128xi32, #tpu.memory_space<vmem>> -> memref<128xi32, #tpu.memory_space<vmem>>
    %dma_wait3A_1839 = arith.constant 0 : i32
    %dma_wait3A_1840 = arith.constant 0 : i32
    %dma_wait3A_1841 = tpu.memref_slice %arg11[%dma_wait3A_1839, %dma_wait3A_1840] : memref<10000x128xf32, #tpu.memory_space<vmem_shared>> -> memref<10000x128xf32, #tpu.memory_space<vmem_shared>>
    tpu.wait_indirect_dma semaphore(%arg19 : memref<!tpu.dma_semaphore, #tpu.memory_space<semaphore_mem>>) src(%arg9 : memref<128x128xf32, #tpu.memory_space<vmem>>) dst(%dma_wait3A_1841 : memref<10000x128xf32, #tpu.memory_space<vmem_shared>>)
    %dma_wait3A_1842 = arith.constant 1 : i32
    %dma_wait3A_1843 = arith.constant 0 : i32
    %dma_wait3A_1844 = tpu.memref_slice %arg5[%dma_wait3A_1842, %dma_wait3A_1843] : memref<2x128xi32, #tpu.memory_space<vmem>> -> memref<1x128xi32, #tpu.memory_space<vmem>>
    %dma_wait3A_1845 = tpu.memref_squeeze %dma_wait3A_1844 : memref<1x128xi32, #tpu.memory_space<vmem>> -> memref<128xi32, #tpu.memory_space<vmem>>
    %dma_wait3A_1846 = arith.constant 0 : i32
    %dma_wait3A_1847 = arith.constant 0 : i32
    %dma_wait3A_1848 = tpu.memref_slice %arg11[%dma_wait3A_1846, %dma_wait3A_1847] : memref<10000x128xf32, #tpu.memory_space<vmem_shared>> -> memref<10000x128xf32, #tpu.memory_space<vmem_shared>>
    tpu.wait_indirect_dma semaphore(%arg18 : memref<!tpu.dma_semaphore, #tpu.memory_space<semaphore_mem>>) src(%arg8 : memref<128x128xf32, #tpu.memory_space<vmem>>) dst(%dma_wait3A_1848 : memref<10000x128xf32, #tpu.memory_space<vmem_shared>>)
    %lt3A = arith.constant 4 : i32
    %lt3A_1849 = arith.cmpi slt, %add3A, %lt3A : i32
    %convert_element_type3A_1850 = arith.extui %lt3A_1849 : i1 to i32
    %cond3A_1851 = arith.constant 0 : i32
    %cond3A_1852 = arith.cmpi ne, %convert_element_type3A_1850, %cond3A_1851 : i32
    scf.if %cond3A_1852 {
      %add3A_1859 = arith.constant 2496 : i32
      %add3A_1860 = arith.addi %add3A_1859, %add3A : i32
      %mul3A_1861 = arith.constant 128 : i32
      %mul3A_1862 = arith.muli %add3A_1860, %mul3A_1861 : i32
      "tpu.region"() ({
        %run_scoped3A_1877 = tpu.sem_alloc : memref<!tpu.dma_semaphore, #tpu.memory_space<semaphore_mem>>
        %dma_start3A_1878 = arith.constant 0 : i32
        %dma_start3A_1879 = tpu.memref_slice %arg3[%dma_start3A_1878, %mul3A_1862] : memref<2x320000xi32, #tpu.memory_space<hbm>> -> memref<2x128xi32, #tpu.memory_space<hbm>>
        %dma_start3A_1880 = arith.constant 0 : i32
        %dma_start3A_1881 = tpu.memref_slice %arg3[%dma_start3A_1880, %mul3A_1862] : memref<2x320000xi32, #tpu.memory_space<hbm>> -> memref<2x128xi32, #tpu.memory_space<hbm>>
        tpu.enqueue_dma source(%dma_start3A_1881 : memref<2x128xi32, #tpu.memory_space<hbm>>) target(%arg5 : memref<2x128xi32, #tpu.memory_space<vmem>>) target_semaphore(%run_scoped3A_1877 : memref<!tpu.dma_semaphore, #tpu.memory_space<semaphore_mem>>)
        %dma_wait3A_1882 = arith.constant 0 : i32
        %dma_wait3A_1883 = tpu.memref_slice %arg3[%dma_wait3A_1882, %mul3A_1862] : memref<2x320000xi32, #tpu.memory_space<hbm>> -> memref<2x128xi32, #tpu.memory_space<hbm>>
        %dma_wait3A_1884 = arith.constant 0 : i32
        %dma_wait3A_1885 = tpu.memref_slice %arg3[%dma_wait3A_1884, %mul3A_1862] : memref<2x320000xi32, #tpu.memory_space<hbm>> -> memref<2x128xi32, #tpu.memory_space<hbm>>
        tpu.wait_dma2 semaphore(%run_scoped3A_1877 : memref<!tpu.dma_semaphore, #tpu.memory_space<semaphore_mem>>) src(%dma_wait3A_1885 : memref<2x128xi32, #tpu.memory_space<hbm>>) dst(%arg5 : memref<2x128xi32, #tpu.memory_space<vmem>>)
        tpu.yield
      }) : () -> ()
      %dma_start3A_1863 = arith.constant 0 : i32
      %dma_start3A_1864 = arith.constant 0 : i32
      %dma_start3A_1865 = tpu.memref_slice %arg5[%dma_start3A_1863, %dma_start3A_1864] : memref<2x128xi32, #tpu.memory_space<vmem>> -> memref<1x128xi32, #tpu.memory_space<vmem>>
      %dma_start3A_1866 = tpu.memref_squeeze %dma_start3A_1865 : memref<1x128xi32, #tpu.memory_space<vmem>> -> memref<128xi32, #tpu.memory_space<vmem>>
      %dma_start3A_1867 = arith.constant 0 : i32
      %dma_start3A_1868 = arith.constant 0 : i32
      %dma_start3A_1869 = tpu.memref_slice %arg2[%dma_start3A_1867, %dma_start3A_1868] : memref<10000x128xf32, #tpu.memory_space<hbm>> -> memref<10000x128xf32, #tpu.memory_space<hbm>>
      tpu.enqueue_indirect_dma source(%dma_start3A_1869 : memref<10000x128xf32, #tpu.memory_space<hbm>>) target(%arg8 : memref<128x128xf32, #tpu.memory_space<vmem>>) offsets(%dma_start3A_1866 : memref<128xi32, #tpu.memory_space<vmem>>) semaphore(%arg15 : memref<!tpu.dma_semaphore, #tpu.memory_space<semaphore_mem>>)
      %dma_wait3A_1870 = arith.constant 0 : i32
      %dma_wait3A_1871 = arith.constant 0 : i32
      %dma_wait3A_1872 = tpu.memref_slice %arg5[%dma_wait3A_1870, %dma_wait3A_1871] : memref<2x128xi32, #tpu.memory_space<vmem>> -> memref<1x128xi32, #tpu.memory_space<vmem>>
      %dma_wait3A_1873 = tpu.memref_squeeze %dma_wait3A_1872 : memref<1x128xi32, #tpu.memory_space<vmem>> -> memref<128xi32, #tpu.memory_space<vmem>>
      %dma_wait3A_1874 = arith.constant 0 : i32
      %dma_wait3A_1875 = arith.constant 0 : i32
      %dma_wait3A_1876 = tpu.memref_slice %arg2[%dma_wait3A_1874, %dma_wait3A_1875] : memref<10000x128xf32, #tpu.memory_space<hbm>> -> memref<10000x128xf32, #tpu.memory_space<hbm>>
      tpu.wait_indirect_dma semaphore(%arg15 : memref<!tpu.dma_semaphore, #tpu.memory_space<semaphore_mem>>) src(%dma_wait3A_1876 : memref<10000x128xf32, #tpu.memory_space<hbm>>) dst(%arg8 : memref<128x128xf32, #tpu.memory_space<vmem>>)
      %run_scoped3A = arith.constant 1 : i32
      "tpu.region"() ({
        %run_scoped3A_1877 = tpu.sem_alloc : memref<!tpu.dma_semaphore, #tpu.memory_space<semaphore_mem>>
        %dma_start3A_1878 = arith.constant 0 : i32
        %dma_start3A_1879 = tpu.memref_slice %arg5[%run_scoped3A, %dma_start3A_1878] : memref<2x128xi32, #tpu.memory_space<vmem>> -> memref<1x128xi32, #tpu.memory_space<vmem>>
        %dma_start3A_1880 = tpu.memref_squeeze %dma_start3A_1879 : memref<1x128xi32, #tpu.memory_space<vmem>> -> memref<128xi32, #tpu.memory_space<vmem>>
        %dma_start3A_1881 = arith.constant 0 : i32
        %dma_start3A_1882 = arith.constant 0 : i32
        %dma_start3A_1883 = tpu.memref_slice %arg11[%dma_start3A_1881, %dma_start3A_1882] : memref<10000x128xf32, #tpu.memory_space<vmem_shared>> -> memref<10000x128xf32, #tpu.memory_space<vmem_shared>>
        tpu.enqueue_indirect_dma source(%arg8 : memref<128x128xf32, #tpu.memory_space<vmem>>) target(%dma_start3A_1883 : memref<10000x128xf32, #tpu.memory_space<vmem_shared>>) offsets(%dma_start3A_1880 : memref<128xi32, #tpu.memory_space<vmem>>) semaphore(%run_scoped3A_1877 : memref<!tpu.dma_semaphore, #tpu.memory_space<semaphore_mem>>) {add = true}
        %dma_wait3A_1884 = arith.constant 0 : i32
        %dma_wait3A_1885 = tpu.memref_slice %arg5[%run_scoped3A, %dma_wait3A_1884] : memref<2x128xi32, #tpu.memory_space<vmem>> -> memref<1x128xi32, #tpu.memory_space<vmem>>
        %dma_wait3A_1886 = tpu.memref_squeeze %dma_wait3A_1885 : memref<1x128xi32, #tpu.memory_space<vmem>> -> memref<128xi32, #tpu.memory_space<vmem>>
        %dma_wait3A_1887 = arith.constant 0 : i32
        %dma_wait3A_1888 = arith.constant 0 : i32
        %dma_wait3A_1889 = tpu.memref_slice %arg11[%dma_wait3A_1887, %dma_wait3A_1888] : memref<10000x128xf32, #tpu.memory_space<vmem_shared>> -> memref<10000x128xf32, #tpu.memory_space<vmem_shared>>
        tpu.wait_indirect_dma semaphore(%run_scoped3A_1877 : memref<!tpu.dma_semaphore, #tpu.memory_space<semaphore_mem>>) src(%arg8 : memref<128x128xf32, #tpu.memory_space<vmem>>) dst(%dma_wait3A_1889 : memref<10000x128xf32, #tpu.memory_space<vmem_shared>>)
        tpu.yield
      }) : () -> ()
    } else {
    }
    %barrier3A_1853 = arith.constant 0 : index
    tpu.barrier barrier_id(%barrier3A_1853)
    "tpu.region"() ({
      %run_scoped3A = tpu.sem_alloc : memref<!tpu.dma_semaphore, #tpu.memory_space<semaphore_mem>>
      %dma_start3A_1859 = arith.constant 0 : i32
      %dma_start3A_1860 = tpu.memref_slice %arg4[%arg0, %mul3A_770, %dma_start3A_1859] : memref<2x10000x128xf32, #tpu.memory_space<hbm>> -> memref<1x624x128xf32, #tpu.memory_space<hbm>>
      %dma_start3A_1861 = tpu.memref_squeeze %dma_start3A_1860 : memref<1x624x128xf32, #tpu.memory_space<hbm>> -> memref<624x128xf32, #tpu.memory_space<hbm>>
      %dma_start3A_1862 = arith.constant 0 : i32
      %dma_start3A_1863 = tpu.memref_slice %arg11[%mul3A_770, %dma_start3A_1862] : memref<10000x128xf32, #tpu.memory_space<vmem_shared>> -> memref<624x128xf32, #tpu.memory_space<vmem_shared>>
      tpu.enqueue_dma source(%dma_start3A_1863 : memref<624x128xf32, #tpu.memory_space<vmem_shared>>) target(%dma_start3A_1861 : memref<624x128xf32, #tpu.memory_space<hbm>>) target_semaphore(%run_scoped3A : memref<!tpu.dma_semaphore, #tpu.memory_space<semaphore_mem>>)
      %dma_wait3A_1864 = arith.constant 0 : i32
      %dma_wait3A_1865 = tpu.memref_slice %arg4[%arg0, %mul3A_770, %dma_wait3A_1864] : memref<2x10000x128xf32, #tpu.memory_space<hbm>> -> memref<1x624x128xf32, #tpu.memory_space<hbm>>
      %dma_wait3A_1866 = tpu.memref_squeeze %dma_wait3A_1865 : memref<1x624x128xf32, #tpu.memory_space<hbm>> -> memref<624x128xf32, #tpu.memory_space<hbm>>
      %dma_wait3A_1867 = arith.constant 0 : i32
      %dma_wait3A_1868 = tpu.memref_slice %arg11[%mul3A_770, %dma_wait3A_1867] : memref<10000x128xf32, #tpu.memory_space<vmem_shared>> -> memref<624x128xf32, #tpu.memory_space<vmem_shared>>
      tpu.wait_dma2 semaphore(%run_scoped3A : memref<!tpu.dma_semaphore, #tpu.memory_space<semaphore_mem>>) src(%dma_wait3A_1868 : memref<624x128xf32, #tpu.memory_space<vmem_shared>>) dst(%dma_wait3A_1866 : memref<624x128xf32, #tpu.memory_space<hbm>>)
      tpu.yield
    }) : () -> ()
    %eq3A_1854 = arith.constant 0 : i32
    %eq3A_1855 = arith.cmpi eq, %arg1, %eq3A_1854 : i32
    %convert_element_type3A_1856 = arith.extui %eq3A_1855 : i1 to i32
    %cond3A_1857 = arith.constant 0 : i32
    %cond3A_1858 = arith.cmpi ne, %convert_element_type3A_1856, %cond3A_1857 : i32
    scf.if %cond3A_1858 {
      "tpu.region"() ({
        %run_scoped3A = tpu.sem_alloc : memref<!tpu.dma_semaphore, #tpu.memory_space<semaphore_mem>>
        %dma_start3A_1859 = arith.constant 9984 : i32
        %dma_start3A_1860 = arith.constant 0 : i32
        %dma_start3A_1861 = tpu.memref_slice %arg4[%arg0, %dma_start3A_1859, %dma_start3A_1860] : memref<2x10000x128xf32, #tpu.memory_space<hbm>> -> memref<1x16x128xf32, #tpu.memory_space<hbm>>
        %dma_start3A_1862 = tpu.memref_squeeze %dma_start3A_1861 : memref<1x16x128xf32, #tpu.memory_space<hbm>> -> memref<16x128xf32, #tpu.memory_space<hbm>>
        %dma_start3A_1863 = arith.constant 9984 : i32
        %dma_start3A_1864 = arith.constant 0 : i32
        %dma_start3A_1865 = tpu.memref_slice %arg11[%dma_start3A_1863, %dma_start3A_1864] : memref<10000x128xf32, #tpu.memory_space<vmem_shared>> -> memref<16x128xf32, #tpu.memory_space<vmem_shared>>
        tpu.enqueue_dma source(%dma_start3A_1865 : memref<16x128xf32, #tpu.memory_space<vmem_shared>>) target(%dma_start3A_1862 : memref<16x128xf32, #tpu.memory_space<hbm>>) target_semaphore(%run_scoped3A : memref<!tpu.dma_semaphore, #tpu.memory_space<semaphore_mem>>)
        %dma_wait3A_1866 = arith.constant 9984 : i32
        %dma_wait3A_1867 = arith.constant 0 : i32
        %dma_wait3A_1868 = tpu.memref_slice %arg4[%arg0, %dma_wait3A_1866, %dma_wait3A_1867] : memref<2x10000x128xf32, #tpu.memory_space<hbm>> -> memref<1x16x128xf32, #tpu.memory_space<hbm>>
        %dma_wait3A_1869 = tpu.memref_squeeze %dma_wait3A_1868 : memref<1x16x128xf32, #tpu.memory_space<hbm>> -> memref<16x128xf32, #tpu.memory_space<hbm>>
        %dma_wait3A_1870 = arith.constant 9984 : i32
        %dma_wait3A_1871 = arith.constant 0 : i32
        %dma_wait3A_1872 = tpu.memref_slice %arg11[%dma_wait3A_1870, %dma_wait3A_1871] : memref<10000x128xf32, #tpu.memory_space<vmem_shared>> -> memref<16x128xf32, #tpu.memory_space<vmem_shared>>
        tpu.wait_dma2 semaphore(%run_scoped3A : memref<!tpu.dma_semaphore, #tpu.memory_space<semaphore_mem>>) src(%dma_wait3A_1872 : memref<16x128xf32, #tpu.memory_space<vmem_shared>>) dst(%dma_wait3A_1869 : memref<16x128xf32, #tpu.memory_space<hbm>>)
        tpu.yield
      }) : () -> ()
    } else {
    }
    return
  }
}

module attributes {stable_mosaic.version = 14 : i64} {
  func.func @add_kernel(%arg0: i32, %arg1: memref<2x1000x128xf32, #tpu.memory_space<vmem>>, %arg2: memref<1000x128xf32, #tpu.memory_space<vmem>>) attributes {dimension_semantics = [#tpu.dimension_semantics<arbitrary>], iteration_bounds = array<i64: 10>, scalar_prefetch = 0 : i64, scratch_operands = 0 : i64, tpu.core_type = #tpu.core_type<tc>, window_params = [{transform_indices = @transform_0, window_bounds = array<i64: 2, 1000, 128>}, {transform_indices = @transform_1, window_bounds = array<i64: 1000, 128>}]} {
    %get3A = arith.constant 0 : index
    %get3A_0 = arith.constant 0 : index
    %get3A_1 = arith.constant 0 : index
    %get3A_2 = vector.load %arg1[%get3A, %get3A_0, %get3A_1] : memref<2x1000x128xf32, #tpu.memory_space<vmem>>, vector<1x1000x128xf32>
    %get3A_3 = vector.shape_cast %get3A_2 : vector<1x1000x128xf32> to vector<1000x128xf32>
    %get3A_4 = arith.constant 1 : index
    %get3A_5 = arith.constant 0 : index
    %get3A_6 = arith.constant 0 : index
    %get3A_7 = vector.load %arg1[%get3A_4, %get3A_5, %get3A_6] : memref<2x1000x128xf32, #tpu.memory_space<vmem>>, vector<1x1000x128xf32>
    %get3A_8 = vector.shape_cast %get3A_7 : vector<1x1000x128xf32> to vector<1000x128xf32>
    %add3A = arith.addf %get3A_3, %get3A_8 : vector<1000x128xf32>
    %swap3A = arith.constant 0 : index
    %swap3A_9 = arith.constant 0 : index
    %swap3A_10 = vector.load %arg2[%swap3A, %swap3A_9] : memref<1000x128xf32, #tpu.memory_space<vmem>>, vector<1000x128xf32>
    tpu.vector_store %arg2[%swap3A, %swap3A_9], %add3A {strides = array<i32>} : memref<1000x128xf32, #tpu.memory_space<vmem>>, vector<1000x128xf32>,
    return
  }
  func.func @transform_0(%arg0: i32) -> (i32, i32, i32) {
    %c0_i32 = arith.constant 0 : i32
    %c0_i32_0 = arith.constant 0 : i32
    %c0_i32_1 = arith.constant 0 : i32
    return %c0_i32, %arg0, %c0_i32_0 : i32, i32, i32
  }
  func.func @transform_1(%arg0: i32) -> (i32, i32) {
    %c0_i32 = arith.constant 0 : i32
    %c0_i32_0 = arith.constant 0 : i32
    return %arg0, %c0_i32 : i32, i32
  }
}

</mosaic_0001>

<sc_bundles>
// kernel: kernel.4.cloned.1.call-start
scs
__scs_entry_jumppad:
0x0: {  	(pc) =	sbr.rel $0x88, $3  }
0x1: {  	(tag) =	ssettag $0x0;
	lr =	simm.s32 $0x1  }
0x2: {  	[smem:$0x3F9F] =	sst lr;
	_ =	strace $0xD0000000  }
0x3: {  	_ = 	snop  }
0x4: {  	_ = 	snop  }
0x5: {  	_ = 	snop  }
0x6: {  	_ = 	snop  }
0x7: {  	_ = 	snop  }
__scs_overlays_trampoline_lowered:
0x8: {  	[smem:$0x3FAE] =	sst s0  }
0x9: {  	[smem:$0x3FAF] =	sst s1  }
0xa: {  	[smem:$0x3FB0] =	sst s2  }
0xb: {  	[smem:$0x3FB1] =	sst s3  }
0xc: {  	[smem:$0x3FB2] =	sst s4  }
0xd: {  	[smem:$0x3FB3] =	sst s5  }
0xe: {  	[smem:$0x3FB4] =	sst s6  }
0xf: {  	[smem:$0x3FB5] =	sst s7  }
0x10: {  	[smem:$0x3FB6] =	sst s8  }
0x11: {  	[smem:$0x3FB7] =	sst s9;
	s0 =	simm.s32 @!p0 $0x0  }
0x12: {  	s1 =	sld [smem:$0x3F9D];
	s0 =	simm.s32 @p0 $0x1  }
0x13: {  	[smem:$0x3FB8] =	sst s0;
	s0 =	simm.s32 @!p1 $0x0  }
0x14: {  	s2 =	sld [smem:$0x3F9C];
	s0 =	simm.s32 @p1 $0x1  }
0x15: {  	[smem:$0x3FB9] =	sst s0;
	s0 =	simm.s32 @!p2 $0x0  }
0x16: {  	s3 =	sld [smem:$0x3FDB];
	s0 =	simm.s32 @p2 $0x1  }
0x17: {  	s4 =	simm.s32 $0x1BF5;
	[smem:$0x3FBB] =	sst s0  }
0x18: {  	s0 =	sld [smem:$0x3F9E];
	_ =	swait.ge [sflag:s4], $0x0  }
0x19: {  	s7 =	sld [smem:$0x3F9F]  }
0x1a: {  	s8 =	sadd.s32 $0xFFFFE003, lr  }
0x1b: {  	s9 =	sadd.s32 $0xFFFFFEF7, lr;
	s5 =	simm.s32 $0xFFFFFFFF;
	p2 =	slt.u32 s8, $0xFFFFF086  }
0x1c: {  	p1 =	slt.u32 s9, $0xF7A;
	s5 =	simm.s32 @!p2 $0x0  }
0x1d: {  	s5 =	simm.s32 @p1 $0x1;
	p0 =	seq.s32 s7, s2  }
0x1e: {  	s7 =	smul.u32 @!p0 $0xF7A, s2;
	p2 =	seq.s32 @!p0 s5, $0x0  }
0x1f: {  	s9 =	smul.u32 $0xF7A, s1;
	s8 =	simm.s32 @!p0 $0x1BF5;
	p2 =	por !p2, p0  }
0x20: {  	[sflag:s8] =	ssyncset.s32 @!p0 $0xFFFFF086;
	s6 =	sadd.s32 @!p0 s3, s7;
	s7 =	simm.s32 @!p0 $0x108  }
0x21: {  	s3 =	sadd.s32 s3, s9;
	s6 =	sadd.s32 @!p0 $0x88, s6;
	s7 =	simm.s32 @p2 $0x1082  }
0x22: {  	[simem:s7], [sflag:s8] =	dma.local @!p0 [hbm:s6], $0xF7A  }
0x23: {  	s9 =	sor.u32 $0xD0000000, s2;
	s6 =	simm.s32 $0x108;
	_ =	swait.ge @!p0 [sflag:s8], $0x0  }
0x24: {  	s3 =	sadd.s32 $0x88, s3;
	s6 =	simm.s32 @!p1 $0x1082;
	[sflag:s4] =	ssyncset.s32 $0xFFFFF086  }
0x25: {  	[simem:s6], [sflag:s4] =	dma.local [hbm:s3], $0xF7A  }
0x26: {  	[smem:$0x3F9F] =	sst s1;
	(tag) =	ssettag s2;
	_ =	strace s9  }
0x27: {  	s1 =	sld [smem:$0x3FAF]  }
0x28: {  	s2 =	sld [smem:$0x3FB0]  }
0x29: {  	s4 =	sld [smem:$0x3FB2]  }
0x2a: {  	p0 =	seq.s32 s5, $0x0;
	s5 =	sld [smem:$0x3FB3]  }
0x2b: {  	s6 =	sld [smem:$0x3FB4]  }
0x2c: {  	s7 =	sld [smem:$0x3FB5]  }
0x2d: {  	s3 =	simm.s32 $0x108;
	s8 =	sld [smem:$0x3FB6]  }
0x2e: {  	s3 =	simm.s32 @!p0 $0x1082;
	s9 =	sld [smem:$0x3FB7]  }
0x2f: {  	lr =	sadd.s32 s0, s3;
	s0 =	sld [smem:$0x3FAE]  }
0x30: {  	s3 =	sld [smem:$0x3FB1]  }
0x31: {  	[smem:$0x3FBA] =	sst s10  }
0x32: {  	s10 =	sld [smem:$0x3FB8];
	_ =	sdelay $0x3  }
0x33: {  	p0 =	seq.s32 s10, $0x1;
	s10 =	sld [smem:$0x3FBA];
	_ =	sdelay $0x3  }
0x34: {  	[smem:$0x3FBA] =	sst s10  }
0x35: {  	s10 =	sld [smem:$0x3FB9];
	_ =	sdelay $0x3  }
0x36: {  	p1 =	seq.s32 s10, $0x1;
	s10 =	sld [smem:$0x3FBA];
	_ =	sdelay $0x3  }
0x37: {  	[smem:$0x3FBA] =	sst s10  }
0x38: {  	s10 =	sld [smem:$0x3FBB]  }
0x39: {  	_ = 	snop;
	(pc) =	sbr.ind lr, $3  }
0x3a: {  	_ = 	snop  }
0x3b: {  	_ = 	snop  }
0x3c: {  	p2 =	seq.s32 s10, $0x1;
	s10 =	sld [smem:$0x3FBA]  }
0x3d: {  	_ =	shalt  }
0x3e: {  	_ =	shalt  }
0x3f: {  	_ =	shalt  }
0x40: {  	_ =	shalt  }
0x41: {  	_ =	shalt  }
0x42: {  	_ =	shalt  }
0x43: {  	_ =	shalt  }
0x44: {  	_ =	shalt  }
0x45: {  	_ =	shalt  }
0x46: {  	_ =	shalt  }
0x47: {  	_ =	shalt  }
0x48: {  	_ =	shalt  }
0x49: {  	_ =	shalt  }
0x4a: {  	_ =	shalt  }
0x4b: {  	_ =	shalt  }
0x4c: {  	_ =	shalt  }
0x4d: {  	_ =	shalt  }
0x4e: {  	_ =	shalt  }
0x4f: {  	_ =	shalt  }
0x50: {  	_ =	shalt  }
0x51: {  	_ =	shalt  }
0x52: {  	_ =	shalt  }
0x53: {  	_ =	shalt  }
0x54: {  	_ =	shalt  }
0x55: {  	_ =	shalt  }
0x56: {  	_ =	shalt  }
0x57: {  	_ =	shalt  }
0x58: {  	_ =	shalt  }
0x59: {  	_ =	shalt  }
0x5a: {  	_ =	shalt  }
0x5b: {  	_ =	shalt  }
0x5c: {  	_ =	shalt  }
0x5d: {  	_ =	shalt  }
0x5e: {  	_ =	shalt  }
0x5f: {  	_ =	shalt  }
0x60: {  	_ =	shalt  }
0x61: {  	_ =	shalt  }
0x62: {  	_ =	shalt  }
0x63: {  	_ =	shalt  }
0x64: {  	_ =	shalt  }
0x65: {  	_ =	shalt  }
0x66: {  	_ =	shalt  }
0x67: {  	_ =	shalt  }
0x68: {  	_ =	shalt  }
0x69: {  	_ =	shalt  }
0x6a: {  	_ =	shalt  }
0x6b: {  	_ =	shalt  }
0x6c: {  	_ =	shalt  }
0x6d: {  	_ =	shalt  }
0x6e: {  	_ =	shalt  }
0x6f: {  	_ =	shalt  }
0x70: {  	_ =	shalt  }
0x71: {  	_ =	shalt  }
0x72: {  	_ =	shalt  }
0x73: {  	_ =	shalt  }
0x74: {  	_ =	shalt  }
0x75: {  	_ =	shalt  }
0x76: {  	_ =	shalt  }
0x77: {  	_ =	shalt  }
0x78: {  	_ =	shalt  }
0x79: {  	_ =	shalt  }
0x7a: {  	_ =	shalt  }
0x7b: {  	_ =	shalt  }
0x7c: {  	_ =	shalt  }
0x7d: {  	_ =	shalt  }
0x7e: {  	_ =	shalt  }
0x7f: {  	_ =	shalt  }
0x80: {  	_ =	shalt  }
0x81: {  	_ =	shalt  }
0x82: {  	_ =	shalt  }
0x83: {  	_ =	shalt  }
0x84: {  	_ =	shalt  }
0x85: {  	_ =	shalt  }
0x86: {  	_ =	shalt  }
0x87: {  	_ =	shalt  }
.Lfunc_end0:
.L_simem_size_0:
called_computation_lowered:
.L_overlay_start_0:
0x88: {  	s2 =	sld [smem:$0x3FD9]  }
0x89: {  	s3 =	sld [smem:$0x3FFE];
	_ =	sdelay $0x1  }
0x8a: {  	s1 =	srdreg.scid  }
0x8b: {  	s0 =	sand.u32 $0x1, s1  }
0x8c: {  	s17 =	sshll.u32 s0, $0xA;
	s2 =	sadd.s32 s3, s2  }
0x8d: {  	s2 =	sadd.s32 s2, s17  }
0x8e: {  	[smem:$0x3FC6] =	sst s2  }
0x8f: {  	_ = 	snop  }
0x90: {  	s2 =	sld [smem:$0x3FC9]  }
0x91: {  	s18 =	sld [smem:$0x3FC8];
	(tm) =	ssettm $0x1  }
0x92: {  	s4 =	sld [smem:$0x3FFB];
	_ =	sdelay $0x3  }
0x93: {  	_ =	strace s4  }
0x94: {  	s4 =	sld [smem:$0x3FFC];
	_ =	sdelay $0x3  }
0x95: {  	_ =	strace s4  }
0x96: {  	s4 =	sld [smem:$0x3FFD];
	_ =	sdelay $0x3  }
0x97: {  	_ =	strace s4  }
0x98: {  	_ =	strace $0x8FFFFFFF  }
0x99: {  	s19 =	sld [smem:$0x3FDB];
	_ =	sdelay $0x1  }
0x9a: {  	s5 =	simm.s32 $_scs_section_size  }
0x9b: {  	s6 =	simm.s32 $_size__tile_overlayer_lowered;
	s7 =	simm.s32 $_tile_overlayer_lowered  }
0x9c: {  	s22 =	simm.s32 $0x1BFF;
	s21 =	sshll.u32 s7, $0x1;
	s4 =	sadd.s32 s5, s19  }
0x9d: {  	s8 =	simm.s32 $0x0;
	s20 =	sshll.u32 s6, $0x1;
	s6 =	sadd.s32 s21, s4  }
0x9e: {  	[timem:s8], [sflag:s22] =	dma.local [hbm:s6], s20  }
0x9f: {  	_ =	swait.ge [sflag:s22], s20  }
0xa0: {  	s5 =	ssub.s32 $0x0, s20;
	[sflag:s22] =	ssyncset.done $0x0  }
0xa1: {  	[sflag:s22] =	ssyncadd.s32 s5;
	_ =	sdelay $0x1  }
0xa2: {  	s23 =	simm.s32 $0x1B8B  }
0xa3: {  	_ =	swait.ge [sflag:s23], $0x1  }
0xa4: {  	[sflag:s23] =	ssyncset.done $0x0  }
0xa5: {  	s25 =	simm.s32 $0x1B8E;
	s24 =	sld [smem:$0x3FFE];
	[sflag:s23] =	ssyncadd.s32 $0xFFFFFFFF  }
0xa6: {  	s26 =	simm.s32 $execute0_lowered;
	[smem:$0x3FD2] =	sst s25  }
0xa7: {  	s6 =	sshll.u32 s26, $0x1;
	_ =	strace $0x80000046;
	[dreg:$0x1] =	wrdreg $0xFFFFFFFF  }
0xa8: {  	s28 =	simm.s32 $_size_execute0_lowered;
	s4 =	sadd.s32 s4, s6;
	[dreg:$0x0] =	wrdreg $0x0  }
0xa9: {  	s6 =	sshll.u32 s28, $0x1;
	[dreg:$0x2] =	wrdreg s4  }
0xaa: {  	[dreg:$0x3] =	wrdreg s6  }
0xab: {  	[dreg:$0x4] =	wrdreg $0xC0  }
0xac: {  	_ =	task [dreg:s8], $0x5FFFF  }
0xad: {  	[dreg:$0x1] =	wrdreg $0xFFFFFFFF  }
0xae: {  	[dreg:$0x0] =	wrdreg $0x60  }
0xaf: {  	[dreg:$0x2] =	wrdreg s2  }
0xb0: {  	[dreg:$0x3] =	wrdreg s18  }
0xb1: {  	[dreg:$0x4] =	wrdreg s24  }
0xb2: {  	[dreg:$0x5] =	wrdreg $0xC3000  }
0xb3: {  	[dreg:$0x6] =	wrdreg $0x9  }
0xb4: {  	_ =	task.clear_ibuf [dreg:s8], $0x7FFFF;
	_ =	strace $0x90000046  }
0xb5: {  	s29 =	simm.s32 $0x9;
	_ =	strace $0x80000048  }
0xb6: {  	_ =	swait.ge [sflag:s29], $0x1  }
0xb7: {  	[sflag:s29] =	ssyncadd.s32 $0xFFFFFFFF  }
0xb8: {  	_ =	strace $0x90000048  }
0xb9: {  	_ =	sfence  }
0xba: {  	s30 =	sld [smem:$0x0];
	_ =	sdelay $0x2  }
0xbb: {  	s31 =	sshll.u32 s1, $0xD;
	s1 =	sshrl.u32 s1, $0x2  }
0xbc: {  	s3 =	sand.u32 $0x4000, s31;
	s1 =	sadd.s32 s1, s30  }
0xbd: {  	s0 =	sor.u32 s3, s0;
	s1 =	sshll.u32 s1, $0x11  }
0xbe: {  	s0 =	sor.u32 s1, s0  }
0xbf: {  	s0 =	sadd.s32 $0x8F2B, s0  }
0xc0: {  	[sflag:s0] =	ssyncadd.remote.s32 $0x1  }
0xc1: {  	_ =	sfence.sel $0xFFFF  }
0xc2: {  	[dreg:$0x0] =	wrdreg $0xFFFFFFFF;
	(pc) =	sbr.abs _section_cstart, $3  }
0xc3: {  	[dreg:$0x1] =	wrdreg $0xFFFFFFFF  }
0xc4: {  	_ =	task.clear_ibuf [dreg:s8], $0x2FFFF;
	_ =	strace $0x9FFFFFFF  }
0xc5: {  	(tm) =	ssettm $0x7FFFFFFF  }
tec
execute0_lowered:
.L_overlay_start_1:
0x0: {  	(tag) =	ssettag $0x1  }
0x1: {  	s1 =	rddreg [dreg:$0x0];
	s13 =	stileid.u32  }
0x2: {  	s0 =	rddreg [dreg:$0x1];
	s6 =	smul.u32 $0x4E000, s13  }
0x3: {  	s4 =	rddreg [dreg:$0x2]  }
0x4: {  	s2 =	rddreg [dreg:$0x3];
	s5 =	srdreg.scid;
	s12 =	sshrl.u32 s6, $0x2  }
0x5: {  	s3 =	simm.s32 $0x0;
	s7 =	sand.u32 $0x1, s5;
	s5 =	sadd.s32 s12, s2  }
0x6: {  	[smem:$0x7FF] =	sst s3;
	s15 =	sadd.s32 $0x800, s5  }
0x7: {  	_ =	strace $0x80000047;
	s16 =	sadd.s32 $0x1000, s5;
	[dreg:$0x5] =	wrdreg s15  }
0x8: {  	s17 =	sadd.s32 $0x1800, s5;
	[dreg:$0x6] =	wrdreg s16  }
0x9: {  	s18 =	sadd.s32 $0x2000, s5;
	[dreg:$0x7] =	wrdreg s17  }
0xa: {  	s23 =	smul.u32 $0x13800, s13;
	s19 =	sadd.s32 $0x2800, s5;
	[dreg:$0x8] =	wrdreg s18  }
0xb: {  	p0 =	sne.s32 s13, $0x0;
	s20 =	sadd.s32 $0x3000, s5;
	[dreg:$0x9] =	wrdreg s19  }
0xc: {  	s8 =	ssub.s32 $0x2, s7;
	s10 =	sadd.s32 $0x3800, s5;
	[dreg:$0xa] =	wrdreg s20  }
0xd: {  	s9 =	sshll.u32 s7, $0x4;
	s22 =	sadd.s32 $0x4000, s5;
	[dreg:$0xb] =	wrdreg s10  }
0xe: {  	s14 =	sshrl.u32 s8, $0x1;
	s11 =	sadd.s32 $0x4800, s5;
	[dreg:$0xc] =	wrdreg s22  }
0xf: {  	s6 =	ssub.s32 s8, s14;
	s24 =	sadd.s32 $0x5000, s5;
	[dreg:$0xd] =	wrdreg s11  }
0x10: {  	s8 =	sor.u32 s13, s9;
	s25 =	sadd.s32 $0x5800, s5;
	[dreg:$0xe] =	wrdreg s24  }
0x11: {  	s26 =	sshll.u32 s8, $0x5;
	s14 =	sadd.s32 $0x6000, s5;
	[dreg:$0xf] =	wrdreg s25  }
0x12: {  	p1 =	sgt.u32 s8, $0x3;
	s8 =	sadd.s32 $0xC800, s5;
	[dreg:$0x10] =	wrdreg s14  }
0x13: {  	s12 =	sshll.u32 s13, $0x5;
	s13 =	sadd.s32 $0xE800, s5;
	[smem:$0x7EE] =	sst s8  }
0x14: {  	s15 =	sadd.s32 $0x6800, s5;
	[smem:$0x7F2] =	sst s13  }
0x15: {  	s16 =	sadd.s32 $0x7000, s5;
	[dreg:$0x12] =	wrdreg s15  }
0x16: {  	s21 =	smul.u32 $0x138800, s7;
	s18 =	smax.u32 s6, $0x1;
	[dreg:$0x13] =	wrdreg s16  }
0x17: {  	s19 =	sadd.s32 $0x7800, s5;
	[dreg:$0x16] =	wrdreg s18  }
0x18: {  	s9 =	sshrl.u32 s21, $0x3;
	s20 =	sadd.s32 $0x8000, s5;
	[dreg:$0x17] =	wrdreg s19  }
0x19: {  	s10 =	sadd.s32 s23, s21;
	s21 =	sadd.s32 $0x8800, s5;
	[dreg:$0x18] =	wrdreg s20  }
0x1a: {  	s29 =	simm.s32 $0x8300;
	s23 =	sadd.s32 $0x9000, s5;
	[dreg:$0x19] =	wrdreg s21  }
0x1b: {  	s30 =	simm.s32 $0x100;
	s24 =	sadd.s32 $0x9800, s5;
	[dreg:$0x1a] =	wrdreg s23  }
0x1c: {  	s31 =	simm.s32 $0x200;
	s25 =	sadd.s32 $0xA000, s5;
	[dreg:$0x1b] =	wrdreg s24  }
0x1d: {  	s11 =	sadd.s32 s0, s26;
	s26 =	sadd.s32 $0xA800, s5;
	[dreg:$0x1c] =	wrdreg s25  }
0x1e: {  	s4 =	sadd.s32 $0x600, s4;
	s6 =	sadd.s32 $0xB800, s5;
	[dreg:$0x1d] =	wrdreg s26  }
0x1f: {  	s0 =	sadd.s32 s12, s0;
	s12 =	sadd.s32 $0xE000, s5;
	[dreg:$0x1f] =	wrdreg s6  }
0x20: {  	s7 =	sshll.u32 s7, $0x9;
	s14 =	sadd.s32 $0xF000, s5;
	[smem:$0x7F1] =	sst s12  }
0x21: {  	s22 =	sadd.s32 s7, s0;
	s0 =	sadd.s32 $0x13800, s0;
	[smem:$0x7F3] =	sst s14  }
0x22: {  	s8 =	simm.s32 $0x4300;
	s7 =	sadd.s32 $0xC000, s5;
	[dreg:$0x14] =	wrdreg s0  }
0x23: {  	s13 =	simm.s32 $0x5;
	s15 =	sadd.s32 $0xF800, s5;
	[smem:$0x7ED] =	sst s7  }
0x24: {  	s10 =	sshrl.u32 s10, $0x3;
	s16 =	sadd.s32 $0x10000, s5;
	[smem:$0x7F4] =	sst s15  }
0x25: {  	s18 =	sadd.s32 $0x11000, s5;
	s19 =	sadd.s32 $0x11800, s5;
	[smem:$0x7F5] =	sst s16  }
0x26: {  	s20 =	sadd.s32 $0x12000, s5;
	s21 =	sadd.s32 $0x12800, s5;
	[smem:$0x7F7] =	sst s18  }
0x27: {  	s23 =	sadd.s32 $0x13000, s5;
	s25 =	sadd.s32 $0x138000, s2;
	[smem:$0x7F8] =	sst s19  }
0x28: {  	s24 =	sadd.s32 $0x400, s11;
	s28 =	smov.u32 s11;
	[smem:$0x7F9] =	sst s20  }
0x29: {  	s26 =	sadd.s32 $0x800, s11;
	s6 =	simm.s32 $0x300;
	[smem:$0x7FA] =	sst s21  }
0x2a: {  	s11 =	simm.s32 $0x7;
	s12 =	simm.s32 $0x3;
	[smem:$0x7FB] =	sst s23  }
0x2b: {  	s14 =	simm.s32 $0x180;
	s10 =	sadd.s32 s4, s10;
	[smem:$0x7FC] =	sst s24  }
0x2c: {  	s4 =	sadd.s32 s4, s9;
	s9 =	sadd.s32 $0xD000, s5;
	[smem:$0x7FD] =	sst s26  }
0x2d: {  	s0 =	simm.s32 $0x1;
	s7 =	simm.s32 $0x2;
	s15 =	simm.s32 $0x8  }
0x2e: {  	s16 =	simm.s32 $0x280;
	s18 =	simm.s32 $0x9;
	[dreg:$0x11] =	wrdreg s10  }
0x2f: {  	s19 =	simm.s32 $0xB;
	s17 =	sadd.s32 $0x27000, s4;
	[smem:$0x7EF] =	sst s9  }
0x30: {  	s20 =	simm.s32 $0x0;
	s4 =	sadd.s32 $0xB000, s5;
	[dreg:$0x15] =	wrdreg s17  }
0x31: {  	s10 =	sadd.s32 $0xD800, s5;
	s9 =	simm.s32 $0xA;
	[dreg:$0x1e] =	wrdreg s4  }
0x32: {  	[smem:$0x7F0] =	sst s10;
	s17 =	sadd.s32 $0x10800, s5;
	s4 =	simm.s32 $0x80  }
0x33: {  	v0 =	vimm.f32 $0.0e+00;
	s10 =	simm.s32 $0x4;
	[smem:$0x7F6] =	sst s17;
	s17 =	simm.s32 $0x6  }
.LBB2_1:
0x34: {  	[tilespmem:$0x8300] =	vst v0  }
0x35: {  	[tilespmem:$0x8310] =	vst v0  }
0x36: {  	[tilespmem:$0x8320] =	vst v0  }
0x37: {  	[tilespmem:$0x8330] =	vst v0  }
0x38: {  	[tilespmem:$0x8340] =	vst v0  }
0x39: {  	[tilespmem:$0x8350] =	vst v0  }
0x3a: {  	[tilespmem:$0x8360] =	vst v0  }
0x3b: {  	[tilespmem:$0x8370] =	vst v0  }
0x3c: {  	[tilespmem:$0x8380] =	vst v0  }
0x3d: {  	[tilespmem:$0x8390] =	vst v0  }
0x3e: {  	[tilespmem:$0x83A0] =	vst v0  }
0x3f: {  	[tilespmem:$0x83B0] =	vst v0  }
0x40: {  	[tilespmem:$0x83C0] =	vst v0  }
0x41: {  	[tilespmem:$0x83D0] =	vst v0  }
0x42: {  	[tilespmem:$0x83E0] =	vst v0  }
0x43: {  	[tilespmem:$0x83F0] =	vst v0  }
0x44: {  	[tilespmem:$0x8400] =	vst v0  }
0x45: {  	[tilespmem:$0x8410] =	vst v0  }
0x46: {  	[tilespmem:$0x8420] =	vst v0  }
0x47: {  	[tilespmem:$0x8430] =	vst v0  }
0x48: {  	[tilespmem:$0x8440] =	vst v0  }
0x49: {  	[tilespmem:$0x8450] =	vst v0  }
0x4a: {  	[tilespmem:$0x8460] =	vst v0  }
0x4b: {  	[tilespmem:$0x8470] =	vst v0  }
0x4c: {  	[tilespmem:$0x8480] =	vst v0  }
0x4d: {  	[tilespmem:$0x8490] =	vst v0  }
0x4e: {  	[tilespmem:$0x84A0] =	vst v0  }
0x4f: {  	[tilespmem:$0x84B0] =	vst v0  }
0x50: {  	[tilespmem:$0x84C0] =	vst v0  }
0x51: {  	[tilespmem:$0x84D0] =	vst v0  }
0x52: {  	[tilespmem:$0x84E0] =	vst v0  }
0x53: {  	[tilespmem:$0x84F0] =	vst v0  }
0x54: {  	[tilespmem:$0x8500] =	vst v0  }
0x55: {  	[tilespmem:$0x8510] =	vst v0  }
0x56: {  	[tilespmem:$0x8520] =	vst v0  }
0x57: {  	[tilespmem:$0x8530] =	vst v0  }
0x58: {  	[tilespmem:$0x8540] =	vst v0  }
0x59: {  	[tilespmem:$0x8550] =	vst v0  }
0x5a: {  	[tilespmem:$0x8560] =	vst v0  }
0x5b: {  	[tilespmem:$0x8570] =	vst v0  }
0x5c: {  	[tilespmem:$0x8580] =	vst v0  }
0x5d: {  	[tilespmem:$0x8590] =	vst v0  }
0x5e: {  	[tilespmem:$0x85A0] =	vst v0  }
0x5f: {  	[tilespmem:$0x85B0] =	vst v0  }
0x60: {  	[tilespmem:$0x85C0] =	vst v0  }
0x61: {  	[tilespmem:$0x85D0] =	vst v0  }
0x62: {  	[tilespmem:$0x85E0] =	vst v0  }
0x63: {  	[tilespmem:$0x85F0] =	vst v0  }
0x64: {  	[tilespmem:$0x8600] =	vst v0  }
0x65: {  	[tilespmem:$0x8610] =	vst v0  }
0x66: {  	[tilespmem:$0x8620] =	vst v0  }
0x67: {  	[tilespmem:$0x8630] =	vst v0  }
0x68: {  	[tilespmem:$0x8640] =	vst v0  }
0x69: {  	[tilespmem:$0x8650] =	vst v0  }
0x6a: {  	[tilespmem:$0x8660] =	vst v0  }
0x6b: {  	[tilespmem:$0x8670] =	vst v0  }
0x6c: {  	[tilespmem:$0x8680] =	vst v0  }
0x6d: {  	[tilespmem:$0x8690] =	vst v0  }
0x6e: {  	[tilespmem:$0x86A0] =	vst v0  }
0x6f: {  	[tilespmem:$0x86B0] =	vst v0  }
0x70: {  	[tilespmem:$0x86C0] =	vst v0  }
0x71: {  	[tilespmem:$0x86D0] =	vst v0  }
0x72: {  	[tilespmem:$0x86E0] =	vst v0  }
0x73: {  	[tilespmem:$0x86F0] =	vst v0  }
0x74: {  	[tilespmem:$0x8700] =	vst v0  }
0x75: {  	[tilespmem:$0x8710] =	vst v0  }
0x76: {  	[tilespmem:$0x8720] =	vst v0  }
0x77: {  	[tilespmem:$0x8730] =	vst v0  }
0x78: {  	[tilespmem:$0x8740] =	vst v0  }
0x79: {  	[tilespmem:$0x8750] =	vst v0  }
0x7a: {  	[tilespmem:$0x8760] =	vst v0  }
0x7b: {  	[tilespmem:$0x8770] =	vst v0  }
0x7c: {  	[tilespmem:$0x8780] =	vst v0  }
0x7d: {  	[tilespmem:$0x8790] =	vst v0  }
0x7e: {  	[tilespmem:$0x87A0] =	vst v0  }
0x7f: {  	[tilespmem:$0x87B0] =	vst v0  }
0x80: {  	[tilespmem:$0x87C0] =	vst v0  }
0x81: {  	[tilespmem:$0x87D0] =	vst v0  }
0x82: {  	[tilespmem:$0x87E0] =	vst v0  }
0x83: {  	[tilespmem:$0x87F0] =	vst v0  }
0x84: {  	[tilespmem:$0x8800] =	vst v0  }
0x85: {  	[tilespmem:$0x8810] =	vst v0  }
0x86: {  	[tilespmem:$0x8820] =	vst v0  }
0x87: {  	[tilespmem:$0x8830] =	vst v0  }
0x88: {  	[tilespmem:$0x8840] =	vst v0  }
0x89: {  	[tilespmem:$0x8850] =	vst v0  }
0x8a: {  	[tilespmem:$0x8860] =	vst v0  }
0x8b: {  	[tilespmem:$0x8870] =	vst v0  }
0x8c: {  	[tilespmem:$0x8880] =	vst v0  }
0x8d: {  	[tilespmem:$0x8890] =	vst v0  }
0x8e: {  	[tilespmem:$0x88A0] =	vst v0  }
0x8f: {  	[tilespmem:$0x88B0] =	vst v0  }
0x90: {  	[tilespmem:$0x88C0] =	vst v0  }
0x91: {  	[tilespmem:$0x88D0] =	vst v0  }
0x92: {  	[tilespmem:$0x88E0] =	vst v0  }
0x93: {  	[tilespmem:$0x88F0] =	vst v0  }
0x94: {  	[tilespmem:$0x8900] =	vst v0  }
0x95: {  	[tilespmem:$0x8910] =	vst v0  }
0x96: {  	[tilespmem:$0x8920] =	vst v0  }
0x97: {  	[tilespmem:$0x8930] =	vst v0  }
0x98: {  	[tilespmem:$0x8940] =	vst v0  }
0x99: {  	[tilespmem:$0x8950] =	vst v0  }
0x9a: {  	[tilespmem:$0x8960] =	vst v0  }
0x9b: {  	[tilespmem:$0x8970] =	vst v0  }
0x9c: {  	[tilespmem:$0x8980] =	vst v0  }
0x9d: {  	[tilespmem:$0x8990] =	vst v0  }
0x9e: {  	[tilespmem:$0x89A0] =	vst v0  }
0x9f: {  	[tilespmem:$0x89B0] =	vst v0  }
0xa0: {  	[tilespmem:$0x89C0] =	vst v0  }
0xa1: {  	[tilespmem:$0x89D0] =	vst v0  }
0xa2: {  	[tilespmem:$0x89E0] =	vst v0  }
0xa3: {  	[tilespmem:$0x89F0] =	vst v0  }
0xa4: {  	[tilespmem:$0x8A00] =	vst v0  }
0xa5: {  	[tilespmem:$0x8A10] =	vst v0  }
0xa6: {  	[tilespmem:$0x8A20] =	vst v0  }
0xa7: {  	[tilespmem:$0x8A30] =	vst v0  }
0xa8: {  	[tilespmem:$0x8A40] =	vst v0  }
0xa9: {  	[tilespmem:$0x8A50] =	vst v0  }
0xaa: {  	[tilespmem:$0x8A60] =	vst v0  }
0xab: {  	[tilespmem:$0x8A70] =	vst v0  }
0xac: {  	[tilespmem:$0x8A80] =	vst v0  }
0xad: {  	[tilespmem:$0x8A90] =	vst v0  }
0xae: {  	[tilespmem:$0x8AA0] =	vst v0  }
0xaf: {  	[tilespmem:$0x8AB0] =	vst v0  }
0xb0: {  	[tilespmem:$0x8AC0] =	vst v0  }
0xb1: {  	[tilespmem:$0x8AD0] =	vst v0  }
0xb2: {  	[tilespmem:$0x8AE0] =	vst v0  }
0xb3: {  	[tilespmem:$0x8AF0] =	vst v0;
	s21 =	rddreg [dreg:$0x5]  }
0xb4: {  	[spmem:s5] =	stream.linear.scatter [tilespmem:s29], [sflag:$0xA], $0x800, $0x38;
	[tilespmem:$0x1FB80] =	vst v63  }
0xb5: {  	s24 =	rddreg [dreg:$0x6]  }
0xb6: {  	[spmem:s21] =	stream.linear.scatter [tilespmem:s29], [sflag:$0xA], $0x800, $0x38;
	[tilespmem:$0x1FB80] =	vst v63  }
0xb7: {  	s26 =	rddreg [dreg:$0x7]  }
0xb8: {  	[spmem:s24] =	stream.linear.scatter [tilespmem:s29], [sflag:$0xA], $0x800, $0x38;
	[tilespmem:$0x1FB80] =	vst v63  }
0xb9: {  	s23 =	rddreg [dreg:$0x8]  }
0xba: {  	[spmem:s26] =	stream.linear.scatter [tilespmem:s29], [sflag:$0xA], $0x800, $0x38;
	[tilespmem:$0x1FB80] =	vst v63  }
0xbb: {  	s24 =	rddreg [dreg:$0x9]  }
0xbc: {  	[spmem:s23] =	stream.linear.scatter [tilespmem:s29], [sflag:$0xA], $0x800, $0x38;
	[tilespmem:$0x1FB80] =	vst v63  }
0xbd: {  	s26 =	rddreg [dreg:$0xa]  }
0xbe: {  	[spmem:s24] =	stream.linear.scatter [tilespmem:s29], [sflag:$0xA], $0x800, $0x38;
	[tilespmem:$0x1FB80] =	vst v63  }
0xbf: {  	s23 =	rddreg [dreg:$0xb]  }
0xc0: {  	[spmem:s26] =	stream.linear.scatter [tilespmem:s29], [sflag:$0xA], $0x800, $0x38;
	[tilespmem:$0x1FB80] =	vst v63  }
0xc1: {  	s24 =	rddreg [dreg:$0xc]  }
0xc2: {  	[spmem:s23] =	stream.linear.scatter [tilespmem:s29], [sflag:$0xA], $0x800, $0x38;
	[tilespmem:$0x1FB80] =	vst v63  }
0xc3: {  	s26 =	rddreg [dreg:$0xd]  }
0xc4: {  	[spmem:s24] =	stream.linear.scatter [tilespmem:s29], [sflag:$0xA], $0x800, $0x38;
	[tilespmem:$0x1FB80] =	vst v63  }
0xc5: {  	s23 =	rddreg [dreg:$0xe]  }
0xc6: {  	[spmem:s26] =	stream.linear.scatter [tilespmem:s29], [sflag:$0xA], $0x800, $0x38;
	[tilespmem:$0x1FB80] =	vst v63  }
0xc7: {  	s24 =	rddreg [dreg:$0xf]  }
0xc8: {  	[spmem:s23] =	stream.linear.scatter [tilespmem:s29], [sflag:$0xA], $0x800, $0x38;
	[tilespmem:$0x1FB80] =	vst v63  }
0xc9: {  	s26 =	rddreg [dreg:$0x10]  }
0xca: {  	[spmem:s24] =	stream.linear.scatter [tilespmem:s29], [sflag:$0xA], $0x800, $0x38;
	[tilespmem:$0x1FB80] =	vst v63  }
0xcb: {  	s23 =	rddreg [dreg:$0x12]  }
0xcc: {  	[spmem:s26] =	stream.linear.scatter [tilespmem:s29], [sflag:$0xA], $0x800, $0x38;
	[tilespmem:$0x1FB80] =	vst v63  }
0xcd: {  	s24 =	rddreg [dreg:$0x13]  }
0xce: {  	[spmem:s23] =	stream.linear.scatter [tilespmem:s29], [sflag:$0xA], $0x800, $0x38;
	[tilespmem:$0x1FB80] =	vst v63  }
0xcf: {  	s26 =	rddreg [dreg:$0x17]  }
0xd0: {  	[spmem:s24] =	stream.linear.scatter [tilespmem:s29], [sflag:$0xA], $0x800, $0x38;
	[tilespmem:$0x1FB80] =	vst v63  }
0xd1: {  	s23 =	rddreg [dreg:$0x18]  }
0xd2: {  	[spmem:s26] =	stream.linear.scatter [tilespmem:s29], [sflag:$0xA], $0x800, $0x38;
	[tilespmem:$0x1FB80] =	vst v63  }
0xd3: {  	s24 =	rddreg [dreg:$0x19]  }
0xd4: {  	[spmem:s23] =	stream.linear.scatter [tilespmem:s29], [sflag:$0xA], $0x800, $0x38;
	[tilespmem:$0x1FB80] =	vst v63  }
0xd5: {  	s26 =	rddreg [dreg:$0x1a]  }
0xd6: {  	[spmem:s24] =	stream.linear.scatter [tilespmem:s29], [sflag:$0xA], $0x800, $0x38;
	[tilespmem:$0x1FB80] =	vst v63  }
0xd7: {  	s23 =	rddreg [dreg:$0x1b]  }
0xd8: {  	[spmem:s26] =	stream.linear.scatter [tilespmem:s29], [sflag:$0xA], $0x800, $0x38;
	[tilespmem:$0x1FB80] =	vst v63  }
0xd9: {  	s24 =	rddreg [dreg:$0x1c]  }
0xda: {  	[spmem:s23] =	stream.linear.scatter [tilespmem:s29], [sflag:$0xA], $0x800, $0x38;
	[tilespmem:$0x1FB80] =	vst v63  }
0xdb: {  	s26 =	rddreg [dreg:$0x1d]  }
0xdc: {  	[spmem:s24] =	stream.linear.scatter [tilespmem:s29], [sflag:$0xA], $0x800, $0x38;
	[tilespmem:$0x1FB80] =	vst v63  }
0xdd: {  	s23 =	rddreg [dreg:$0x1e]  }
0xde: {  	[spmem:s26] =	stream.linear.scatter [tilespmem:s29], [sflag:$0xA], $0x800, $0x38;
	[tilespmem:$0x1FB80] =	vst v63  }
0xdf: {  	s24 =	rddreg [dreg:$0x1f]  }
0xe0: {  	[spmem:s23] =	stream.linear.scatter [tilespmem:s29], [sflag:$0xA], $0x800, $0x38;
	[tilespmem:$0x1FB80] =	vst v63  }
0xe1: {  	s26 =	sld [smem:$0x7ED]  }
0xe2: {  	[spmem:s24] =	stream.linear.scatter [tilespmem:s29], [sflag:$0xA], $0x800, $0x38;
	[tilespmem:$0x1FB80] =	vst v63  }
0xe3: {  	s23 =	sld [smem:$0x7EE]  }
0xe4: {  	[spmem:s26] =	stream.linear.scatter [tilespmem:s29], [sflag:$0xA], $0x800, $0x38;
	[tilespmem:$0x1FB80] =	vst v63  }
0xe5: {  	s24 =	sld [smem:$0x7EF]  }
0xe6: {  	[spmem:s23] =	stream.linear.scatter [tilespmem:s29], [sflag:$0xA], $0x800, $0x38;
	[tilespmem:$0x1FB80] =	vst v63  }
0xe7: {  	s26 =	sld [smem:$0x7F0]  }
0xe8: {  	[spmem:s24] =	stream.linear.scatter [tilespmem:s29], [sflag:$0xA], $0x800, $0x38;
	[tilespmem:$0x1FB80] =	vst v63  }
0xe9: {  	s23 =	sld [smem:$0x7F1]  }
0xea: {  	[spmem:s26] =	stream.linear.scatter [tilespmem:s29], [sflag:$0xA], $0x800, $0x38;
	[tilespmem:$0x1FB80] =	vst v63  }
0xeb: {  	s24 =	sld [smem:$0x7F2]  }
0xec: {  	[spmem:s23] =	stream.linear.scatter [tilespmem:s29], [sflag:$0xA], $0x800, $0x38;
	[tilespmem:$0x1FB80] =	vst v63  }
0xed: {  	s26 =	sld [smem:$0x7F3]  }
0xee: {  	[spmem:s24] =	stream.linear.scatter [tilespmem:s29], [sflag:$0xA], $0x800, $0x38;
	[tilespmem:$0x1FB80] =	vst v63  }
0xef: {  	s23 =	sld [smem:$0x7F4]  }
0xf0: {  	[spmem:s26] =	stream.linear.scatter [tilespmem:s29], [sflag:$0xA], $0x800, $0x38;
	[tilespmem:$0x1FB80] =	vst v63  }
0xf1: {  	s24 =	sld [smem:$0x7F5]  }
0xf2: {  	[spmem:s23] =	stream.linear.scatter [tilespmem:s29], [sflag:$0xA], $0x800, $0x38;
	[tilespmem:$0x1FB80] =	vst v63  }
0xf3: {  	s26 =	sld [smem:$0x7F6]  }
0xf4: {  	[spmem:s24] =	stream.linear.scatter [tilespmem:s29], [sflag:$0xA], $0x800, $0x38;
	[tilespmem:$0x1FB80] =	vst v63  }
0xf5: {  	s23 =	sld [smem:$0x7F7]  }
0xf6: {  	[spmem:s26] =	stream.linear.scatter [tilespmem:s29], [sflag:$0xA], $0x800, $0x38;
	[tilespmem:$0x1FB80] =	vst v63  }
0xf7: {  	s24 =	sld [smem:$0x7F8]  }
0xf8: {  	[spmem:s23] =	stream.linear.scatter [tilespmem:s29], [sflag:$0xA], $0x800, $0x38;
	[tilespmem:$0x1FB80] =	vst v63  }
0xf9: {  	s26 =	sld [smem:$0x7F9]  }
0xfa: {  	[spmem:s24] =	stream.linear.scatter [tilespmem:s29], [sflag:$0xA], $0x800, $0x38;
	[tilespmem:$0x1FB80] =	vst v63  }
0xfb: {  	s23 =	sld [smem:$0x7FA]  }
0xfc: {  	[spmem:s26] =	stream.linear.scatter [tilespmem:s29], [sflag:$0xA], $0x800, $0x38;
	[tilespmem:$0x1FB80] =	vst v63  }
0xfd: {  	s24 =	sld [smem:$0x7FB]  }
0xfe: {  	[spmem:s23] =	stream.linear.scatter [tilespmem:s29], [sflag:$0xA], $0x800, $0x38;
	[tilespmem:$0x1FB80] =	vst v63  }
0xff: {  	_ = 	snop  }
0x100: {  	[spmem:s24] =	stream.linear.scatter [tilespmem:s29], [sflag:$0xA], $0x800, $0x38;
	[tilespmem:$0x1FB80] =	vst v63  }
0x101: {  	s21 =	simm.s32 @!p0 $0x8300  }
0x102: {  	[spmem:s25] =	stream.linear.scatter @!p0 [tilespmem:s21], [sflag:$0xA], $0x800, $0x38;
	[tilespmem:$0x1FB80] =	vst v63  }
0x103: {  	s26 =	sld [smem:$0x7FC]  }
0x104: {  	[tilespmem:s3], [sflag:$0x1] =	stream.linear.gather [hbm4b:s28+s3], $0x100, $0x38;
	[tilespmem:$0x1FB80] =	vst v63  }
0x105: {  	s23 =	sld [smem:$0x7FD]  }
0x106: {  	[tilespmem:s30], [sflag:$0x2] =	stream.linear.gather [hbm4b:s26+s3], $0x100, $0x38;
	[tilespmem:$0x1FB80] =	vst v63  }
0x107: {  	_ = 	snop  }
0x108: {  	[tilespmem:s31], [sflag:$0x3] =	stream.linear.gather [hbm4b:s23+s3], $0x100, $0x38;
	[tilespmem:$0x1FB80] =	vst v63  }
0x109: {  	_ =	swait.ge [sflag:s0], $0x100  }
0x10a: {  	[sflag:s0] =	ssyncset.done $0x0  }
0x10b: {  	[sflag:s0] =	ssyncadd.s32 $0xFFFFFF00  }
0x10c: {  	[tilespmem:s6], [sflag:$0x4] =	stream.indirect.gather [hbm4b:s1+s4], $0x80, s3, s4, $0xb8;
	[tilespmem:$0x1FB80] =	vst v63  }
0x10d: {  	_ =	swait.ge [sflag:s7], $0x100  }
0x10e: {  	[sflag:s7] =	ssyncset.done $0x0  }
0x10f: {  	[sflag:s7] =	ssyncadd.s32 $0xFFFFFF00  }
0x110: {  	[tilespmem:s8], [sflag:$0x5] =	stream.indirect.gather [hbm4b:s1+s4], $0x80, s30, s4, $0xb8;
	[tilespmem:$0x1FB80] =	vst v63  }
0x111: {  	_ =	swait.ge [sflag:s9], $0x800  }
0x112: {  	[sflag:s9] =	ssyncset.done $0x0  }
0x113: {  	[sflag:s9] =	ssyncadd.s32 $0xFFFFF800  }
0x114: {  	_ =	swait.ge [sflag:s9], $0x800  }
0x115: {  	[sflag:s9] =	ssyncset.done $0x0  }
0x116: {  	[sflag:s9] =	ssyncadd.s32 $0xFFFFF800  }
0x117: {  	_ =	swait.ge [sflag:s9], $0x800  }
0x118: {  	[sflag:s9] =	ssyncset.done $0x0  }
0x119: {  	[sflag:s9] =	ssyncadd.s32 $0xFFFFF800  }
0x11a: {  	_ =	swait.ge [sflag:s9], $0x800  }
0x11b: {  	[sflag:s9] =	ssyncset.done $0x0  }
0x11c: {  	[sflag:s9] =	ssyncadd.s32 $0xFFFFF800  }
0x11d: {  	_ =	swait.ge [sflag:s9], $0x800  }
0x11e: {  	[sflag:s9] =	ssyncset.done $0x0  }
0x11f: {  	[sflag:s9] =	ssyncadd.s32 $0xFFFFF800  }
0x120: {  	_ =	swait.ge [sflag:s9], $0x800  }
0x121: {  	[sflag:s9] =	ssyncset.done $0x0  }
0x122: {  	[sflag:s9] =	ssyncadd.s32 $0xFFFFF800  }
0x123: {  	_ =	swait.ge [sflag:s9], $0x800  }
0x124: {  	[sflag:s9] =	ssyncset.done $0x0  }
0x125: {  	[sflag:s9] =	ssyncadd.s32 $0xFFFFF800  }
0x126: {  	_ =	swait.ge [sflag:s9], $0x800  }
0x127: {  	[sflag:s9] =	ssyncset.done $0x0  }
0x128: {  	[sflag:s9] =	ssyncadd.s32 $0xFFFFF800  }
0x129: {  	_ =	swait.ge [sflag:s9], $0x800  }
0x12a: {  	[sflag:s9] =	ssyncset.done $0x0  }
0x12b: {  	[sflag:s9] =	ssyncadd.s32 $0xFFFFF800  }
0x12c: {  	_ =	swait.ge [sflag:s9], $0x800  }
0x12d: {  	[sflag:s9] =	ssyncset.done $0x0  }
0x12e: {  	[sflag:s9] =	ssyncadd.s32 $0xFFFFF800  }
0x12f: {  	_ =	swait.ge [sflag:s9], $0x800  }
0x130: {  	[sflag:s9] =	ssyncset.done $0x0  }
0x131: {  	[sflag:s9] =	ssyncadd.s32 $0xFFFFF800  }
0x132: {  	_ =	swait.ge [sflag:s9], $0x800  }
0x133: {  	[sflag:s9] =	ssyncset.done $0x0  }
0x134: {  	[sflag:s9] =	ssyncadd.s32 $0xFFFFF800  }
0x135: {  	_ =	swait.ge [sflag:s9], $0x800  }
0x136: {  	[sflag:s9] =	ssyncset.done $0x0  }
0x137: {  	[sflag:s9] =	ssyncadd.s32 $0xFFFFF800  }
0x138: {  	_ =	swait.ge [sflag:s9], $0x800  }
0x139: {  	[sflag:s9] =	ssyncset.done $0x0  }
0x13a: {  	[sflag:s9] =	ssyncadd.s32 $0xFFFFF800  }
0x13b: {  	_ =	swait.ge [sflag:s9], $0x800  }
0x13c: {  	[sflag:s9] =	ssyncset.done $0x0  }
0x13d: {  	[sflag:s9] =	ssyncadd.s32 $0xFFFFF800  }
0x13e: {  	_ =	swait.ge [sflag:s9], $0x800  }
0x13f: {  	[sflag:s9] =	ssyncset.done $0x0  }
0x140: {  	[sflag:s9] =	ssyncadd.s32 $0xFFFFF800  }
0x141: {  	_ =	swait.ge [sflag:s9], $0x800  }
0x142: {  	[sflag:s9] =	ssyncset.done $0x0  }
0x143: {  	[sflag:s9] =	ssyncadd.s32 $0xFFFFF800  }
0x144: {  	_ =	swait.ge [sflag:s9], $0x800  }
0x145: {  	[sflag:s9] =	ssyncset.done $0x0  }
0x146: {  	[sflag:s9] =	ssyncadd.s32 $0xFFFFF800  }
0x147: {  	_ =	swait.ge [sflag:s9], $0x800  }
0x148: {  	[sflag:s9] =	ssyncset.done $0x0  }
0x149: {  	[sflag:s9] =	ssyncadd.s32 $0xFFFFF800  }
0x14a: {  	_ =	swait.ge [sflag:s9], $0x800  }
0x14b: {  	[sflag:s9] =	ssyncset.done $0x0  }
0x14c: {  	[sflag:s9] =	ssyncadd.s32 $0xFFFFF800  }
0x14d: {  	_ =	swait.ge [sflag:s9], $0x800  }
0x14e: {  	[sflag:s9] =	ssyncset.done $0x0  }
0x14f: {  	[sflag:s9] =	ssyncadd.s32 $0xFFFFF800  }
0x150: {  	_ =	swait.ge [sflag:s9], $0x800  }
0x151: {  	[sflag:s9] =	ssyncset.done $0x0  }
0x152: {  	[sflag:s9] =	ssyncadd.s32 $0xFFFFF800  }
0x153: {  	_ =	swait.ge [sflag:s9], $0x800  }
0x154: {  	[sflag:s9] =	ssyncset.done $0x0  }
0x155: {  	[sflag:s9] =	ssyncadd.s32 $0xFFFFF800  }
0x156: {  	_ =	swait.ge [sflag:s9], $0x800  }
0x157: {  	[sflag:s9] =	ssyncset.done $0x0  }
0x158: {  	[sflag:s9] =	ssyncadd.s32 $0xFFFFF800  }
0x159: {  	_ =	swait.ge [sflag:s9], $0x800  }
0x15a: {  	[sflag:s9] =	ssyncset.done $0x0  }
0x15b: {  	[sflag:s9] =	ssyncadd.s32 $0xFFFFF800  }
0x15c: {  	_ =	swait.ge [sflag:s9], $0x800  }
0x15d: {  	[sflag:s9] =	ssyncset.done $0x0  }
0x15e: {  	[sflag:s9] =	ssyncadd.s32 $0xFFFFF800  }
0x15f: {  	_ =	swait.ge [sflag:s9], $0x800  }
0x160: {  	[sflag:s9] =	ssyncset.done $0x0  }
0x161: {  	[sflag:s9] =	ssyncadd.s32 $0xFFFFF800  }
0x162: {  	_ =	swait.ge [sflag:s9], $0x800  }
0x163: {  	[sflag:s9] =	ssyncset.done $0x0  }
0x164: {  	[sflag:s9] =	ssyncadd.s32 $0xFFFFF800  }
0x165: {  	_ =	swait.ge [sflag:s9], $0x800  }
0x166: {  	[sflag:s9] =	ssyncset.done $0x0  }
0x167: {  	[sflag:s9] =	ssyncadd.s32 $0xFFFFF800  }
0x168: {  	_ =	swait.ge [sflag:s9], $0x800  }
0x169: {  	[sflag:s9] =	ssyncset.done $0x0  }
0x16a: {  	[sflag:s9] =	ssyncadd.s32 $0xFFFFF800  }
0x16b: {  	_ =	swait.ge [sflag:s9], $0x800  }
0x16c: {  	[sflag:s9] =	ssyncset.done $0x0  }
0x16d: {  	[sflag:s9] =	ssyncadd.s32 $0xFFFFF800  }
0x16e: {  	_ =	swait.ge [sflag:s9], $0x800  }
0x16f: {  	[sflag:s9] =	ssyncset.done $0x0  }
0x170: {  	[sflag:s9] =	ssyncadd.s32 $0xFFFFF800  }
0x171: {  	_ =	swait.ge [sflag:s9], $0x800  }
0x172: {  	[sflag:s9] =	ssyncset.done $0x0  }
0x173: {  	[sflag:s9] =	ssyncadd.s32 $0xFFFFF800  }
0x174: {  	_ =	swait.ge [sflag:s9], $0x800  }
0x175: {  	[sflag:s9] =	ssyncset.done $0x0  }
0x176: {  	[sflag:s9] =	ssyncadd.s32 $0xFFFFF800  }
0x177: {  	_ =	swait.ge [sflag:s9], $0x800  }
0x178: {  	[sflag:s9] =	ssyncset.done $0x0  }
0x179: {  	[sflag:s9] =	ssyncadd.s32 $0xFFFFF800  }
0x17a: {  	_ =	swait.ge [sflag:s9], $0x800  }
0x17b: {  	[sflag:s9] =	ssyncset.done $0x0  }
0x17c: {  	[sflag:s9] =	ssyncadd.s32 $0xFFFFF800  }
0x17d: {  	_ =	swait.ge [sflag:s9], $0x800  }
0x17e: {  	[sflag:s9] =	ssyncset.done $0x0  }
0x17f: {  	[sflag:s9] =	ssyncadd.s32 $0xFFFFF800  }
0x180: {  	_ =	swait.ge [sflag:s9], $0x800  }
0x181: {  	[sflag:s9] =	ssyncset.done $0x0  }
0x182: {  	[sflag:s9] =	ssyncadd.s32 $0xFFFFF800  }
0x183: {  	_ =	swait.ge [sflag:s9], $0x800  }
0x184: {  	[sflag:s9] =	ssyncset.done $0x0  }
0x185: {  	s21 =	simm.s32 @!p0 $0xA;
	[sflag:s9] =	ssyncadd.s32 $0xFFFFF800  }
0x186: {  	_ =	swait.ge @!p0 [sflag:s21], $0x800  }
0x187: {  	[sflag:s21] =	ssyncset.done @!p0 $0x0  }
0x188: {  	[sflag:s21] =	ssyncadd.s32 @!p0 $0xFFFFF800  }
0x189: {  	[bflag:$0x0] =	sbarrier.arrive $0xFFFF  }
0x18a: {  	_ =	swait.ge [sflag:s10], $0x4000  }
0x18b: {  	[sflag:s10] =	ssyncset.done $0x0  }
0x18c: {  	[sflag:s10] =	ssyncadd.s32 $0xFFFFC000  }
0x18d: {  	[spmem:s2] =	stream.indirect.scatter.add.f32 [tilespmem:s6], [sflag:$0x7], $0x80, s4, s4, $0xb8;
	[tilespmem:$0x1FB80] =	vst v63  }
0x18e: {  	_ =	swait.ge [sflag:s11], $0x4000  }
0x18f: {  	s24 =	sadd.s32 $0xFFFED400, s22;
	[sflag:s11] =	ssyncset.done $0x0  }
0x190: {  	s23 =	sadd.s32 $0x13800, s24;
	[sflag:s11] =	ssyncadd.s32 $0xFFFFC000  }
0x191: {  	[tilespmem:s3], [sflag:$0x1] =	stream.linear.gather [hbm4b:s23+s3], $0x100, $0x38;
	[tilespmem:$0x1FB80] =	vst v63  }
0x192: {  	_ =	swait.ge [sflag:s12], $0x100  }
0x193: {  	[sflag:s12] =	ssyncset.done $0x0  }
0x194: {  	[sflag:s12] =	ssyncadd.s32 $0xFFFFFF00  }
0x195: {  	[tilespmem:s29], [sflag:$0x6] =	stream.indirect.gather [hbm4b:s1+s4], $0x80, s31, s4, $0xb8;
	[tilespmem:$0x1FB80] =	vst v63  }
0x196: {  	_ =	swait.ge [sflag:s13], $0x4000  }
0x197: {  	[sflag:s13] =	ssyncset.done $0x0  }
0x198: {  	[sflag:s13] =	ssyncadd.s32 $0xFFFFC000  }
0x199: {  	[spmem:s2] =	stream.indirect.scatter.add.f32 [tilespmem:s8], [sflag:$0x8], $0x80, s14, s4, $0xb8;
	[tilespmem:$0x1FB80] =	vst v63  }
0x19a: {  	_ =	swait.ge [sflag:s15], $0x4000  }
0x19b: {  	[sflag:s15] =	ssyncset.done $0x0  }
0x19c: {  	s26 =	sadd.s32 $0x13C00, s24;
	[sflag:s15] =	ssyncadd.s32 $0xFFFFC000  }
0x19d: {  	[tilespmem:s30], [sflag:$0x2] =	stream.linear.gather [hbm4b:s26+s3], $0x100, $0x38;
	[tilespmem:$0x1FB80] =	vst v63  }
0x19e: {  	_ =	swait.ge [sflag:s0], $0x100  }
0x19f: {  	[sflag:s0] =	ssyncset.done $0x0  }
0x1a0: {  	[sflag:s0] =	ssyncadd.s32 $0xFFFFFF00  }
0x1a1: {  	[tilespmem:s6], [sflag:$0x4] =	stream.indirect.gather [hbm4b:s1+s4], $0x80, s3, s4, $0xb8;
	[tilespmem:$0x1FB80] =	vst v63  }
0x1a2: {  	_ =	swait.ge [sflag:s17], $0x4000  }
0x1a3: {  	[sflag:s17] =	ssyncset.done $0x0  }
0x1a4: {  	[sflag:s17] =	ssyncadd.s32 $0xFFFFC000  }
0x1a5: {  	[spmem:s2] =	stream.indirect.scatter.add.f32 [tilespmem:s29], [sflag:$0x9], $0x80, s16, s4, $0xb8;
	[tilespmem:$0x1FB80] =	vst v63  }
0x1a6: {  	_ =	swait.ge [sflag:s18], $0x4000  }
0x1a7: {  	[sflag:s18] =	ssyncset.done $0x0  }
0x1a8: {  	s21 =	sadd.s32 $0x14000, s24;
	[sflag:s18] =	ssyncadd.s32 $0xFFFFC000  }
0x1a9: {  	[tilespmem:s31], [sflag:$0x3] =	stream.linear.gather [hbm4b:s21+s3], $0x100, $0x38;
	[tilespmem:$0x1FB80] =	vst v63  }
0x1aa: {  	_ =	swait.ge [sflag:s7], $0x100  }
0x1ab: {  	[sflag:s7] =	ssyncset.done $0x0  }
0x1ac: {  	[sflag:s7] =	ssyncadd.s32 $0xFFFFFF00  }
0x1ad: {  	[tilespmem:s8], [sflag:$0x5] =	stream.indirect.gather [hbm4b:s1+s4], $0x80, s30, s4, $0xb8;
	[tilespmem:$0x1FB80] =	vst v63  }
0x1ae: {  	_ =	swait.ge [sflag:s10], $0x4000  }
0x1af: {  	[sflag:s10] =	ssyncset.done $0x0  }
0x1b0: {  	s21 =	simm.s32 $0xFFFEE000;
	[sflag:s10] =	ssyncadd.s32 $0xFFFFC000  }
.LBB2_2:
0x1b1: {  	[spmem:s2] =	stream.indirect.scatter.add.f32 [tilespmem:s6], [sflag:$0x7], $0x80, s4, s4, $0xb8;
	[tilespmem:$0x1FB80] =	vst v63  }
0x1b2: {  	s23 =	smov.u32 s21  }
0x1b3: {  	p2 =	sne.s32 s21, $0xFFFFF400;
	s21 =	sadd.s32 $0xC00, s21;
	_ =	swait.ge [sflag:s11], $0x4000  }
0x1b4: {  	s23 =	sadd.s32 s23, s22;
	[sflag:s11] =	ssyncset.done $0x0  }
0x1b5: {  	s24 =	sadd.s32 $0x13800, s23;
	[sflag:s11] =	ssyncadd.s32 $0xFFFFC000  }
0x1b6: {  	[tilespmem:s3], [sflag:$0x1] =	stream.linear.gather [hbm4b:s24+s3], $0x100, $0x38;
	[tilespmem:$0x1FB80] =	vst v63  }
0x1b7: {  	_ =	swait.ge [sflag:s12], $0x100  }
0x1b8: {  	[sflag:s12] =	ssyncset.done $0x0  }
0x1b9: {  	[sflag:s12] =	ssyncadd.s32 $0xFFFFFF00  }
0x1ba: {  	[tilespmem:s29], [sflag:$0x6] =	stream.indirect.gather [hbm4b:s1+s4], $0x80, s31, s4, $0xb8;
	[tilespmem:$0x1FB80] =	vst v63  }
0x1bb: {  	_ =	swait.ge [sflag:s13], $0x4000  }
0x1bc: {  	[sflag:s13] =	ssyncset.done $0x0  }
0x1bd: {  	[sflag:s13] =	ssyncadd.s32 $0xFFFFC000  }
0x1be: {  	[spmem:s2] =	stream.indirect.scatter.add.f32 [tilespmem:s8], [sflag:$0x8], $0x80, s14, s4, $0xb8;
	[tilespmem:$0x1FB80] =	vst v63  }
0x1bf: {  	_ =	swait.ge [sflag:s15], $0x4000  }
0x1c0: {  	[sflag:s15] =	ssyncset.done $0x0  }
0x1c1: {  	s24 =	sadd.s32 $0x13C00, s23;
	[sflag:s15] =	ssyncadd.s32 $0xFFFFC000  }
0x1c2: {  	[tilespmem:s30], [sflag:$0x2] =	stream.linear.gather [hbm4b:s24+s3], $0x100, $0x38;
	[tilespmem:$0x1FB80] =	vst v63  }
0x1c3: {  	_ =	swait.ge [sflag:s0], $0x100  }
0x1c4: {  	[sflag:s0] =	ssyncset.done $0x0  }
0x1c5: {  	[sflag:s0] =	ssyncadd.s32 $0xFFFFFF00  }
0x1c6: {  	[tilespmem:s6], [sflag:$0x4] =	stream.indirect.gather [hbm4b:s1+s4], $0x80, s3, s4, $0xb8;
	[tilespmem:$0x1FB80] =	vst v63  }
0x1c7: {  	_ =	swait.ge [sflag:s17], $0x4000  }
0x1c8: {  	[sflag:s17] =	ssyncset.done $0x0  }
0x1c9: {  	[sflag:s17] =	ssyncadd.s32 $0xFFFFC000  }
0x1ca: {  	[spmem:s2] =	stream.indirect.scatter.add.f32 [tilespmem:s29], [sflag:$0x9], $0x80, s16, s4, $0xb8;
	[tilespmem:$0x1FB80] =	vst v63  }
0x1cb: {  	_ =	swait.ge [sflag:s18], $0x4000  }
0x1cc: {  	[sflag:s18] =	ssyncset.done $0x0  }
0x1cd: {  	s23 =	sadd.s32 $0x14000, s23;
	[sflag:s18] =	ssyncadd.s32 $0xFFFFC000  }
0x1ce: {  	[tilespmem:s31], [sflag:$0x3] =	stream.linear.gather [hbm4b:s23+s3], $0x100, $0x38;
	[tilespmem:$0x1FB80] =	vst v63  }
0x1cf: {  	_ =	swait.ge [sflag:s7], $0x100  }
0x1d0: {  	[sflag:s7] =	ssyncset.done $0x0  }
.Ltmp0:
0x1d1: {  	[sflag:s7] =	ssyncadd.s32 $0xFFFFFF00;
	(pc) =	sbr.rel @p2 .LBB2_2-.Ltmp0, $4  }
0x1d2: {  	[tilespmem:s8], [sflag:$0x5] =	stream.indirect.gather [hbm4b:s1+s4], $0x80, s30, s4, $0xb8;
	[tilespmem:$0x1FB80] =	vst v63  }
0x1d3: {  	_ =	swait.ge [sflag:s10], $0x4000  }
0x1d4: {  	[sflag:s10] =	ssyncset.done $0x0  }
0x1d5: {  	[sflag:s10] =	ssyncadd.s32 $0xFFFFC000  }
0x1d6: {  	[spmem:s2] =	stream.indirect.scatter.add.f32 [tilespmem:s6], [sflag:$0x7], $0x80, s4, s4, $0xb8;
	[tilespmem:$0x1FB80] =	vst v63  }
0x1d7: {  	_ =	swait.ge [sflag:s12], $0x100  }
0x1d8: {  	[sflag:s12] =	ssyncset.done $0x0  }
0x1d9: {  	[sflag:s12] =	ssyncadd.s32 $0xFFFFFF00  }
0x1da: {  	[tilespmem:s29], [sflag:$0x6] =	stream.indirect.gather [hbm4b:s1+s4], $0x80, s31, s4, $0xb8;
	[tilespmem:$0x1FB80] =	vst v63  }
0x1db: {  	_ =	swait.ge [sflag:s13], $0x4000  }
0x1dc: {  	[sflag:s13] =	ssyncset.done $0x0  }
0x1dd: {  	[sflag:s13] =	ssyncadd.s32 $0xFFFFC000  }
0x1de: {  	[spmem:s2] =	stream.indirect.scatter.add.f32 [tilespmem:s8], [sflag:$0x8], $0x80, s14, s4, $0xb8;
	[tilespmem:$0x1FB80] =	vst v63  }
0x1df: {  	_ =	swait.ge [sflag:s17], $0x4000  }
0x1e0: {  	[sflag:s17] =	ssyncset.done $0x0  }
0x1e1: {  	[sflag:s17] =	ssyncadd.s32 $0xFFFFC000  }
0x1e2: {  	[spmem:s2] =	stream.indirect.scatter.add.f32 [tilespmem:s29], [sflag:$0x9], $0x80, s16, s4, $0xb8;
	[tilespmem:$0x1FB80] =	vst v63  }
0x1e3: {  	_ =	swait.ge [sflag:s18], $0x4000  }
0x1e4: {  	[sflag:s18] =	ssyncset.done $0x0  }
0x1e5: {  	[sflag:s18] =	ssyncadd.s32 $0xFFFFC000  }
0x1e6: {  	_ =	swait.ge [sflag:s15], $0x4000  }
0x1e7: {  	[sflag:s15] =	ssyncset.done $0x0  }
0x1e8: {  	[sflag:s15] =	ssyncadd.s32 $0xFFFFC000  }
0x1e9: {  	_ =	swait.ge [sflag:s11], $0x4000  }
0x1ea: {  	[sflag:s11] =	ssyncset.done $0x0  }
0x1eb: {  	s21 =	simm.s32 @!p1 $0x0;
	s23 =	rddreg [dreg:$0x14];
	[sflag:s11] =	ssyncadd.s32 $0xFFFFC000  }
0x1ec: {  	[tilespmem:s21], [sflag:$0xB] =	stream.linear.gather @!p1 [hbm4b:s23+s21], $0x100, $0x38;
	[tilespmem:$0x1FB80] =	vst v63  }
0x1ed: {  	s23 =	simm.s32 @!p1 $0xB  }
0x1ee: {  	_ =	swait.ge @!p1 [sflag:s23], $0x100  }
0x1ef: {  	[sflag:s23] =	ssyncset.done @!p1 $0x0  }
0x1f0: {  	s24 =	simm.s32 @!p1 $0x80;
	s26 =	simm.s32 @!p1 $0x300;
	[sflag:s23] =	ssyncadd.s32 @!p1 $0xFFFFFF00  }
0x1f1: {  	[tilespmem:s26], [sflag:$0x4] =	stream.indirect.gather @!p1 [hbm4b:s1+s24], $0x80, s21, s24, $0xb8;
	[tilespmem:$0x1FB80] =	vst v63  }
0x1f2: {  	s21 =	simm.s32 @!p1 $0x4  }
0x1f3: {  	_ =	swait.ge @!p1 [sflag:s21], $0x4000  }
0x1f4: {  	[sflag:s21] =	ssyncset.done @!p1 $0x0  }
0x1f5: {  	[sflag:s21] =	ssyncadd.s32 @!p1 $0xFFFFC000  }
0x1f6: {  	[spmem:s2] =	stream.indirect.scatter.add.f32 @!p1 [tilespmem:s26], [sflag:$0xB], $0x80, s24, s24, $0xb8;
	[tilespmem:$0x1FB80] =	vst v63  }
0x1f7: {  	_ =	swait.ge @!p1 [sflag:s23], $0x4000  }
0x1f8: {  	[sflag:s23] =	ssyncset.done @!p1 $0x0  }
0x1f9: {  	[sflag:s23] =	ssyncadd.s32 @!p1 $0xFFFFC000;
	s23 =	stileid.u32  }
0x1fa: {  	s21 =	sshll.u32 s23, $0x6;
	[bflag:$0x0] =	sbarrier.arrive $0xFFFF  }
0x1fb: {  	s24 =	sshrl.u32 s5, $0x3;
	s21 =	sor.u32 $0x1C0B, s21;
	s26 =	rddreg [dreg:$0x11]  }
0x1fc: {  	[hbm:s26], [sflag:s21] =	dma.local [spmem:s24], $0x2700  }
0x1fd: {  	_ =	swait.ge [sflag:s19], $0x2700  }
0x1fe: {  	[sflag:s19] =	ssyncset.done $0x0  }
0x1ff: {  	s23 =	sshrl.u32 @!p0 s25, $0x3;
	s24 =	rddreg [dreg:$0x15];
	[sflag:s19] =	ssyncadd.s32 $0xFFFFD900  }
0x200: {  	[hbm:s24], [sflag:s21] =	dma.local @!p0 [spmem:s23], $0x100  }
0x201: {  	s21 =	simm.s32 @!p0 $0xB  }
0x202: {  	_ =	swait.ge @!p0 [sflag:s21], $0x100  }
0x203: {  	s20 =	sadd.s32 $0x1, s20;
	s26 =	rddreg [dreg:$0x16]  }
0x204: {  	p2 =	sne.s32 s20, s26  }
.Ltmp1:
0x205: {  	_ = 	snop;
	(pc) =	sbr.rel @p2 .LBB2_1-.Ltmp1, $3  }
0x206: {  	_ =	sdelay $0x1  }
0x207: {  	[sflag:s21] =	ssyncset.done @!p0 $0x0  }
0x208: {  	[sflag:s21] =	ssyncadd.s32 @!p0 $0xFFFFFF00  }
0x209: {  	_ =	sfence.sel $0x180000  }
0x20a: {  	[bflag:$0x0] =	sbarrier.arrive $0xFFFF  }
0x20b: {  	_ =	strace $0x90000047  }
0x20c: {  	[bflag:$0x2] =	sbarrier.arrive $0xFFFF  }
0x20d: {  	s0 =	rddreg [dreg:$0x4]  }
0x20e: {  	s0 =	sadd.s32 @!p0 $0x100000, s0  }
0x20f: {  	[sflag:s0] =	ssyncadd.tile.s32 @!p0 $0x1;
	_ =	shalt  }
.Lfunc_end2:
_tile_overlayer_lowered:
.L_overlay_start_2:
0x210: {  	(tag) =	ssettag $0x2  }
0x211: {  	s0 =	rddreg [dreg:$0x0];
	s2 =	stileid.u32  }
0x212: {  	s1 =	rddreg [dreg:$0x1];
	p0 =	sne.s32 s2, $0x0  }
0x213: {  	s3 =	rddreg [dreg:$0x2];
	[bflag:$0x3] =	sbarrier.arrive $0xFFFF;
	s2 =	simm.s32 @!p0 $0x1C0B  }
0x214: {  	[timem:s3], [sflag:s2] =	dma.local @!p0 [hbm:s0], s1  }
0x215: {  	s0 =	simm.s32 @!p0 $0xB  }
0x216: {  	_ =	swait.ge @!p0 [sflag:s0], s1  }
0x217: {  	s1 =	ssub.s32 @!p0 $0x0, s1;
	[sflag:s0] =	ssyncset.done @!p0 $0x0  }
0x218: {  	[sflag:s0] =	ssyncadd.s32 @!p0 s1  }
0x219: {  	[bflag:$0x3] =	sbarrier.arrive $0xFFFF  }
0x21a: {  	_ =	shalt  }

</sc_bundles>
